<compile_context>
chip_gen: v7x
topology: tpu7x:2x2x1
jax: 0.10.2.dev20260603
libtpu: 0.0.44.dev20260713+nightly
codegen_flags: <defaults>
</compile_context>

<pallas_src>
import functools

import jax
import jax.numpy as jnp
from jax import lax
from jax.experimental import pallas as pl
from jax.experimental.pallas import tpu as pltpu
from jax.experimental.pallas import tpu_sc as plsc

_EPS = 1e-5
_L = 16


def _deg_body(NP, EW, NC, src_hbm, dst_hbm, ho_hbm, hi_hbm, idx_v, hist_o, hist_i):
    wid = lax.axis_index("s") * NC + lax.axis_index("c")
    zeros = jnp.zeros((_L,), jnp.float32)
    ones = jnp.full((_L,), 1.0, jnp.float32)

    def zero_body(i, carry):
        hist_o[pl.ds(i * _L, _L)] = zeros
        hist_i[pl.ds(i * _L, _L)] = zeros
        return carry

    lax.fori_loop(0, NP // _L, zero_body, 0)

    base = wid * EW
    pltpu.sync_copy(src_hbm.at[pl.ds(base, EW)], idx_v)

    def add_o(i, carry):
        plsc.addupdate_scatter(hist_o, [idx_v[pl.ds(i * _L, _L)]], ones)
        return carry

    lax.fori_loop(0, EW // _L, add_o, 0)

    pltpu.sync_copy(dst_hbm.at[pl.ds(base, EW)], idx_v)

    def add_i(i, carry):
        plsc.addupdate_scatter(hist_i, [idx_v[pl.ds(i * _L, _L)]], ones)
        return carry

    lax.fori_loop(0, EW // _L, add_i, 0)

    pltpu.sync_copy(hist_o, ho_hbm.at[wid])
    pltpu.sync_copy(hist_i, hi_hbm.at[wid])


def _proj_body(x_ref, w1c_ref, ho_ref, hi_ref, t_ref, no_ref, ni_ref):
    t_ref[...] = jnp.dot(x_ref[...], w1c_ref[...],
                         preferred_element_type=jnp.float32)
    no_ref[...] = lax.rsqrt(jnp.maximum(jnp.sum(ho_ref[...], axis=0), 1.0))
    ni_ref[...] = lax.rsqrt(jnp.maximum(jnp.sum(hi_ref[...], axis=0), 1.0))


def _gather_body(NP, EW, NC, CH, H,
                 t_hbm, no_hbm, ni_hbm, src_hbm, dst_hbm,
                 g_hbm, en_hbm,
                 sidx, didx, no_tab, ni_tab,
                 ts0, td0, ts1, td1, gb0, gb1, enbuf,
                 sem0, sem1, sems0, sems1):
    wid = lax.axis_index("s") * NC + lax.axis_index("c")
    base = wid * EW
    pltpu.sync_copy(no_hbm, no_tab)
    pltpu.sync_copy(ni_hbm, ni_tab)
    pltpu.sync_copy(src_hbm.at[pl.ds(base, EW)], sidx.at[pl.ds(0, EW)])
    pltpu.sync_copy(dst_hbm.at[pl.ds(base, EW)], didx.at[pl.ds(0, EW)])
    zeros16 = jnp.zeros((_L,), jnp.int32)
    sidx[pl.ds(EW, _L)] = zeros16
    didx[pl.ds(EW, _L)] = zeros16

    nfull = EW // CH
    last = nfull - 1

    def issue(c, ts, td, sem):
        off = c * CH
        pltpu.async_copy(t_hbm.at[sidx.at[pl.ds(off, CH)]], ts, sem)
        pltpu.async_copy(t_hbm.at[didx.at[pl.ds(off, CH)]], td, sem)

    def process(c, ts, td, gb, sem, sems, wait_store):
        off = c * CH
        pltpu.make_async_copy(t_hbm.at[sidx.at[pl.ds(off, CH)]], ts, sem).wait()
        pltpu.make_async_copy(t_hbm.at[didx.at[pl.ds(off, CH)]], td, sem).wait()
        if wait_store:
            pltpu.make_async_copy(gb, g_hbm.at[pl.ds(base + off, CH)],
                                  sems).wait()

        def row(i, carry):
            for k in range(H // _L):
                sl = pl.ds(k * _L, _L)
                sh = pl.ds(H + k * _L, _L)
                gb[i, sl] = ts[i, sl]
                gb[i, sh] = td[i, sh]
            return carry

        lax.fori_loop(0, CH, row, 0)

        for k in range(CH // _L):
            s16 = sidx[pl.ds(off + k * _L, _L)]
            d16 = didx[pl.ds(off + k * _L, _L)]
            en16 = plsc.load_gather(no_tab, [s16]) * plsc.load_gather(ni_tab, [d16])
            enbuf[pl.ds(off + k * _L, _L)] = en16

        pltpu.async_copy(gb, g_hbm.at[pl.ds(base + off, CH)], sems)

    issue(0, ts0, td0, sem0)
    issue(1, ts1, td1, sem1)
    process(0, ts0, td0, gb0, sem0, sems0, False)
    issue(2, ts0, td0, sem0)
    process(1, ts1, td1, gb1, sem1, sems1, False)

    npair = (nfull + 1) // 2 + 1

    def pair(cc, carry):
        c1 = jnp.minimum(2 * cc + 1, last)
        c2 = jnp.minimum(2 * cc + 2, last)
        c0 = jnp.minimum(2 * cc, last)
        issue(c1, ts1, td1, sem1)
        process(c0, ts0, td0, gb0, sem0, sems0, True)
        issue(c2, ts0, td0, sem0)
        process(c1, ts1, td1, gb1, sem1, sems1, True)
        return carry

    lax.fori_loop(1, npair, pair, 0)
    process(last, ts0, td0, gb0, sem0, sems0, True)
    pltpu.make_async_copy(gb0, g_hbm.at[pl.ds(base + last * CH, CH)],
                          sems0).wait()
    pltpu.make_async_copy(gb1, g_hbm.at[pl.ds(base + last * CH, CH)],
                          sems1).wait()

    tail = EW - nfull * CH
    if tail:
        toff = nfull * CH
        pltpu.async_copy(t_hbm.at[sidx.at[pl.ds(toff, tail)]],
                         ts0.at[pl.ds(0, tail)], sem0).wait()
        pltpu.async_copy(t_hbm.at[didx.at[pl.ds(toff, tail)]],
                         td0.at[pl.ds(0, tail)], sem0).wait()

        def trow(i, carry):
            for k in range(H // _L):
                sl = pl.ds(k * _L, _L)
                sh = pl.ds(H + k * _L, _L)
                gb0[i, sl] = ts0[i, sl]
                gb0[i, sh] = td0[i, sh]
            return carry

        lax.fori_loop(0, tail, trow, 0)
        for k in range(-(-tail // _L)):
            s16 = sidx[pl.ds(toff + k * _L, _L)]
            d16 = didx[pl.ds(toff + k * _L, _L)]
            en16 = plsc.load_gather(no_tab, [s16]) * plsc.load_gather(ni_tab, [d16])
            enbuf[pl.ds(toff + k * _L, _L)] = en16
        pltpu.sync_copy(gb0.at[pl.ds(0, tail)],
                        g_hbm.at[pl.ds(base + toff, tail)])

    pltpu.sync_copy(enbuf.at[pl.ds(0, EW)], en_hbm.at[pl.ds(base, EW)])


def _tdot(a, b):
    return lax.dot_general(a, b, (((0,), (0,)), ((), ())),
                           preferred_element_type=jnp.float32)


def _mlp_body(g_ref, gate_ref, en_ref, wc_ref, b1c_ref, vv1_ref, g1_ref,
              be1_ref, w2c_ref, b2c_ref, vv2_ref, g2_ref, be2_ref, w3_ref,
              b3_ref, adj_ref):
    g = g_ref[...]
    c = lax.dot_general(wc_ref[...], g, (((0,), (1,)), ((), ())),
                        preferred_element_type=jnp.float32) + b1c_ref[...]
    v = _tdot(vv1_ref[...], c * c)
    h = c * lax.rsqrt(v + _EPS) * g1_ref[...] + be1_ref[...]
    h = jnp.maximum(h, 0.0)
    c2 = _tdot(w2c_ref[...], h) + b2c_ref[...]
    v2 = _tdot(vv2_ref[...], c2 * c2)
    h2 = c2 * lax.rsqrt(v2 + _EPS) * g2_ref[...] + be2_ref[...]
    h2 = jnp.maximum(h2, 0.0)
    w = _tdot(w3_ref[...], h2) + b3_ref[...]
    adj_ref[...] = jax.nn.sigmoid(gate_ref[...] + w) * en_ref[...]


def kernel(node_embeddings, edge_index, W1, b1, g1, be1, W2, b2, g2, be2, W3, b3):
    N, D = node_embeddings.shape
    E = edge_index.shape[1]
    H = W1.shape[1]
    H2 = W2.shape[1]
    info = plsc.get_sparse_core_info()
    NC, NS = info.num_cores, info.num_subcores
    NW = NC * NS
    EW = E // NW
    RB = 1024
    NP = -(-N // RB) * RB
    CH = 96

    noise = jax.random.uniform(jax.random.key(42), (E,), dtype=jnp.float32,
                               minval=1e-6, maxval=1.0 - 1e-6)
    gate = jnp.log(noise) - jnp.log(1.0 - noise)

    W1c = jnp.concatenate([W1[:D], W1[D:]], axis=1)
    C1 = jnp.eye(H, dtype=jnp.float32) - jnp.full((H, H), 1.0 / H, jnp.float32)
    Wc = jnp.concatenate([C1, C1], axis=0)
    b1c = (b1 - jnp.mean(b1)).reshape(1, H)
    vv1 = jnp.full((H, 1), 1.0 / H, jnp.float32)
    C2 = jnp.eye(H2, dtype=jnp.float32) - jnp.full((H2, H2), 1.0 / H2, jnp.float32)
    W2c = W2 @ C2
    b2c = (b2 - jnp.mean(b2)).reshape(1, H2)
    vv2 = jnp.full((H2, 1), 1.0 / H2, jnp.float32)

    mesh = plsc.VectorSubcoreMesh(core_axis_name="c", subcore_axis_name="s")
    ho, hi = pl.kernel(
        functools.partial(_deg_body, NP, EW, NC),
        out_type=[jax.ShapeDtypeStruct((NW, NP), jnp.float32),
                  jax.ShapeDtypeStruct((NW, NP), jnp.float32)],
        mesh=mesh,
        scratch_types=[pltpu.VMEM((EW,), jnp.int32),
                       pltpu.VMEM((NP,), jnp.float32),
                       pltpu.VMEM((NP,), jnp.float32)],
        compiler_params=pltpu.CompilerParams(needs_layout_passes=False),
    )(edge_index[0], edge_index[1])

    t_tab, no2, ni2 = pl.pallas_call(
        _proj_body,
        grid=(NP // RB,),
        in_specs=[
            pl.BlockSpec((RB, D), lambda i: (i, 0)),
            pl.BlockSpec((D, 2 * H), lambda i: (0, 0)),
            pl.BlockSpec((NW, RB // 128, 128), lambda i: (0, i, 0)),
            pl.BlockSpec((NW, RB // 128, 128), lambda i: (0, i, 0)),
        ],
        out_specs=[
            pl.BlockSpec((RB, 2 * H), lambda i: (i, 0)),
            pl.BlockSpec((RB // 128, 128), lambda i: (i, 0)),
            pl.BlockSpec((RB // 128, 128), lambda i: (i, 0)),
        ],
        out_shape=[jax.ShapeDtypeStruct((NP, 2 * H), jnp.float32),
                   jax.ShapeDtypeStruct((NP // 128, 128), jnp.float32),
                   jax.ShapeDtypeStruct((NP // 128, 128), jnp.float32)],
    )(node_embeddings, W1c,
      ho.reshape(NW, NP // 128, 128), hi.reshape(NW, NP // 128, 128))

    g_rows, en = pl.kernel(
        functools.partial(_gather_body, NP, EW, NC, CH, H),
        out_type=[jax.ShapeDtypeStruct((E, 2 * H), jnp.float32),
                  jax.ShapeDtypeStruct((E,), jnp.float32)],
        mesh=mesh,
        scratch_types=[pltpu.VMEM((EW + _L,), jnp.int32),
                       pltpu.VMEM((EW + _L,), jnp.int32),
                       pltpu.VMEM((NP,), jnp.float32),
                       pltpu.VMEM((NP,), jnp.float32),
                       pltpu.VMEM((CH, 2 * H), jnp.float32),
                       pltpu.VMEM((CH, 2 * H), jnp.float32),
                       pltpu.VMEM((CH, 2 * H), jnp.float32),
                       pltpu.VMEM((CH, 2 * H), jnp.float32),
                       pltpu.VMEM((CH, 2 * H), jnp.float32),
                       pltpu.VMEM((CH, 2 * H), jnp.float32),
                       pltpu.VMEM((EW + _L,), jnp.float32),
                       pltpu.SemaphoreType.DMA,
                       pltpu.SemaphoreType.DMA,
                       pltpu.SemaphoreType.DMA,
                       pltpu.SemaphoreType.DMA],
        compiler_params=pltpu.CompilerParams(needs_layout_passes=False),
    )(t_tab, no2.reshape(NP), ni2.reshape(NP), edge_index[0], edge_index[1])

    BE = 6400
    adj = pl.pallas_call(
        _mlp_body,
        grid=(E // BE,),
        in_specs=[
            pl.BlockSpec((BE, 2 * H), lambda i: (i, 0)),
            pl.BlockSpec((1, BE), lambda i: (0, i)),
            pl.BlockSpec((1, BE), lambda i: (0, i)),
            pl.BlockSpec((2 * H, H), lambda i: (0, 0)),
            pl.BlockSpec((H, 1), lambda i: (0, 0)),
            pl.BlockSpec((H, 1), lambda i: (0, 0)),
            pl.BlockSpec((H, 1), lambda i: (0, 0)),
            pl.BlockSpec((H, 1), lambda i: (0, 0)),
            pl.BlockSpec((H, H2), lambda i: (0, 0)),
            pl.BlockSpec((H2, 1), lambda i: (0, 0)),
            pl.BlockSpec((H2, 1), lambda i: (0, 0)),
            pl.BlockSpec((H2, 1), lambda i: (0, 0)),
            pl.BlockSpec((H2, 1), lambda i: (0, 0)),
            pl.BlockSpec((H2, 1), lambda i: (0, 0)),
            pl.BlockSpec((1, 1), lambda i: (0, 0)),
        ],
        out_specs=pl.BlockSpec((1, BE), lambda i: (0, i)),
        out_shape=jax.ShapeDtypeStruct((1, E), jnp.float32),
    )(g_rows, gate.reshape(1, E), en.reshape(1, E),
      Wc, b1c.reshape(H, 1), vv1, g1.reshape(H, 1), be1.reshape(H, 1),
      W2c, b2c.reshape(H2, 1), vv2, g2.reshape(H2, 1), be2.reshape(H2, 1),
      W3, b3.reshape(1, 1))

    return adj.reshape(E)

# --- scband reference (transcript-rebuilt; emitter-appended) ---
"""Pipeline reference for scband-edge-mask-25159918420540 (READ-ONLY COPY).

The authoritative reference and input builder live on the scoring server;
editing this copy changes nothing except your own understanding.
"""

import jax, jax.numpy as jnp
import numpy as np

N = 10000
E = 320000
D = 128
H = 64  # n_hidden
EPS = 1e-5


def layer_norm(h, gamma, beta):
    mean = jnp.mean(h, axis=-1, keepdims=True)
    var = jnp.mean((h - mean) ** 2, axis=-1, keepdims=True)
    return (h - mean) / jnp.sqrt(var + EPS) * gamma + beta


def setup_inputs(seed: int = 0) -> dict:
    key = jax.random.key(seed)
    ks = jax.random.split(key, 10)
    x = jax.random.normal(ks[0], (N, D), dtype=jnp.float32)
    edge_index = jax.random.randint(ks[1], (2, E), 0, N, dtype=jnp.int32)
    # MLP: Linear(2D->H), LN(H), relu ; Linear(H->H//2), LN(H//2), relu ; Linear(H//2->1)
    W1 = jax.random.normal(ks[2], (2 * D, H), dtype=jnp.float32) / np.sqrt(2 * D)
    b1 = jnp.zeros((H,), dtype=jnp.float32)
    g1 = jnp.ones((H,), dtype=jnp.float32)
    be1 = jnp.zeros((H,), dtype=jnp.float32)
    W2 = jax.random.normal(ks[3], (H, H // 2), dtype=jnp.float32) / np.sqrt(H)
    b2 = jnp.zeros((H // 2,), dtype=jnp.float32)
    g2 = jnp.ones((H // 2,), dtype=jnp.float32)
    be2 = jnp.zeros((H // 2,), dtype=jnp.float32)
    W3 = jax.random.normal(ks[4], (H // 2, 1), dtype=jnp.float32) / np.sqrt(H // 2)
    b3 = jnp.zeros((1,), dtype=jnp.float32)
    return {"node_embeddings": x, "edge_index": edge_index,
            "W1": W1, "b1": b1, "g1": g1, "be1": be1,
            "W2": W2, "b2": b2, "g2": g2, "be2": be2,
            "W3": W3, "b3": b3}


def reference(node_embeddings, edge_index, W1, b1, g1, be1, W2, b2, g2, be2, W3, b3):
    src = edge_index[0]
    dst = edge_index[1]
    # compute_adj: concat src||dst embeddings per edge (gather)
    edge_emb = jnp.concatenate([jnp.take(node_embeddings, src, axis=0),
                                jnp.take(node_embeddings, dst, axis=0)], axis=1)
    # edge MLP with layernorm + relu (eval mode, dropout=0)
    h = edge_emb @ W1 + b1
    h = jax.nn.relu(layer_norm(h, g1, be1))
    h = h @ W2 + b2
    h = jax.nn.relu(layer_norm(h, g2, be2))
    edge_weight = (h @ W3 + b3).reshape(-1)
    # concrete relaxation (bias=0.0, beta=1.0)
    noise = jax.random.uniform(jax.random.key(42), (E,), dtype=jnp.float32,
                               minval=1e-6, maxval=1.0 - 1e-6)
    gate_inputs = jnp.log(noise) - jnp.log(1.0 - noise)
    mask = jax.nn.sigmoid((gate_inputs + edge_weight) / 1.0)
    # symmetric normalized adjacency weights: out_norm[src] * in_norm[dst]
    out_deg = jnp.clip(jnp.bincount(src, length=N).astype(jnp.float32), 1.0, None)
    in_deg = jnp.clip(jnp.bincount(dst, length=N).astype(jnp.float32), 1.0, None)
    out_norm = out_deg ** -0.5
    in_norm = in_deg ** -0.5
    edge_norm = jnp.take(out_norm, src) * jnp.take(in_norm, dst)
    adj = mask * edge_norm
    return adj

if __name__ == "__main__":
    import jax
    _d = setup_inputs()
    print(jax.jit(kernel)(*tuple(_d.values())))

</pallas_src>

<mosaic_0001>
#map = affine_map<(d0, d1) -> (0, 0)>
#map1 = affine_map<(d0, d1) -> (0)>
module attributes {stable_mosaic.version = 14 : i64} {
  func.func @_gather_body(%arg0: i32, %arg1: i32, %arg2: memref<10240x128xf32, #tpu.memory_space<hbm>>, %arg3: memref<10240xf32, #tpu.memory_space<hbm>>, %arg4: memref<10240xf32, #tpu.memory_space<hbm>>, %arg5: memref<320000xi32, #tpu.memory_space<hbm>>, %arg6: memref<320000xi32, #tpu.memory_space<hbm>>, %arg7: memref<320000x128xf32, #tpu.memory_space<hbm>>, %arg8: memref<320000xf32, #tpu.memory_space<hbm>>, %arg9: memref<10016xi32, #tpu.memory_space<vmem>>, %arg10: memref<10016xi32, #tpu.memory_space<vmem>>, %arg11: memref<10240xf32, #tpu.memory_space<vmem>>, %arg12: memref<10240xf32, #tpu.memory_space<vmem>>, %arg13: memref<96x128xf32, #tpu.memory_space<vmem>>, %arg14: memref<96x128xf32, #tpu.memory_space<vmem>>, %arg15: memref<96x128xf32, #tpu.memory_space<vmem>>, %arg16: memref<96x128xf32, #tpu.memory_space<vmem>>, %arg17: memref<96x128xf32, #tpu.memory_space<vmem>>, %arg18: memref<96x128xf32, #tpu.memory_space<vmem>>, %arg19: memref<10016xf32, #tpu.memory_space<vmem>>, %arg20: memref<!tpu.dma_semaphore, #tpu.memory_space<semaphore_mem>>, %arg21: memref<!tpu.dma_semaphore, #tpu.memory_space<semaphore_mem>>, %arg22: memref<!tpu.dma_semaphore, #tpu.memory_space<semaphore_mem>>, %arg23: memref<!tpu.dma_semaphore, #tpu.memory_space<semaphore_mem>>) attributes {dimension_semantics = [#tpu.dimension_semantics<core_parallel>, #tpu.dimension_semantics<subcore_parallel>], iteration_bounds = array<i64: 2, 16>, scalar_prefetch = 0 : i64, scratch_operands = 15 : i64, tpu.core_type = #tpu.core_type<sc_vector_subcore>, window_params = [{transform_indices = #map}, {transform_indices = #map1}, {transform_indices = #map1}, {transform_indices = #map1}, {transform_indices = #map1}, {transform_indices = #map}, {transform_indices = #map1}]} {
    %mul3A = arith.constant 2 : i32
    %mul3A_0 = arith.muli %arg1, %mul3A : i32
    %add3A = arith.addi %mul3A_0, %arg0 : i32
    %mul3A_1 = arith.constant 10000 : i32
    %mul3A_2 = arith.muli %add3A, %mul3A_1 : i32
    "tpu.region"() ({
      %run_scoped3A = tpu.sem_alloc : memref<!tpu.dma_semaphore, #tpu.memory_space<semaphore_mem>>
      tpu.enqueue_dma source(%arg3 : memref<10240xf32, #tpu.memory_space<hbm>>) target(%arg11 : memref<10240xf32, #tpu.memory_space<vmem>>) target_semaphore(%run_scoped3A : memref<!tpu.dma_semaphore, #tpu.memory_space<semaphore_mem>>)
      tpu.wait_dma2 semaphore(%run_scoped3A : memref<!tpu.dma_semaphore, #tpu.memory_space<semaphore_mem>>) src(%arg3 : memref<10240xf32, #tpu.memory_space<hbm>>) dst(%arg11 : memref<10240xf32, #tpu.memory_space<vmem>>)
      tpu.yield
    }) : () -> ()
    "tpu.region"() ({
      %run_scoped3A = tpu.sem_alloc : memref<!tpu.dma_semaphore, #tpu.memory_space<semaphore_mem>>
      tpu.enqueue_dma source(%arg4 : memref<10240xf32, #tpu.memory_space<hbm>>) target(%arg12 : memref<10240xf32, #tpu.memory_space<vmem>>) target_semaphore(%run_scoped3A : memref<!tpu.dma_semaphore, #tpu.memory_space<semaphore_mem>>)
      tpu.wait_dma2 semaphore(%run_scoped3A : memref<!tpu.dma_semaphore, #tpu.memory_space<semaphore_mem>>) src(%arg4 : memref<10240xf32, #tpu.memory_space<hbm>>) dst(%arg12 : memref<10240xf32, #tpu.memory_space<vmem>>)
      tpu.yield
    }) : () -> ()
    "tpu.region"() ({
      %run_scoped3A = tpu.sem_alloc : memref<!tpu.dma_semaphore, #tpu.memory_space<semaphore_mem>>
      %dma_start3A_333 = arith.constant 0 : i32
      %dma_start3A_334 = tpu.memref_slice %arg9[%dma_start3A_333] : memref<10016xi32, #tpu.memory_space<vmem>> -> memref<10000xi32, #tpu.memory_space<vmem>>
      %dma_start3A_335 = tpu.memref_slice %arg5[%mul3A_2] : memref<320000xi32, #tpu.memory_space<hbm>> -> memref<10000xi32, #tpu.memory_space<hbm>>
      %dma_start3A_336 = arith.constant 0 : i32
      %dma_start3A_337 = tpu.memref_slice %arg9[%dma_start3A_336] : memref<10016xi32, #tpu.memory_space<vmem>> -> memref<10000xi32, #tpu.memory_space<vmem>>
      %dma_start3A_338 = tpu.memref_slice %arg5[%mul3A_2] : memref<320000xi32, #tpu.memory_space<hbm>> -> memref<10000xi32, #tpu.memory_space<hbm>>
      tpu.enqueue_dma source(%dma_start3A_338 : memref<10000xi32, #tpu.memory_space<hbm>>) target(%dma_start3A_337 : memref<10000xi32, #tpu.memory_space<vmem>>) target_semaphore(%run_scoped3A : memref<!tpu.dma_semaphore, #tpu.memory_space<semaphore_mem>>)
      %dma_wait3A_339 = arith.constant 0 : i32
      %dma_wait3A_340 = tpu.memref_slice %arg9[%dma_wait3A_339] : memref<10016xi32, #tpu.memory_space<vmem>> -> memref<10000xi32, #tpu.memory_space<vmem>>
      %dma_wait3A_341 = tpu.memref_slice %arg5[%mul3A_2] : memref<320000xi32, #tpu.memory_space<hbm>> -> memref<10000xi32, #tpu.memory_space<hbm>>
      %dma_wait3A_342 = arith.constant 0 : i32
      %dma_wait3A_343 = tpu.memref_slice %arg9[%dma_wait3A_342] : memref<10016xi32, #tpu.memory_space<vmem>> -> memref<10000xi32, #tpu.memory_space<vmem>>
      %dma_wait3A_344 = tpu.memref_slice %arg5[%mul3A_2] : memref<320000xi32, #tpu.memory_space<hbm>> -> memref<10000xi32, #tpu.memory_space<hbm>>
      tpu.wait_dma2 semaphore(%run_scoped3A : memref<!tpu.dma_semaphore, #tpu.memory_space<semaphore_mem>>) src(%dma_wait3A_344 : memref<10000xi32, #tpu.memory_space<hbm>>) dst(%dma_wait3A_343 : memref<10000xi32, #tpu.memory_space<vmem>>)
      tpu.yield
    }) : () -> ()
    "tpu.region"() ({
      %run_scoped3A = tpu.sem_alloc : memref<!tpu.dma_semaphore, #tpu.memory_space<semaphore_mem>>
      %dma_start3A_333 = arith.constant 0 : i32
      %dma_start3A_334 = tpu.memref_slice %arg10[%dma_start3A_333] : memref<10016xi32, #tpu.memory_space<vmem>> -> memref<10000xi32, #tpu.memory_space<vmem>>
      %dma_start3A_335 = tpu.memref_slice %arg6[%mul3A_2] : memref<320000xi32, #tpu.memory_space<hbm>> -> memref<10000xi32, #tpu.memory_space<hbm>>
      %dma_start3A_336 = arith.constant 0 : i32
      %dma_start3A_337 = tpu.memref_slice %arg10[%dma_start3A_336] : memref<10016xi32, #tpu.memory_space<vmem>> -> memref<10000xi32, #tpu.memory_space<vmem>>
      %dma_start3A_338 = tpu.memref_slice %arg6[%mul3A_2] : memref<320000xi32, #tpu.memory_space<hbm>> -> memref<10000xi32, #tpu.memory_space<hbm>>
      tpu.enqueue_dma source(%dma_start3A_338 : memref<10000xi32, #tpu.memory_space<hbm>>) target(%dma_start3A_337 : memref<10000xi32, #tpu.memory_space<vmem>>) target_semaphore(%run_scoped3A : memref<!tpu.dma_semaphore, #tpu.memory_space<semaphore_mem>>)
      %dma_wait3A_339 = arith.constant 0 : i32
      %dma_wait3A_340 = tpu.memref_slice %arg10[%dma_wait3A_339] : memref<10016xi32, #tpu.memory_space<vmem>> -> memref<10000xi32, #tpu.memory_space<vmem>>
      %dma_wait3A_341 = tpu.memref_slice %arg6[%mul3A_2] : memref<320000xi32, #tpu.memory_space<hbm>> -> memref<10000xi32, #tpu.memory_space<hbm>>
      %dma_wait3A_342 = arith.constant 0 : i32
      %dma_wait3A_343 = tpu.memref_slice %arg10[%dma_wait3A_342] : memref<10016xi32, #tpu.memory_space<vmem>> -> memref<10000xi32, #tpu.memory_space<vmem>>
      %dma_wait3A_344 = tpu.memref_slice %arg6[%mul3A_2] : memref<320000xi32, #tpu.memory_space<hbm>> -> memref<10000xi32, #tpu.memory_space<hbm>>
      tpu.wait_dma2 semaphore(%run_scoped3A : memref<!tpu.dma_semaphore, #tpu.memory_space<semaphore_mem>>) src(%dma_wait3A_344 : memref<10000xi32, #tpu.memory_space<hbm>>) dst(%dma_wait3A_343 : memref<10000xi32, #tpu.memory_space<vmem>>)
      tpu.yield
    }) : () -> ()
    %broadcast_in_dim3A = arith.constant 0 : i32
    %broadcast_in_dim3A_3 = vector.broadcast %broadcast_in_dim3A : i32 to vector<16xi32>
    %swap3A = arith.constant 10000 : index
    %swap3A_4 = tpu.vector_load %arg9[%swap3A] {strides = array<i32>} : memref<10016xi32, #tpu.memory_space<vmem>>, vector<16xi32>,
    tpu.vector_store %arg9[%swap3A], %broadcast_in_dim3A_3 {strides = array<i32>} : memref<10016xi32, #tpu.memory_space<vmem>>, vector<16xi32>,
    %swap3A_5 = arith.constant 10000 : index
    %swap3A_6 = tpu.vector_load %arg10[%swap3A_5] {strides = array<i32>} : memref<10016xi32, #tpu.memory_space<vmem>>, vector<16xi32>,
    tpu.vector_store %arg10[%swap3A_5], %broadcast_in_dim3A_3 {strides = array<i32>} : memref<10016xi32, #tpu.memory_space<vmem>>, vector<16xi32>,
    %dma_start3A = arith.constant 0 : i32
    %dma_start3A_7 = tpu.memref_slice %arg9[%dma_start3A] : memref<10016xi32, #tpu.memory_space<vmem>> -> memref<96xi32, #tpu.memory_space<vmem>>
    %dma_start3A_8 = arith.constant 0 : i32
    %dma_start3A_9 = arith.constant 0 : i32
    %dma_start3A_10 = tpu.memref_slice %arg2[%dma_start3A_8, %dma_start3A_9] : memref<10240x128xf32, #tpu.memory_space<hbm>> -> memref<10240x128xf32, #tpu.memory_space<hbm>>
    tpu.enqueue_indirect_dma source(%dma_start3A_10 : memref<10240x128xf32, #tpu.memory_space<hbm>>) target(%arg13 : memref<96x128xf32, #tpu.memory_space<vmem>>) offsets(%dma_start3A_7 : memref<96xi32, #tpu.memory_space<vmem>>) semaphore(%arg20 : memref<!tpu.dma_semaphore, #tpu.memory_space<semaphore_mem>>)
    %dma_start3A_11 = arith.constant 0 : i32
    %dma_start3A_12 = tpu.memref_slice %arg10[%dma_start3A_11] : memref<10016xi32, #tpu.memory_space<vmem>> -> memref<96xi32, #tpu.memory_space<vmem>>
    %dma_start3A_13 = arith.constant 0 : i32
    %dma_start3A_14 = arith.constant 0 : i32
    %dma_start3A_15 = tpu.memref_slice %arg2[%dma_start3A_13, %dma_start3A_14] : memref<10240x128xf32, #tpu.memory_space<hbm>> -> memref<10240x128xf32, #tpu.memory_space<hbm>>
    tpu.enqueue_indirect_dma source(%dma_start3A_15 : memref<10240x128xf32, #tpu.memory_space<hbm>>) target(%arg14 : memref<96x128xf32, #tpu.memory_space<vmem>>) offsets(%dma_start3A_12 : memref<96xi32, #tpu.memory_space<vmem>>) semaphore(%arg20 : memref<!tpu.dma_semaphore, #tpu.memory_space<semaphore_mem>>)
    %dma_start3A_16 = arith.constant 96 : i32
    %dma_start3A_17 = tpu.memref_slice %arg9[%dma_start3A_16] : memref<10016xi32, #tpu.memory_space<vmem>> -> memref<96xi32, #tpu.memory_space<vmem>>
    %dma_start3A_18 = arith.constant 0 : i32
    %dma_start3A_19 = arith.constant 0 : i32
    %dma_start3A_20 = tpu.memref_slice %arg2[%dma_start3A_18, %dma_start3A_19] : memref<10240x128xf32, #tpu.memory_space<hbm>> -> memref<10240x128xf32, #tpu.memory_space<hbm>>
    tpu.enqueue_indirect_dma source(%dma_start3A_20 : memref<10240x128xf32, #tpu.memory_space<hbm>>) target(%arg15 : memref<96x128xf32, #tpu.memory_space<vmem>>) offsets(%dma_start3A_17 : memref<96xi32, #tpu.memory_space<vmem>>) semaphore(%arg21 : memref<!tpu.dma_semaphore, #tpu.memory_space<semaphore_mem>>)
    %dma_start3A_21 = arith.constant 96 : i32
    %dma_start3A_22 = tpu.memref_slice %arg10[%dma_start3A_21] : memref<10016xi32, #tpu.memory_space<vmem>> -> memref<96xi32, #tpu.memory_space<vmem>>
    %dma_start3A_23 = arith.constant 0 : i32
    %dma_start3A_24 = arith.constant 0 : i32
    %dma_start3A_25 = tpu.memref_slice %arg2[%dma_start3A_23, %dma_start3A_24] : memref<10240x128xf32, #tpu.memory_space<hbm>> -> memref<10240x128xf32, #tpu.memory_space<hbm>>
    tpu.enqueue_indirect_dma source(%dma_start3A_25 : memref<10240x128xf32, #tpu.memory_space<hbm>>) target(%arg16 : memref<96x128xf32, #tpu.memory_space<vmem>>) offsets(%dma_start3A_22 : memref<96xi32, #tpu.memory_space<vmem>>) semaphore(%arg21 : memref<!tpu.dma_semaphore, #tpu.memory_space<semaphore_mem>>)
    %dma_wait3A = arith.constant 0 : i32
    %dma_wait3A_26 = tpu.memref_slice %arg9[%dma_wait3A] : memref<10016xi32, #tpu.memory_space<vmem>> -> memref<96xi32, #tpu.memory_space<vmem>>
    %dma_wait3A_27 = arith.constant 0 : i32
    %dma_wait3A_28 = arith.constant 0 : i32
    %dma_wait3A_29 = tpu.memref_slice %arg2[%dma_wait3A_27, %dma_wait3A_28] : memref<10240x128xf32, #tpu.memory_space<hbm>> -> memref<10240x128xf32, #tpu.memory_space<hbm>>
    tpu.wait_indirect_dma semaphore(%arg20 : memref<!tpu.dma_semaphore, #tpu.memory_space<semaphore_mem>>) src(%dma_wait3A_29 : memref<10240x128xf32, #tpu.memory_space<hbm>>) dst(%arg13 : memref<96x128xf32, #tpu.memory_space<vmem>>)
    %dma_wait3A_30 = arith.constant 0 : i32
    %dma_wait3A_31 = tpu.memref_slice %arg10[%dma_wait3A_30] : memref<10016xi32, #tpu.memory_space<vmem>> -> memref<96xi32, #tpu.memory_space<vmem>>
    %dma_wait3A_32 = arith.constant 0 : i32
    %dma_wait3A_33 = arith.constant 0 : i32
    %dma_wait3A_34 = tpu.memref_slice %arg2[%dma_wait3A_32, %dma_wait3A_33] : memref<10240x128xf32, #tpu.memory_space<hbm>> -> memref<10240x128xf32, #tpu.memory_space<hbm>>
    tpu.wait_indirect_dma semaphore(%arg20 : memref<!tpu.dma_semaphore, #tpu.memory_space<semaphore_mem>>) src(%dma_wait3A_34 : memref<10240x128xf32, #tpu.memory_space<hbm>>) dst(%arg14 : memref<96x128xf32, #tpu.memory_space<vmem>>)
    %scan3A = arith.constant 0 : i32
    %scan3A_35 = arith.constant 0 : i32
    %scan3A_36 = arith.constant 96 : i32
    %scan3A_37 = arith.addi %scan3A_35, %scan3A_36 : i32
    %scan3A_38 = arith.constant 1 : i32
    scf.for %scan3A_333 = %scan3A_35 to %scan3A_37 step %scan3A_38  : i32 {
      %get3A_334 = arith.index_cast %scan3A_333 : i32 to index
      %get3A_335 = arith.constant 0 : index
      %get3A_336 = tpu.vector_load %arg13[%get3A_334, %get3A_335] {strides = array<i32>} : memref<96x128xf32, #tpu.memory_space<vmem>>, vector<16xf32>,
      %swap3A_337 = arith.index_cast %scan3A_333 : i32 to index
      %swap3A_338 = arith.constant 0 : index
      %swap3A_339 = tpu.vector_load %arg17[%swap3A_337, %swap3A_338] {strides = array<i32>} : memref<96x128xf32, #tpu.memory_space<vmem>>, vector<16xf32>,
      tpu.vector_store %arg17[%swap3A_337, %swap3A_338], %get3A_336 {strides = array<i32>} : memref<96x128xf32, #tpu.memory_space<vmem>>, vector<16xf32>,
      %get3A_340 = arith.index_cast %scan3A_333 : i32 to index
      %get3A_341 = arith.constant 64 : index
      %get3A_342 = tpu.vector_load %arg14[%get3A_340, %get3A_341] {strides = array<i32>} : memref<96x128xf32, #tpu.memory_space<vmem>>, vector<16xf32>,
      %swap3A_343 = arith.index_cast %scan3A_333 : i32 to index
      %swap3A_344 = arith.constant 64 : index
      %swap3A_345 = tpu.vector_load %arg17[%swap3A_343, %swap3A_344] {strides = array<i32>} : memref<96x128xf32, #tpu.memory_space<vmem>>, vector<16xf32>,
      tpu.vector_store %arg17[%swap3A_343, %swap3A_344], %get3A_342 {strides = array<i32>} : memref<96x128xf32, #tpu.memory_space<vmem>>, vector<16xf32>,
      %get3A_346 = arith.index_cast %scan3A_333 : i32 to index
      %get3A_347 = arith.constant 16 : index
      %get3A_348 = tpu.vector_load %arg13[%get3A_346, %get3A_347] {strides = array<i32>} : memref<96x128xf32, #tpu.memory_space<vmem>>, vector<16xf32>,
      %swap3A_349 = arith.index_cast %scan3A_333 : i32 to index
      %swap3A_350 = arith.constant 16 : index
      %swap3A_351 = tpu.vector_load %arg17[%swap3A_349, %swap3A_350] {strides = array<i32>} : memref<96x128xf32, #tpu.memory_space<vmem>>, vector<16xf32>,
      tpu.vector_store %arg17[%swap3A_349, %swap3A_350], %get3A_348 {strides = array<i32>} : memref<96x128xf32, #tpu.memory_space<vmem>>, vector<16xf32>,
      %get3A_352 = arith.index_cast %scan3A_333 : i32 to index
      %get3A_353 = arith.constant 80 : index
      %get3A_354 = tpu.vector_load %arg14[%get3A_352, %get3A_353] {strides = array<i32>} : memref<96x128xf32, #tpu.memory_space<vmem>>, vector<16xf32>,
      %swap3A_355 = arith.index_cast %scan3A_333 : i32 to index
      %swap3A_356 = arith.constant 80 : index
      %swap3A_357 = tpu.vector_load %arg17[%swap3A_355, %swap3A_356] {strides = array<i32>} : memref<96x128xf32, #tpu.memory_space<vmem>>, vector<16xf32>,
      tpu.vector_store %arg17[%swap3A_355, %swap3A_356], %get3A_354 {strides = array<i32>} : memref<96x128xf32, #tpu.memory_space<vmem>>, vector<16xf32>,
      %get3A_358 = arith.index_cast %scan3A_333 : i32 to index
      %get3A_359 = arith.constant 32 : index
      %get3A_360 = tpu.vector_load %arg13[%get3A_358, %get3A_359] {strides = array<i32>} : memref<96x128xf32, #tpu.memory_space<vmem>>, vector<16xf32>,
      %swap3A_361 = arith.index_cast %scan3A_333 : i32 to index
      %swap3A_362 = arith.constant 32 : index
      %swap3A_363 = tpu.vector_load %arg17[%swap3A_361, %swap3A_362] {strides = array<i32>} : memref<96x128xf32, #tpu.memory_space<vmem>>, vector<16xf32>,
      tpu.vector_store %arg17[%swap3A_361, %swap3A_362], %get3A_360 {strides = array<i32>} : memref<96x128xf32, #tpu.memory_space<vmem>>, vector<16xf32>,
      %get3A_364 = arith.index_cast %scan3A_333 : i32 to index
      %get3A_365 = arith.constant 96 : index
      %get3A_366 = tpu.vector_load %arg14[%get3A_364, %get3A_365] {strides = array<i32>} : memref<96x128xf32, #tpu.memory_space<vmem>>, vector<16xf32>,
      %swap3A_367 = arith.index_cast %scan3A_333 : i32 to index
      %swap3A_368 = arith.constant 96 : index
      %swap3A_369 = tpu.vector_load %arg17[%swap3A_367, %swap3A_368] {strides = array<i32>} : memref<96x128xf32, #tpu.memory_space<vmem>>, vector<16xf32>,
      tpu.vector_store %arg17[%swap3A_367, %swap3A_368], %get3A_366 {strides = array<i32>} : memref<96x128xf32, #tpu.memory_space<vmem>>, vector<16xf32>,
      %get3A_370 = arith.index_cast %scan3A_333 : i32 to index
      %get3A_371 = arith.constant 48 : index
      %get3A_372 = tpu.vector_load %arg13[%get3A_370, %get3A_371] {strides = array<i32>} : memref<96x128xf32, #tpu.memory_space<vmem>>, vector<16xf32>,
      %swap3A_373 = arith.index_cast %scan3A_333 : i32 to index
      %swap3A_374 = arith.constant 48 : index
      %swap3A_375 = tpu.vector_load %arg17[%swap3A_373, %swap3A_374] {strides = array<i32>} : memref<96x128xf32, #tpu.memory_space<vmem>>, vector<16xf32>,
      tpu.vector_store %arg17[%swap3A_373, %swap3A_374], %get3A_372 {strides = array<i32>} : memref<96x128xf32, #tpu.memory_space<vmem>>, vector<16xf32>,
      %get3A_376 = arith.index_cast %scan3A_333 : i32 to index
      %get3A_377 = arith.constant 112 : index
      %get3A_378 = tpu.vector_load %arg14[%get3A_376, %get3A_377] {strides = array<i32>} : memref<96x128xf32, #tpu.memory_space<vmem>>, vector<16xf32>,
      %swap3A_379 = arith.index_cast %scan3A_333 : i32 to index
      %swap3A_380 = arith.constant 112 : index
      %swap3A_381 = tpu.vector_load %arg17[%swap3A_379, %swap3A_380] {strides = array<i32>} : memref<96x128xf32, #tpu.memory_space<vmem>>, vector<16xf32>,
      tpu.vector_store %arg17[%swap3A_379, %swap3A_380], %get3A_378 {strides = array<i32>} : memref<96x128xf32, #tpu.memory_space<vmem>>, vector<16xf32>,
    }
    %scan3A_39 = arith.constant 96 : i32
    %get3A = arith.constant 0 : index
    %get3A_40 = tpu.vector_load %arg9[%get3A] {strides = array<i32>} : memref<10016xi32, #tpu.memory_space<vmem>>, vector<16xi32>,
    %get3A_41 = arith.constant 0 : index
    %get3A_42 = tpu.vector_load %arg10[%get3A_41] {strides = array<i32>} : memref<10016xi32, #tpu.memory_space<vmem>>, vector<16xi32>,
    %gather3A = tpu.vector_load_idx %arg11[%get3A_40] : memref<10240xf32, #tpu.memory_space<vmem>>[vector<16xi32>], vector<16xf32>,
    %gather3A_43 = tpu.vector_load_idx %arg12[%get3A_42] : memref<10240xf32, #tpu.memory_space<vmem>>[vector<16xi32>], vector<16xf32>,
    %mul3A_44 = arith.mulf %gather3A, %gather3A_43 : vector<16xf32>
    %swap3A_45 = arith.constant 0 : index
    %swap3A_46 = tpu.vector_load %arg19[%swap3A_45] {strides = array<i32>} : memref<10016xf32, #tpu.memory_space<vmem>>, vector<16xf32>,
    tpu.vector_store %arg19[%swap3A_45], %mul3A_44 {strides = array<i32>} : memref<10016xf32, #tpu.memory_space<vmem>>, vector<16xf32>,
    %get3A_47 = arith.constant 16 : index
    %get3A_48 = tpu.vector_load %arg9[%get3A_47] {strides = array<i32>} : memref<10016xi32, #tpu.memory_space<vmem>>, vector<16xi32>,
    %get3A_49 = arith.constant 16 : index
    %get3A_50 = tpu.vector_load %arg10[%get3A_49] {strides = array<i32>} : memref<10016xi32, #tpu.memory_space<vmem>>, vector<16xi32>,
    %gather3A_51 = tpu.vector_load_idx %arg11[%get3A_48] : memref<10240xf32, #tpu.memory_space<vmem>>[vector<16xi32>], vector<16xf32>,
    %gather3A_52 = tpu.vector_load_idx %arg12[%get3A_50] : memref<10240xf32, #tpu.memory_space<vmem>>[vector<16xi32>], vector<16xf32>,
    %mul3A_53 = arith.mulf %gather3A_51, %gather3A_52 : vector<16xf32>
    %swap3A_54 = arith.constant 16 : index
    %swap3A_55 = tpu.vector_load %arg19[%swap3A_54] {strides = array<i32>} : memref<10016xf32, #tpu.memory_space<vmem>>, vector<16xf32>,
    tpu.vector_store %arg19[%swap3A_54], %mul3A_53 {strides = array<i32>} : memref<10016xf32, #tpu.memory_space<vmem>>, vector<16xf32>,
    %get3A_56 = arith.constant 32 : index
    %get3A_57 = tpu.vector_load %arg9[%get3A_56] {strides = array<i32>} : memref<10016xi32, #tpu.memory_space<vmem>>, vector<16xi32>,
    %get3A_58 = arith.constant 32 : index
    %get3A_59 = tpu.vector_load %arg10[%get3A_58] {strides = array<i32>} : memref<10016xi32, #tpu.memory_space<vmem>>, vector<16xi32>,
    %gather3A_60 = tpu.vector_load_idx %arg11[%get3A_57] : memref<10240xf32, #tpu.memory_space<vmem>>[vector<16xi32>], vector<16xf32>,
    %gather3A_61 = tpu.vector_load_idx %arg12[%get3A_59] : memref<10240xf32, #tpu.memory_space<vmem>>[vector<16xi32>], vector<16xf32>,
    %mul3A_62 = arith.mulf %gather3A_60, %gather3A_61 : vector<16xf32>
    %swap3A_63 = arith.constant 32 : index
    %swap3A_64 = tpu.vector_load %arg19[%swap3A_63] {strides = array<i32>} : memref<10016xf32, #tpu.memory_space<vmem>>, vector<16xf32>,
    tpu.vector_store %arg19[%swap3A_63], %mul3A_62 {strides = array<i32>} : memref<10016xf32, #tpu.memory_space<vmem>>, vector<16xf32>,
    %get3A_65 = arith.constant 48 : index
    %get3A_66 = tpu.vector_load %arg9[%get3A_65] {strides = array<i32>} : memref<10016xi32, #tpu.memory_space<vmem>>, vector<16xi32>,
    %get3A_67 = arith.constant 48 : index
    %get3A_68 = tpu.vector_load %arg10[%get3A_67] {strides = array<i32>} : memref<10016xi32, #tpu.memory_space<vmem>>, vector<16xi32>,
    %gather3A_69 = tpu.vector_load_idx %arg11[%get3A_66] : memref<10240xf32, #tpu.memory_space<vmem>>[vector<16xi32>], vector<16xf32>,
    %gather3A_70 = tpu.vector_load_idx %arg12[%get3A_68] : memref<10240xf32, #tpu.memory_space<vmem>>[vector<16xi32>], vector<16xf32>,
    %mul3A_71 = arith.mulf %gather3A_69, %gather3A_70 : vector<16xf32>
    %swap3A_72 = arith.constant 48 : index
    %swap3A_73 = tpu.vector_load %arg19[%swap3A_72] {strides = array<i32>} : memref<10016xf32, #tpu.memory_space<vmem>>, vector<16xf32>,
    tpu.vector_store %arg19[%swap3A_72], %mul3A_71 {strides = array<i32>} : memref<10016xf32, #tpu.memory_space<vmem>>, vector<16xf32>,
    %get3A_74 = arith.constant 64 : index
    %get3A_75 = tpu.vector_load %arg9[%get3A_74] {strides = array<i32>} : memref<10016xi32, #tpu.memory_space<vmem>>, vector<16xi32>,
    %get3A_76 = arith.constant 64 : index
    %get3A_77 = tpu.vector_load %arg10[%get3A_76] {strides = array<i32>} : memref<10016xi32, #tpu.memory_space<vmem>>, vector<16xi32>,
    %gather3A_78 = tpu.vector_load_idx %arg11[%get3A_75] : memref<10240xf32, #tpu.memory_space<vmem>>[vector<16xi32>], vector<16xf32>,
    %gather3A_79 = tpu.vector_load_idx %arg12[%get3A_77] : memref<10240xf32, #tpu.memory_space<vmem>>[vector<16xi32>], vector<16xf32>,
    %mul3A_80 = arith.mulf %gather3A_78, %gather3A_79 : vector<16xf32>
    %swap3A_81 = arith.constant 64 : index
    %swap3A_82 = tpu.vector_load %arg19[%swap3A_81] {strides = array<i32>} : memref<10016xf32, #tpu.memory_space<vmem>>, vector<16xf32>,
    tpu.vector_store %arg19[%swap3A_81], %mul3A_80 {strides = array<i32>} : memref<10016xf32, #tpu.memory_space<vmem>>, vector<16xf32>,
    %get3A_83 = arith.constant 80 : index
    %get3A_84 = tpu.vector_load %arg9[%get3A_83] {strides = array<i32>} : memref<10016xi32, #tpu.memory_space<vmem>>, vector<16xi32>,
    %get3A_85 = arith.constant 80 : index
    %get3A_86 = tpu.vector_load %arg10[%get3A_85] {strides = array<i32>} : memref<10016xi32, #tpu.memory_space<vmem>>, vector<16xi32>,
    %gather3A_87 = tpu.vector_load_idx %arg11[%get3A_84] : memref<10240xf32, #tpu.memory_space<vmem>>[vector<16xi32>], vector<16xf32>,
    %gather3A_88 = tpu.vector_load_idx %arg12[%get3A_86] : memref<10240xf32, #tpu.memory_space<vmem>>[vector<16xi32>], vector<16xf32>,
    %mul3A_89 = arith.mulf %gather3A_87, %gather3A_88 : vector<16xf32>
    %swap3A_90 = arith.constant 80 : index
    %swap3A_91 = tpu.vector_load %arg19[%swap3A_90] {strides = array<i32>} : memref<10016xf32, #tpu.memory_space<vmem>>, vector<16xf32>,
    tpu.vector_store %arg19[%swap3A_90], %mul3A_89 {strides = array<i32>} : memref<10016xf32, #tpu.memory_space<vmem>>, vector<16xf32>,
    %add3A_92 = arith.constant 0 : i32
    %add3A_93 = arith.addi %mul3A_2, %add3A_92 : i32
    %dma_start3A_94 = arith.constant 0 : i32
    %dma_start3A_95 = tpu.memref_slice %arg7[%add3A_93, %dma_start3A_94] : memref<320000x128xf32, #tpu.memory_space<hbm>> -> memref<96x128xf32, #tpu.memory_space<hbm>>
    %dma_start3A_96 = arith.constant 0 : i32
    %dma_start3A_97 = tpu.memref_slice %arg7[%add3A_93, %dma_start3A_96] : memref<320000x128xf32, #tpu.memory_space<hbm>> -> memref<96x128xf32, #tpu.memory_space<hbm>>
    tpu.enqueue_dma source(%arg17 : memref<96x128xf32, #tpu.memory_space<vmem>>) target(%dma_start3A_97 : memref<96x128xf32, #tpu.memory_space<hbm>>) target_semaphore(%arg22 : memref<!tpu.dma_semaphore, #tpu.memory_space<semaphore_mem>>)
    %dma_start3A_98 = arith.constant 192 : i32
    %dma_start3A_99 = tpu.memref_slice %arg9[%dma_start3A_98] : memref<10016xi32, #tpu.memory_space<vmem>> -> memref<96xi32, #tpu.memory_space<vmem>>
    %dma_start3A_100 = arith.constant 0 : i32
    %dma_start3A_101 = arith.constant 0 : i32
    %dma_start3A_102 = tpu.memref_slice %arg2[%dma_start3A_100, %dma_start3A_101] : memref<10240x128xf32, #tpu.memory_space<hbm>> -> memref<10240x128xf32, #tpu.memory_space<hbm>>
    tpu.enqueue_indirect_dma source(%dma_start3A_102 : memref<10240x128xf32, #tpu.memory_space<hbm>>) target(%arg13 : memref<96x128xf32, #tpu.memory_space<vmem>>) offsets(%dma_start3A_99 : memref<96xi32, #tpu.memory_space<vmem>>) semaphore(%arg20 : memref<!tpu.dma_semaphore, #tpu.memory_space<semaphore_mem>>)
    %dma_start3A_103 = arith.constant 192 : i32
    %dma_start3A_104 = tpu.memref_slice %arg10[%dma_start3A_103] : memref<10016xi32, #tpu.memory_space<vmem>> -> memref<96xi32, #tpu.memory_space<vmem>>
    %dma_start3A_105 = arith.constant 0 : i32
    %dma_start3A_106 = arith.constant 0 : i32
    %dma_start3A_107 = tpu.memref_slice %arg2[%dma_start3A_105, %dma_start3A_106] : memref<10240x128xf32, #tpu.memory_space<hbm>> -> memref<10240x128xf32, #tpu.memory_space<hbm>>
    tpu.enqueue_indirect_dma source(%dma_start3A_107 : memref<10240x128xf32, #tpu.memory_space<hbm>>) target(%arg14 : memref<96x128xf32, #tpu.memory_space<vmem>>) offsets(%dma_start3A_104 : memref<96xi32, #tpu.memory_space<vmem>>) semaphore(%arg20 : memref<!tpu.dma_semaphore, #tpu.memory_space<semaphore_mem>>)
    %dma_wait3A_108 = arith.constant 96 : i32
    %dma_wait3A_109 = tpu.memref_slice %arg9[%dma_wait3A_108] : memref<10016xi32, #tpu.memory_space<vmem>> -> memref<96xi32, #tpu.memory_space<vmem>>
    %dma_wait3A_110 = arith.constant 0 : i32
    %dma_wait3A_111 = arith.constant 0 : i32
    %dma_wait3A_112 = tpu.memref_slice %arg2[%dma_wait3A_110, %dma_wait3A_111] : memref<10240x128xf32, #tpu.memory_space<hbm>> -> memref<10240x128xf32, #tpu.memory_space<hbm>>
    tpu.wait_indirect_dma semaphore(%arg21 : memref<!tpu.dma_semaphore, #tpu.memory_space<semaphore_mem>>) src(%dma_wait3A_112 : memref<10240x128xf32, #tpu.memory_space<hbm>>) dst(%arg15 : memref<96x128xf32, #tpu.memory_space<vmem>>)
    %dma_wait3A_113 = arith.constant 96 : i32
    %dma_wait3A_114 = tpu.memref_slice %arg10[%dma_wait3A_113] : memref<10016xi32, #tpu.memory_space<vmem>> -> memref<96xi32, #tpu.memory_space<vmem>>
    %dma_wait3A_115 = arith.constant 0 : i32
    %dma_wait3A_116 = arith.constant 0 : i32
    %dma_wait3A_117 = tpu.memref_slice %arg2[%dma_wait3A_115, %dma_wait3A_116] : memref<10240x128xf32, #tpu.memory_space<hbm>> -> memref<10240x128xf32, #tpu.memory_space<hbm>>
    tpu.wait_indirect_dma semaphore(%arg21 : memref<!tpu.dma_semaphore, #tpu.memory_space<semaphore_mem>>) src(%dma_wait3A_117 : memref<10240x128xf32, #tpu.memory_space<hbm>>) dst(%arg16 : memref<96x128xf32, #tpu.memory_space<vmem>>)
    %scan3A_118 = arith.constant 0 : i32
    %scan3A_119 = arith.constant 0 : i32
    %scan3A_120 = arith.constant 96 : i32
    %scan3A_121 = arith.addi %scan3A_119, %scan3A_120 : i32
    %scan3A_122 = arith.constant 1 : i32
    scf.for %scan3A_333 = %scan3A_119 to %scan3A_121 step %scan3A_122  : i32 {
      %get3A_334 = arith.index_cast %scan3A_333 : i32 to index
      %get3A_335 = arith.constant 0 : index
      %get3A_336 = tpu.vector_load %arg15[%get3A_334, %get3A_335] {strides = array<i32>} : memref<96x128xf32, #tpu.memory_space<vmem>>, vector<16xf32>,
      %swap3A_337 = arith.index_cast %scan3A_333 : i32 to index
      %swap3A_338 = arith.constant 0 : index
      %swap3A_339 = tpu.vector_load %arg18[%swap3A_337, %swap3A_338] {strides = array<i32>} : memref<96x128xf32, #tpu.memory_space<vmem>>, vector<16xf32>,
      tpu.vector_store %arg18[%swap3A_337, %swap3A_338], %get3A_336 {strides = array<i32>} : memref<96x128xf32, #tpu.memory_space<vmem>>, vector<16xf32>,
      %get3A_340 = arith.index_cast %scan3A_333 : i32 to index
      %get3A_341 = arith.constant 64 : index
      %get3A_342 = tpu.vector_load %arg16[%get3A_340, %get3A_341] {strides = array<i32>} : memref<96x128xf32, #tpu.memory_space<vmem>>, vector<16xf32>,
      %swap3A_343 = arith.index_cast %scan3A_333 : i32 to index
      %swap3A_344 = arith.constant 64 : index
      %swap3A_345 = tpu.vector_load %arg18[%swap3A_343, %swap3A_344] {strides = array<i32>} : memref<96x128xf32, #tpu.memory_space<vmem>>, vector<16xf32>,
      tpu.vector_store %arg18[%swap3A_343, %swap3A_344], %get3A_342 {strides = array<i32>} : memref<96x128xf32, #tpu.memory_space<vmem>>, vector<16xf32>,
      %get3A_346 = arith.index_cast %scan3A_333 : i32 to index
      %get3A_347 = arith.constant 16 : index
      %get3A_348 = tpu.vector_load %arg15[%get3A_346, %get3A_347] {strides = array<i32>} : memref<96x128xf32, #tpu.memory_space<vmem>>, vector<16xf32>,
      %swap3A_349 = arith.index_cast %scan3A_333 : i32 to index
      %swap3A_350 = arith.constant 16 : index
      %swap3A_351 = tpu.vector_load %arg18[%swap3A_349, %swap3A_350] {strides = array<i32>} : memref<96x128xf32, #tpu.memory_space<vmem>>, vector<16xf32>,
      tpu.vector_store %arg18[%swap3A_349, %swap3A_350], %get3A_348 {strides = array<i32>} : memref<96x128xf32, #tpu.memory_space<vmem>>, vector<16xf32>,
      %get3A_352 = arith.index_cast %scan3A_333 : i32 to index
      %get3A_353 = arith.constant 80 : index
      %get3A_354 = tpu.vector_load %arg16[%get3A_352, %get3A_353] {strides = array<i32>} : memref<96x128xf32, #tpu.memory_space<vmem>>, vector<16xf32>,
      %swap3A_355 = arith.index_cast %scan3A_333 : i32 to index
      %swap3A_356 = arith.constant 80 : index
      %swap3A_357 = tpu.vector_load %arg18[%swap3A_355, %swap3A_356] {strides = array<i32>} : memref<96x128xf32, #tpu.memory_space<vmem>>, vector<16xf32>,
      tpu.vector_store %arg18[%swap3A_355, %swap3A_356], %get3A_354 {strides = array<i32>} : memref<96x128xf32, #tpu.memory_space<vmem>>, vector<16xf32>,
      %get3A_358 = arith.index_cast %scan3A_333 : i32 to index
      %get3A_359 = arith.constant 32 : index
      %get3A_360 = tpu.vector_load %arg15[%get3A_358, %get3A_359] {strides = array<i32>} : memref<96x128xf32, #tpu.memory_space<vmem>>, vector<16xf32>,
      %swap3A_361 = arith.index_cast %scan3A_333 : i32 to index
      %swap3A_362 = arith.constant 32 : index
      %swap3A_363 = tpu.vector_load %arg18[%swap3A_361, %swap3A_362] {strides = array<i32>} : memref<96x128xf32, #tpu.memory_space<vmem>>, vector<16xf32>,
      tpu.vector_store %arg18[%swap3A_361, %swap3A_362], %get3A_360 {strides = array<i32>} : memref<96x128xf32, #tpu.memory_space<vmem>>, vector<16xf32>,
      %get3A_364 = arith.index_cast %scan3A_333 : i32 to index
      %get3A_365 = arith.constant 96 : index
      %get3A_366 = tpu.vector_load %arg16[%get3A_364, %get3A_365] {strides = array<i32>} : memref<96x128xf32, #tpu.memory_space<vmem>>, vector<16xf32>,
      %swap3A_367 = arith.index_cast %scan3A_333 : i32 to index
      %swap3A_368 = arith.constant 96 : index
      %swap3A_369 = tpu.vector_load %arg18[%swap3A_367, %swap3A_368] {strides = array<i32>} : memref<96x128xf32, #tpu.memory_space<vmem>>, vector<16xf32>,
      tpu.vector_store %arg18[%swap3A_367, %swap3A_368], %get3A_366 {strides = array<i32>} : memref<96x128xf32, #tpu.memory_space<vmem>>, vector<16xf32>,
      %get3A_370 = arith.index_cast %scan3A_333 : i32 to index
      %get3A_371 = arith.constant 48 : index
      %get3A_372 = tpu.vector_load %arg15[%get3A_370, %get3A_371] {strides = array<i32>} : memref<96x128xf32, #tpu.memory_space<vmem>>, vector<16xf32>,
      %swap3A_373 = arith.index_cast %scan3A_333 : i32 to index
      %swap3A_374 = arith.constant 48 : index
      %swap3A_375 = tpu.vector_load %arg18[%swap3A_373, %swap3A_374] {strides = array<i32>} : memref<96x128xf32, #tpu.memory_space<vmem>>, vector<16xf32>,
      tpu.vector_store %arg18[%swap3A_373, %swap3A_374], %get3A_372 {strides = array<i32>} : memref<96x128xf32, #tpu.memory_space<vmem>>, vector<16xf32>,
      %get3A_376 = arith.index_cast %scan3A_333 : i32 to index
      %get3A_377 = arith.constant 112 : index
      %get3A_378 = tpu.vector_load %arg16[%get3A_376, %get3A_377] {strides = array<i32>} : memref<96x128xf32, #tpu.memory_space<vmem>>, vector<16xf32>,
      %swap3A_379 = arith.index_cast %scan3A_333 : i32 to index
      %swap3A_380 = arith.constant 112 : index
      %swap3A_381 = tpu.vector_load %arg18[%swap3A_379, %swap3A_380] {strides = array<i32>} : memref<96x128xf32, #tpu.memory_space<vmem>>, vector<16xf32>,
      tpu.vector_store %arg18[%swap3A_379, %swap3A_380], %get3A_378 {strides = array<i32>} : memref<96x128xf32, #tpu.memory_space<vmem>>, vector<16xf32>,
    }
    %scan3A_123 = arith.constant 96 : i32
    %get3A_124 = arith.constant 96 : index
    %get3A_125 = tpu.vector_load %arg9[%get3A_124] {strides = array<i32>} : memref<10016xi32, #tpu.memory_space<vmem>>, vector<16xi32>,
    %get3A_126 = arith.constant 96 : index
    %get3A_127 = tpu.vector_load %arg10[%get3A_126] {strides = array<i32>} : memref<10016xi32, #tpu.memory_space<vmem>>, vector<16xi32>,
    %gather3A_128 = tpu.vector_load_idx %arg11[%get3A_125] : memref<10240xf32, #tpu.memory_space<vmem>>[vector<16xi32>], vector<16xf32>,
    %gather3A_129 = tpu.vector_load_idx %arg12[%get3A_127] : memref<10240xf32, #tpu.memory_space<vmem>>[vector<16xi32>], vector<16xf32>,
    %mul3A_130 = arith.mulf %gather3A_128, %gather3A_129 : vector<16xf32>
    %swap3A_131 = arith.constant 96 : index
    %swap3A_132 = tpu.vector_load %arg19[%swap3A_131] {strides = array<i32>} : memref<10016xf32, #tpu.memory_space<vmem>>, vector<16xf32>,
    tpu.vector_store %arg19[%swap3A_131], %mul3A_130 {strides = array<i32>} : memref<10016xf32, #tpu.memory_space<vmem>>, vector<16xf32>,
    %get3A_133 = arith.constant 112 : index
    %get3A_134 = tpu.vector_load %arg9[%get3A_133] {strides = array<i32>} : memref<10016xi32, #tpu.memory_space<vmem>>, vector<16xi32>,
    %get3A_135 = arith.constant 112 : index
    %get3A_136 = tpu.vector_load %arg10[%get3A_135] {strides = array<i32>} : memref<10016xi32, #tpu.memory_space<vmem>>, vector<16xi32>,
    %gather3A_137 = tpu.vector_load_idx %arg11[%get3A_134] : memref<10240xf32, #tpu.memory_space<vmem>>[vector<16xi32>], vector<16xf32>,
    %gather3A_138 = tpu.vector_load_idx %arg12[%get3A_136] : memref<10240xf32, #tpu.memory_space<vmem>>[vector<16xi32>], vector<16xf32>,
    %mul3A_139 = arith.mulf %gather3A_137, %gather3A_138 : vector<16xf32>
    %swap3A_140 = arith.constant 112 : index
    %swap3A_141 = tpu.vector_load %arg19[%swap3A_140] {strides = array<i32>} : memref<10016xf32, #tpu.memory_space<vmem>>, vector<16xf32>,
    tpu.vector_store %arg19[%swap3A_140], %mul3A_139 {strides = array<i32>} : memref<10016xf32, #tpu.memory_space<vmem>>, vector<16xf32>,
    %get3A_142 = arith.constant 128 : index
    %get3A_143 = tpu.vector_load %arg9[%get3A_142] {strides = array<i32>} : memref<10016xi32, #tpu.memory_space<vmem>>, vector<16xi32>,
    %get3A_144 = arith.constant 128 : index
    %get3A_145 = tpu.vector_load %arg10[%get3A_144] {strides = array<i32>} : memref<10016xi32, #tpu.memory_space<vmem>>, vector<16xi32>,
    %gather3A_146 = tpu.vector_load_idx %arg11[%get3A_143] : memref<10240xf32, #tpu.memory_space<vmem>>[vector<16xi32>], vector<16xf32>,
    %gather3A_147 = tpu.vector_load_idx %arg12[%get3A_145] : memref<10240xf32, #tpu.memory_space<vmem>>[vector<16xi32>], vector<16xf32>,
    %mul3A_148 = arith.mulf %gather3A_146, %gather3A_147 : vector<16xf32>
    %swap3A_149 = arith.constant 128 : index
    %swap3A_150 = tpu.vector_load %arg19[%swap3A_149] {strides = array<i32>} : memref<10016xf32, #tpu.memory_space<vmem>>, vector<16xf32>,
    tpu.vector_store %arg19[%swap3A_149], %mul3A_148 {strides = array<i32>} : memref<10016xf32, #tpu.memory_space<vmem>>, vector<16xf32>,
    %get3A_151 = arith.constant 144 : index
    %get3A_152 = tpu.vector_load %arg9[%get3A_151] {strides = array<i32>} : memref<10016xi32, #tpu.memory_space<vmem>>, vector<16xi32>,
    %get3A_153 = arith.constant 144 : index
    %get3A_154 = tpu.vector_load %arg10[%get3A_153] {strides = array<i32>} : memref<10016xi32, #tpu.memory_space<vmem>>, vector<16xi32>,
    %gather3A_155 = tpu.vector_load_idx %arg11[%get3A_152] : memref<10240xf32, #tpu.memory_space<vmem>>[vector<16xi32>], vector<16xf32>,
    %gather3A_156 = tpu.vector_load_idx %arg12[%get3A_154] : memref<10240xf32, #tpu.memory_space<vmem>>[vector<16xi32>], vector<16xf32>,
    %mul3A_157 = arith.mulf %gather3A_155, %gather3A_156 : vector<16xf32>
    %swap3A_158 = arith.constant 144 : index
    %swap3A_159 = tpu.vector_load %arg19[%swap3A_158] {strides = array<i32>} : memref<10016xf32, #tpu.memory_space<vmem>>, vector<16xf32>,
    tpu.vector_store %arg19[%swap3A_158], %mul3A_157 {strides = array<i32>} : memref<10016xf32, #tpu.memory_space<vmem>>, vector<16xf32>,
    %get3A_160 = arith.constant 160 : index
    %get3A_161 = tpu.vector_load %arg9[%get3A_160] {strides = array<i32>} : memref<10016xi32, #tpu.memory_space<vmem>>, vector<16xi32>,
    %get3A_162 = arith.constant 160 : index
    %get3A_163 = tpu.vector_load %arg10[%get3A_162] {strides = array<i32>} : memref<10016xi32, #tpu.memory_space<vmem>>, vector<16xi32>,
    %gather3A_164 = tpu.vector_load_idx %arg11[%get3A_161] : memref<10240xf32, #tpu.memory_space<vmem>>[vector<16xi32>], vector<16xf32>,
    %gather3A_165 = tpu.vector_load_idx %arg12[%get3A_163] : memref<10240xf32, #tpu.memory_space<vmem>>[vector<16xi32>], vector<16xf32>,
    %mul3A_166 = arith.mulf %gather3A_164, %gather3A_165 : vector<16xf32>
    %swap3A_167 = arith.constant 160 : index
    %swap3A_168 = tpu.vector_load %arg19[%swap3A_167] {strides = array<i32>} : memref<10016xf32, #tpu.memory_space<vmem>>, vector<16xf32>,
    tpu.vector_store %arg19[%swap3A_167], %mul3A_166 {strides = array<i32>} : memref<10016xf32, #tpu.memory_space<vmem>>, vector<16xf32>,
    %get3A_169 = arith.constant 176 : index
    %get3A_170 = tpu.vector_load %arg9[%get3A_169] {strides = array<i32>} : memref<10016xi32, #tpu.memory_space<vmem>>, vector<16xi32>,
    %get3A_171 = arith.constant 176 : index
    %get3A_172 = tpu.vector_load %arg10[%get3A_171] {strides = array<i32>} : memref<10016xi32, #tpu.memory_space<vmem>>, vector<16xi32>,
    %gather3A_173 = tpu.vector_load_idx %arg11[%get3A_170] : memref<10240xf32, #tpu.memory_space<vmem>>[vector<16xi32>], vector<16xf32>,
    %gather3A_174 = tpu.vector_load_idx %arg12[%get3A_172] : memref<10240xf32, #tpu.memory_space<vmem>>[vector<16xi32>], vector<16xf32>,
    %mul3A_175 = arith.mulf %gather3A_173, %gather3A_174 : vector<16xf32>
    %swap3A_176 = arith.constant 176 : index
    %swap3A_177 = tpu.vector_load %arg19[%swap3A_176] {strides = array<i32>} : memref<10016xf32, #tpu.memory_space<vmem>>, vector<16xf32>,
    tpu.vector_store %arg19[%swap3A_176], %mul3A_175 {strides = array<i32>} : memref<10016xf32, #tpu.memory_space<vmem>>, vector<16xf32>,
    %add3A_178 = arith.constant 96 : i32
    %add3A_179 = arith.addi %mul3A_2, %add3A_178 : i32
    %dma_start3A_180 = arith.constant 0 : i32
    %dma_start3A_181 = tpu.memref_slice %arg7[%add3A_179, %dma_start3A_180] : memref<320000x128xf32, #tpu.memory_space<hbm>> -> memref<96x128xf32, #tpu.memory_space<hbm>>
    %dma_start3A_182 = arith.constant 0 : i32
    %dma_start3A_183 = tpu.memref_slice %arg7[%add3A_179, %dma_start3A_182] : memref<320000x128xf32, #tpu.memory_space<hbm>> -> memref<96x128xf32, #tpu.memory_space<hbm>>
    tpu.enqueue_dma source(%arg18 : memref<96x128xf32, #tpu.memory_space<vmem>>) target(%dma_start3A_183 : memref<96x128xf32, #tpu.memory_space<hbm>>) target_semaphore(%arg23 : memref<!tpu.dma_semaphore, #tpu.memory_space<semaphore_mem>>)
    %scan3A_184 = arith.constant 0 : i32
    %scan3A_185 = arith.constant 1 : i32
    %scan3A_186 = arith.constant 52 : i32
    %scan3A_187 = arith.addi %scan3A_185, %scan3A_186 : i32
    %scan3A_188 = arith.constant 1 : i32
    scf.for %scan3A_333 = %scan3A_185 to %scan3A_187 step %scan3A_188  : i32 {
      %mul3A_334 = arith.constant 2 : i32
      %mul3A_335 = arith.muli %mul3A_334, %scan3A_333 : i32
      %add3A_336 = arith.constant 1 : i32
      %add3A_337 = arith.addi %mul3A_335, %add3A_336 : i32
      %min3A = arith.constant 103 : i32
      %min3A_338 = arith.minsi %add3A_337, %min3A : i32
      %mul3A_339 = arith.constant 2 : i32
      %mul3A_340 = arith.muli %mul3A_339, %scan3A_333 : i32
      %add3A_341 = arith.constant 2 : i32
      %add3A_342 = arith.addi %mul3A_340, %add3A_341 : i32
      %min3A_343 = arith.constant 103 : i32
      %min3A_344 = arith.minsi %add3A_342, %min3A_343 : i32
      %mul3A_345 = arith.constant 2 : i32
      %mul3A_346 = arith.muli %mul3A_345, %scan3A_333 : i32
      %min3A_347 = arith.constant 103 : i32
      %min3A_348 = arith.minsi %mul3A_346, %min3A_347 : i32
      %mul3A_349 = arith.constant 96 : i32
      %mul3A_350 = arith.muli %min3A_338, %mul3A_349 : i32
      %dma_start3A_351 = tpu.memref_slice %arg9[%mul3A_350] : memref<10016xi32, #tpu.memory_space<vmem>> -> memref<96xi32, #tpu.memory_space<vmem>>
      %dma_start3A_352 = arith.constant 0 : i32
      %dma_start3A_353 = arith.constant 0 : i32
      %dma_start3A_354 = tpu.memref_slice %arg2[%dma_start3A_352, %dma_start3A_353] : memref<10240x128xf32, #tpu.memory_space<hbm>> -> memref<10240x128xf32, #tpu.memory_space<hbm>>
      tpu.enqueue_indirect_dma source(%dma_start3A_354 : memref<10240x128xf32, #tpu.memory_space<hbm>>) target(%arg15 : memref<96x128xf32, #tpu.memory_space<vmem>>) offsets(%dma_start3A_351 : memref<96xi32, #tpu.memory_space<vmem>>) semaphore(%arg21 : memref<!tpu.dma_semaphore, #tpu.memory_space<semaphore_mem>>)
      %dma_start3A_355 = tpu.memref_slice %arg10[%mul3A_350] : memref<10016xi32, #tpu.memory_space<vmem>> -> memref<96xi32, #tpu.memory_space<vmem>>
      %dma_start3A_356 = arith.constant 0 : i32
      %dma_start3A_357 = arith.constant 0 : i32
      %dma_start3A_358 = tpu.memref_slice %arg2[%dma_start3A_356, %dma_start3A_357] : memref<10240x128xf32, #tpu.memory_space<hbm>> -> memref<10240x128xf32, #tpu.memory_space<hbm>>
      tpu.enqueue_indirect_dma source(%dma_start3A_358 : memref<10240x128xf32, #tpu.memory_space<hbm>>) target(%arg16 : memref<96x128xf32, #tpu.memory_space<vmem>>) offsets(%dma_start3A_355 : memref<96xi32, #tpu.memory_space<vmem>>) semaphore(%arg21 : memref<!tpu.dma_semaphore, #tpu.memory_space<semaphore_mem>>)
      %mul3A_359 = arith.constant 96 : i32
      %mul3A_360 = arith.muli %min3A_348, %mul3A_359 : i32
      %dma_wait3A_361 = tpu.memref_slice %arg9[%mul3A_360] : memref<10016xi32, #tpu.memory_space<vmem>> -> memref<96xi32, #tpu.memory_space<vmem>>
      %dma_wait3A_362 = arith.constant 0 : i32
      %dma_wait3A_363 = arith.constant 0 : i32
      %dma_wait3A_364 = tpu.memref_slice %arg2[%dma_wait3A_362, %dma_wait3A_363] : memref<10240x128xf32, #tpu.memory_space<hbm>> -> memref<10240x128xf32, #tpu.memory_space<hbm>>
      tpu.wait_indirect_dma semaphore(%arg20 : memref<!tpu.dma_semaphore, #tpu.memory_space<semaphore_mem>>) src(%dma_wait3A_364 : memref<10240x128xf32, #tpu.memory_space<hbm>>) dst(%arg13 : memref<96x128xf32, #tpu.memory_space<vmem>>)
      %dma_wait3A_365 = tpu.memref_slice %arg10[%mul3A_360] : memref<10016xi32, #tpu.memory_space<vmem>> -> memref<96xi32, #tpu.memory_space<vmem>>
      %dma_wait3A_366 = arith.constant 0 : i32
      %dma_wait3A_367 = arith.constant 0 : i32
      %dma_wait3A_368 = tpu.memref_slice %arg2[%dma_wait3A_366, %dma_wait3A_367] : memref<10240x128xf32, #tpu.memory_space<hbm>> -> memref<10240x128xf32, #tpu.memory_space<hbm>>
      tpu.wait_indirect_dma semaphore(%arg20 : memref<!tpu.dma_semaphore, #tpu.memory_space<semaphore_mem>>) src(%dma_wait3A_368 : memref<10240x128xf32, #tpu.memory_space<hbm>>) dst(%arg14 : memref<96x128xf32, #tpu.memory_space<vmem>>)
      %add3A_369 = arith.addi %mul3A_2, %mul3A_360 : i32
      %dma_wait3A_370 = arith.constant 0 : i32
      %dma_wait3A_371 = tpu.memref_slice %arg7[%add3A_369, %dma_wait3A_370] : memref<320000x128xf32, #tpu.memory_space<hbm>> -> memref<96x128xf32, #tpu.memory_space<hbm>>
      %dma_wait3A_372 = arith.constant 0 : i32
      %dma_wait3A_373 = tpu.memref_slice %arg7[%add3A_369, %dma_wait3A_372] : memref<320000x128xf32, #tpu.memory_space<hbm>> -> memref<96x128xf32, #tpu.memory_space<hbm>>
      tpu.wait_dma2 semaphore(%arg22 : memref<!tpu.dma_semaphore, #tpu.memory_space<semaphore_mem>>) src(%arg17 : memref<96x128xf32, #tpu.memory_space<vmem>>) dst(%dma_wait3A_373 : memref<96x128xf32, #tpu.memory_space<hbm>>)
      %scan3A_374 = arith.constant 0 : i32
      %scan3A_375 = arith.constant 0 : i32
      %scan3A_376 = arith.constant 96 : i32
      %scan3A_377 = arith.addi %scan3A_375, %scan3A_376 : i32
      %scan3A_378 = arith.constant 1 : i32
      scf.for %scan3A_601 = %scan3A_375 to %scan3A_377 step %scan3A_378  : i32 {
        %get3A_602 = arith.index_cast %scan3A_601 : i32 to index
        %get3A_603 = arith.constant 0 : index
        %get3A_604 = tpu.vector_load %arg13[%get3A_602, %get3A_603] {strides = array<i32>} : memref<96x128xf32, #tpu.memory_space<vmem>>, vector<16xf32>,
        %swap3A_605 = arith.index_cast %scan3A_601 : i32 to index
        %swap3A_606 = arith.constant 0 : index
        %swap3A_607 = tpu.vector_load %arg17[%swap3A_605, %swap3A_606] {strides = array<i32>} : memref<96x128xf32, #tpu.memory_space<vmem>>, vector<16xf32>,
        tpu.vector_store %arg17[%swap3A_605, %swap3A_606], %get3A_604 {strides = array<i32>} : memref<96x128xf32, #tpu.memory_space<vmem>>, vector<16xf32>,
        %get3A_608 = arith.index_cast %scan3A_601 : i32 to index
        %get3A_609 = arith.constant 64 : index
        %get3A_610 = tpu.vector_load %arg14[%get3A_608, %get3A_609] {strides = array<i32>} : memref<96x128xf32, #tpu.memory_space<vmem>>, vector<16xf32>,
        %swap3A_611 = arith.index_cast %scan3A_601 : i32 to index
        %swap3A_612 = arith.constant 64 : index
        %swap3A_613 = tpu.vector_load %arg17[%swap3A_611, %swap3A_612] {strides = array<i32>} : memref<96x128xf32, #tpu.memory_space<vmem>>, vector<16xf32>,
        tpu.vector_store %arg17[%swap3A_611, %swap3A_612], %get3A_610 {strides = array<i32>} : memref<96x128xf32, #tpu.memory_space<vmem>>, vector<16xf32>,
        %get3A_614 = arith.index_cast %scan3A_601 : i32 to index
        %get3A_615 = arith.constant 16 : index
        %get3A_616 = tpu.vector_load %arg13[%get3A_614, %get3A_615] {strides = array<i32>} : memref<96x128xf32, #tpu.memory_space<vmem>>, vector<16xf32>,
        %swap3A_617 = arith.index_cast %scan3A_601 : i32 to index
        %swap3A_618 = arith.constant 16 : index
        %swap3A_619 = tpu.vector_load %arg17[%swap3A_617, %swap3A_618] {strides = array<i32>} : memref<96x128xf32, #tpu.memory_space<vmem>>, vector<16xf32>,
        tpu.vector_store %arg17[%swap3A_617, %swap3A_618], %get3A_616 {strides = array<i32>} : memref<96x128xf32, #tpu.memory_space<vmem>>, vector<16xf32>,
        %get3A_620 = arith.index_cast %scan3A_601 : i32 to index
        %get3A_621 = arith.constant 80 : index
        %get3A_622 = tpu.vector_load %arg14[%get3A_620, %get3A_621] {strides = array<i32>} : memref<96x128xf32, #tpu.memory_space<vmem>>, vector<16xf32>,
        %swap3A_623 = arith.index_cast %scan3A_601 : i32 to index
        %swap3A_624 = arith.constant 80 : index
        %swap3A_625 = tpu.vector_load %arg17[%swap3A_623, %swap3A_624] {strides = array<i32>} : memref<96x128xf32, #tpu.memory_space<vmem>>, vector<16xf32>,
        tpu.vector_store %arg17[%swap3A_623, %swap3A_624], %get3A_622 {strides = array<i32>} : memref<96x128xf32, #tpu.memory_space<vmem>>, vector<16xf32>,
        %get3A_626 = arith.index_cast %scan3A_601 : i32 to index
        %get3A_627 = arith.constant 32 : index
        %get3A_628 = tpu.vector_load %arg13[%get3A_626, %get3A_627] {strides = array<i32>} : memref<96x128xf32, #tpu.memory_space<vmem>>, vector<16xf32>,
        %swap3A_629 = arith.index_cast %scan3A_601 : i32 to index
        %swap3A_630 = arith.constant 32 : index
        %swap3A_631 = tpu.vector_load %arg17[%swap3A_629, %swap3A_630] {strides = array<i32>} : memref<96x128xf32, #tpu.memory_space<vmem>>, vector<16xf32>,
        tpu.vector_store %arg17[%swap3A_629, %swap3A_630], %get3A_628 {strides = array<i32>} : memref<96x128xf32, #tpu.memory_space<vmem>>, vector<16xf32>,
        %get3A_632 = arith.index_cast %scan3A_601 : i32 to index
        %get3A_633 = arith.constant 96 : index
        %get3A_634 = tpu.vector_load %arg14[%get3A_632, %get3A_633] {strides = array<i32>} : memref<96x128xf32, #tpu.memory_space<vmem>>, vector<16xf32>,
        %swap3A_635 = arith.index_cast %scan3A_601 : i32 to index
        %swap3A_636 = arith.constant 96 : index
        %swap3A_637 = tpu.vector_load %arg17[%swap3A_635, %swap3A_636] {strides = array<i32>} : memref<96x128xf32, #tpu.memory_space<vmem>>, vector<16xf32>,
        tpu.vector_store %arg17[%swap3A_635, %swap3A_636], %get3A_634 {strides = array<i32>} : memref<96x128xf32, #tpu.memory_space<vmem>>, vector<16xf32>,
        %get3A_638 = arith.index_cast %scan3A_601 : i32 to index
        %get3A_639 = arith.constant 48 : index
        %get3A_640 = tpu.vector_load %arg13[%get3A_638, %get3A_639] {strides = array<i32>} : memref<96x128xf32, #tpu.memory_space<vmem>>, vector<16xf32>,
        %swap3A_641 = arith.index_cast %scan3A_601 : i32 to index
        %swap3A_642 = arith.constant 48 : index
        %swap3A_643 = tpu.vector_load %arg17[%swap3A_641, %swap3A_642] {strides = array<i32>} : memref<96x128xf32, #tpu.memory_space<vmem>>, vector<16xf32>,
        tpu.vector_store %arg17[%swap3A_641, %swap3A_642], %get3A_640 {strides = array<i32>} : memref<96x128xf32, #tpu.memory_space<vmem>>, vector<16xf32>,
        %get3A_644 = arith.index_cast %scan3A_601 : i32 to index
        %get3A_645 = arith.constant 112 : index
        %get3A_646 = tpu.vector_load %arg14[%get3A_644, %get3A_645] {strides = array<i32>} : memref<96x128xf32, #tpu.memory_space<vmem>>, vector<16xf32>,
        %swap3A_647 = arith.index_cast %scan3A_601 : i32 to index
        %swap3A_648 = arith.constant 112 : index
        %swap3A_649 = tpu.vector_load %arg17[%swap3A_647, %swap3A_648] {strides = array<i32>} : memref<96x128xf32, #tpu.memory_space<vmem>>, vector<16xf32>,
        tpu.vector_store %arg17[%swap3A_647, %swap3A_648], %get3A_646 {strides = array<i32>} : memref<96x128xf32, #tpu.memory_space<vmem>>, vector<16xf32>,
      }
      %scan3A_379 = arith.constant 96 : i32
      %add3A_380 = arith.constant 0 : i32
      %add3A_381 = arith.addi %mul3A_360, %add3A_380 : i32
      %get3A_382 = arith.index_cast %add3A_381 : i32 to index
      %get3A_383 = tpu.vector_load %arg9[%get3A_382] {strides = array<i32>} : memref<10016xi32, #tpu.memory_space<vmem>>, vector<16xi32>,
      %add3A_384 = arith.constant 0 : i32
      %add3A_385 = arith.addi %mul3A_360, %add3A_384 : i32
      %get3A_386 = arith.index_cast %add3A_385 : i32 to index
      %get3A_387 = tpu.vector_load %arg10[%get3A_386] {strides = array<i32>} : memref<10016xi32, #tpu.memory_space<vmem>>, vector<16xi32>,
      %gather3A_388 = tpu.vector_load_idx %arg11[%get3A_383] : memref<10240xf32, #tpu.memory_space<vmem>>[vector<16xi32>], vector<16xf32>,
      %gather3A_389 = tpu.vector_load_idx %arg12[%get3A_387] : memref<10240xf32, #tpu.memory_space<vmem>>[vector<16xi32>], vector<16xf32>,
      %mul3A_390 = arith.mulf %gather3A_388, %gather3A_389 : vector<16xf32>
      %add3A_391 = arith.constant 0 : i32
      %add3A_392 = arith.addi %mul3A_360, %add3A_391 : i32
      %swap3A_393 = arith.index_cast %add3A_392 : i32 to index
      %swap3A_394 = tpu.vector_load %arg19[%swap3A_393] {strides = array<i32>} : memref<10016xf32, #tpu.memory_space<vmem>>, vector<16xf32>,
      tpu.vector_store %arg19[%swap3A_393], %mul3A_390 {strides = array<i32>} : memref<10016xf32, #tpu.memory_space<vmem>>, vector<16xf32>,
      %add3A_395 = arith.constant 16 : i32
      %add3A_396 = arith.addi %mul3A_360, %add3A_395 : i32
      %get3A_397 = arith.index_cast %add3A_396 : i32 to index
      %get3A_398 = tpu.vector_load %arg9[%get3A_397] {strides = array<i32>} : memref<10016xi32, #tpu.memory_space<vmem>>, vector<16xi32>,
      %add3A_399 = arith.constant 16 : i32
      %add3A_400 = arith.addi %mul3A_360, %add3A_399 : i32
      %get3A_401 = arith.index_cast %add3A_400 : i32 to index
      %get3A_402 = tpu.vector_load %arg10[%get3A_401] {strides = array<i32>} : memref<10016xi32, #tpu.memory_space<vmem>>, vector<16xi32>,
      %gather3A_403 = tpu.vector_load_idx %arg11[%get3A_398] : memref<10240xf32, #tpu.memory_space<vmem>>[vector<16xi32>], vector<16xf32>,
      %gather3A_404 = tpu.vector_load_idx %arg12[%get3A_402] : memref<10240xf32, #tpu.memory_space<vmem>>[vector<16xi32>], vector<16xf32>,
      %mul3A_405 = arith.mulf %gather3A_403, %gather3A_404 : vector<16xf32>
      %add3A_406 = arith.constant 16 : i32
      %add3A_407 = arith.addi %mul3A_360, %add3A_406 : i32
      %swap3A_408 = arith.index_cast %add3A_407 : i32 to index
      %swap3A_409 = tpu.vector_load %arg19[%swap3A_408] {strides = array<i32>} : memref<10016xf32, #tpu.memory_space<vmem>>, vector<16xf32>,
      tpu.vector_store %arg19[%swap3A_408], %mul3A_405 {strides = array<i32>} : memref<10016xf32, #tpu.memory_space<vmem>>, vector<16xf32>,
      %add3A_410 = arith.constant 32 : i32
      %add3A_411 = arith.addi %mul3A_360, %add3A_410 : i32
      %get3A_412 = arith.index_cast %add3A_411 : i32 to index
      %get3A_413 = tpu.vector_load %arg9[%get3A_412] {strides = array<i32>} : memref<10016xi32, #tpu.memory_space<vmem>>, vector<16xi32>,
      %add3A_414 = arith.constant 32 : i32
      %add3A_415 = arith.addi %mul3A_360, %add3A_414 : i32
      %get3A_416 = arith.index_cast %add3A_415 : i32 to index
      %get3A_417 = tpu.vector_load %arg10[%get3A_416] {strides = array<i32>} : memref<10016xi32, #tpu.memory_space<vmem>>, vector<16xi32>,
      %gather3A_418 = tpu.vector_load_idx %arg11[%get3A_413] : memref<10240xf32, #tpu.memory_space<vmem>>[vector<16xi32>], vector<16xf32>,
      %gather3A_419 = tpu.vector_load_idx %arg12[%get3A_417] : memref<10240xf32, #tpu.memory_space<vmem>>[vector<16xi32>], vector<16xf32>,
      %mul3A_420 = arith.mulf %gather3A_418, %gather3A_419 : vector<16xf32>
      %add3A_421 = arith.constant 32 : i32
      %add3A_422 = arith.addi %mul3A_360, %add3A_421 : i32
      %swap3A_423 = arith.index_cast %add3A_422 : i32 to index
      %swap3A_424 = tpu.vector_load %arg19[%swap3A_423] {strides = array<i32>} : memref<10016xf32, #tpu.memory_space<vmem>>, vector<16xf32>,
      tpu.vector_store %arg19[%swap3A_423], %mul3A_420 {strides = array<i32>} : memref<10016xf32, #tpu.memory_space<vmem>>, vector<16xf32>,
      %add3A_425 = arith.constant 48 : i32
      %add3A_426 = arith.addi %mul3A_360, %add3A_425 : i32
      %get3A_427 = arith.index_cast %add3A_426 : i32 to index
      %get3A_428 = tpu.vector_load %arg9[%get3A_427] {strides = array<i32>} : memref<10016xi32, #tpu.memory_space<vmem>>, vector<16xi32>,
      %add3A_429 = arith.constant 48 : i32
      %add3A_430 = arith.addi %mul3A_360, %add3A_429 : i32
      %get3A_431 = arith.index_cast %add3A_430 : i32 to index
      %get3A_432 = tpu.vector_load %arg10[%get3A_431] {strides = array<i32>} : memref<10016xi32, #tpu.memory_space<vmem>>, vector<16xi32>,
      %gather3A_433 = tpu.vector_load_idx %arg11[%get3A_428] : memref<10240xf32, #tpu.memory_space<vmem>>[vector<16xi32>], vector<16xf32>,
      %gather3A_434 = tpu.vector_load_idx %arg12[%get3A_432] : memref<10240xf32, #tpu.memory_space<vmem>>[vector<16xi32>], vector<16xf32>,
      %mul3A_435 = arith.mulf %gather3A_433, %gather3A_434 : vector<16xf32>
      %add3A_436 = arith.constant 48 : i32
      %add3A_437 = arith.addi %mul3A_360, %add3A_436 : i32
      %swap3A_438 = arith.index_cast %add3A_437 : i32 to index
      %swap3A_439 = tpu.vector_load %arg19[%swap3A_438] {strides = array<i32>} : memref<10016xf32, #tpu.memory_space<vmem>>, vector<16xf32>,
      tpu.vector_store %arg19[%swap3A_438], %mul3A_435 {strides = array<i32>} : memref<10016xf32, #tpu.memory_space<vmem>>, vector<16xf32>,
      %add3A_440 = arith.constant 64 : i32
      %add3A_441 = arith.addi %mul3A_360, %add3A_440 : i32
      %get3A_442 = arith.index_cast %add3A_441 : i32 to index
      %get3A_443 = tpu.vector_load %arg9[%get3A_442] {strides = array<i32>} : memref<10016xi32, #tpu.memory_space<vmem>>, vector<16xi32>,
      %add3A_444 = arith.constant 64 : i32
      %add3A_445 = arith.addi %mul3A_360, %add3A_444 : i32
      %get3A_446 = arith.index_cast %add3A_445 : i32 to index
      %get3A_447 = tpu.vector_load %arg10[%get3A_446] {strides = array<i32>} : memref<10016xi32, #tpu.memory_space<vmem>>, vector<16xi32>,
      %gather3A_448 = tpu.vector_load_idx %arg11[%get3A_443] : memref<10240xf32, #tpu.memory_space<vmem>>[vector<16xi32>], vector<16xf32>,
      %gather3A_449 = tpu.vector_load_idx %arg12[%get3A_447] : memref<10240xf32, #tpu.memory_space<vmem>>[vector<16xi32>], vector<16xf32>,
      %mul3A_450 = arith.mulf %gather3A_448, %gather3A_449 : vector<16xf32>
      %add3A_451 = arith.constant 64 : i32
      %add3A_452 = arith.addi %mul3A_360, %add3A_451 : i32
      %swap3A_453 = arith.index_cast %add3A_452 : i32 to index
      %swap3A_454 = tpu.vector_load %arg19[%swap3A_453] {strides = array<i32>} : memref<10016xf32, #tpu.memory_space<vmem>>, vector<16xf32>,
      tpu.vector_store %arg19[%swap3A_453], %mul3A_450 {strides = array<i32>} : memref<10016xf32, #tpu.memory_space<vmem>>, vector<16xf32>,
      %add3A_455 = arith.constant 80 : i32
      %add3A_456 = arith.addi %mul3A_360, %add3A_455 : i32
      %get3A_457 = arith.index_cast %add3A_456 : i32 to index
      %get3A_458 = tpu.vector_load %arg9[%get3A_457] {strides = array<i32>} : memref<10016xi32, #tpu.memory_space<vmem>>, vector<16xi32>,
      %add3A_459 = arith.constant 80 : i32
      %add3A_460 = arith.addi %mul3A_360, %add3A_459 : i32
      %get3A_461 = arith.index_cast %add3A_460 : i32 to index
      %get3A_462 = tpu.vector_load %arg10[%get3A_461] {strides = array<i32>} : memref<10016xi32, #tpu.memory_space<vmem>>, vector<16xi32>,
      %gather3A_463 = tpu.vector_load_idx %arg11[%get3A_458] : memref<10240xf32, #tpu.memory_space<vmem>>[vector<16xi32>], vector<16xf32>,
      %gather3A_464 = tpu.vector_load_idx %arg12[%get3A_462] : memref<10240xf32, #tpu.memory_space<vmem>>[vector<16xi32>], vector<16xf32>,
      %mul3A_465 = arith.mulf %gather3A_463, %gather3A_464 : vector<16xf32>
      %add3A_466 = arith.constant 80 : i32
      %add3A_467 = arith.addi %mul3A_360, %add3A_466 : i32
      %swap3A_468 = arith.index_cast %add3A_467 : i32 to index
      %swap3A_469 = tpu.vector_load %arg19[%swap3A_468] {strides = array<i32>} : memref<10016xf32, #tpu.memory_space<vmem>>, vector<16xf32>,
      tpu.vector_store %arg19[%swap3A_468], %mul3A_465 {strides = array<i32>} : memref<10016xf32, #tpu.memory_space<vmem>>, vector<16xf32>,
      %add3A_470 = arith.addi %mul3A_2, %mul3A_360 : i32
      %dma_start3A_471 = arith.constant 0 : i32
      %dma_start3A_472 = tpu.memref_slice %arg7[%add3A_470, %dma_start3A_471] : memref<320000x128xf32, #tpu.memory_space<hbm>> -> memref<96x128xf32, #tpu.memory_space<hbm>>
      %dma_start3A_473 = arith.constant 0 : i32
      %dma_start3A_474 = tpu.memref_slice %arg7[%add3A_470, %dma_start3A_473] : memref<320000x128xf32, #tpu.memory_space<hbm>> -> memref<96x128xf32, #tpu.memory_space<hbm>>
      tpu.enqueue_dma source(%arg17 : memref<96x128xf32, #tpu.memory_space<vmem>>) target(%dma_start3A_474 : memref<96x128xf32, #tpu.memory_space<hbm>>) target_semaphore(%arg22 : memref<!tpu.dma_semaphore, #tpu.memory_space<semaphore_mem>>)
      %mul3A_475 = arith.constant 96 : i32
      %mul3A_476 = arith.muli %min3A_344, %mul3A_475 : i32
      %dma_start3A_477 = tpu.memref_slice %arg9[%mul3A_476] : memref<10016xi32, #tpu.memory_space<vmem>> -> memref<96xi32, #tpu.memory_space<vmem>>
      %dma_start3A_478 = arith.constant 0 : i32
      %dma_start3A_479 = arith.constant 0 : i32
      %dma_start3A_480 = tpu.memref_slice %arg2[%dma_start3A_478, %dma_start3A_479] : memref<10240x128xf32, #tpu.memory_space<hbm>> -> memref<10240x128xf32, #tpu.memory_space<hbm>>
      tpu.enqueue_indirect_dma source(%dma_start3A_480 : memref<10240x128xf32, #tpu.memory_space<hbm>>) target(%arg13 : memref<96x128xf32, #tpu.memory_space<vmem>>) offsets(%dma_start3A_477 : memref<96xi32, #tpu.memory_space<vmem>>) semaphore(%arg20 : memref<!tpu.dma_semaphore, #tpu.memory_space<semaphore_mem>>)
      %dma_start3A_481 = tpu.memref_slice %arg10[%mul3A_476] : memref<10016xi32, #tpu.memory_space<vmem>> -> memref<96xi32, #tpu.memory_space<vmem>>
      %dma_start3A_482 = arith.constant 0 : i32
      %dma_start3A_483 = arith.constant 0 : i32
      %dma_start3A_484 = tpu.memref_slice %arg2[%dma_start3A_482, %dma_start3A_483] : memref<10240x128xf32, #tpu.memory_space<hbm>> -> memref<10240x128xf32, #tpu.memory_space<hbm>>
      tpu.enqueue_indirect_dma source(%dma_start3A_484 : memref<10240x128xf32, #tpu.memory_space<hbm>>) target(%arg14 : memref<96x128xf32, #tpu.memory_space<vmem>>) offsets(%dma_start3A_481 : memref<96xi32, #tpu.memory_space<vmem>>) semaphore(%arg20 : memref<!tpu.dma_semaphore, #tpu.memory_space<semaphore_mem>>)
      %mul3A_485 = arith.constant 96 : i32
      %mul3A_486 = arith.muli %min3A_338, %mul3A_485 : i32
      %dma_wait3A_487 = tpu.memref_slice %arg9[%mul3A_486] : memref<10016xi32, #tpu.memory_space<vmem>> -> memref<96xi32, #tpu.memory_space<vmem>>
      %dma_wait3A_488 = arith.constant 0 : i32
      %dma_wait3A_489 = arith.constant 0 : i32
      %dma_wait3A_490 = tpu.memref_slice %arg2[%dma_wait3A_488, %dma_wait3A_489] : memref<10240x128xf32, #tpu.memory_space<hbm>> -> memref<10240x128xf32, #tpu.memory_space<hbm>>
      tpu.wait_indirect_dma semaphore(%arg21 : memref<!tpu.dma_semaphore, #tpu.memory_space<semaphore_mem>>) src(%dma_wait3A_490 : memref<10240x128xf32, #tpu.memory_space<hbm>>) dst(%arg15 : memref<96x128xf32, #tpu.memory_space<vmem>>)
      %dma_wait3A_491 = tpu.memref_slice %arg10[%mul3A_486] : memref<10016xi32, #tpu.memory_space<vmem>> -> memref<96xi32, #tpu.memory_space<vmem>>
      %dma_wait3A_492 = arith.constant 0 : i32
      %dma_wait3A_493 = arith.constant 0 : i32
      %dma_wait3A_494 = tpu.memref_slice %arg2[%dma_wait3A_492, %dma_wait3A_493] : memref<10240x128xf32, #tpu.memory_space<hbm>> -> memref<10240x128xf32, #tpu.memory_space<hbm>>
      tpu.wait_indirect_dma semaphore(%arg21 : memref<!tpu.dma_semaphore, #tpu.memory_space<semaphore_mem>>) src(%dma_wait3A_494 : memref<10240x128xf32, #tpu.memory_space<hbm>>) dst(%arg16 : memref<96x128xf32, #tpu.memory_space<vmem>>)
      %add3A_495 = arith.addi %mul3A_2, %mul3A_486 : i32
      %dma_wait3A_496 = arith.constant 0 : i32
      %dma_wait3A_497 = tpu.memref_slice %arg7[%add3A_495, %dma_wait3A_496] : memref<320000x128xf32, #tpu.memory_space<hbm>> -> memref<96x128xf32, #tpu.memory_space<hbm>>
      %dma_wait3A_498 = arith.constant 0 : i32
      %dma_wait3A_499 = tpu.memref_slice %arg7[%add3A_495, %dma_wait3A_498] : memref<320000x128xf32, #tpu.memory_space<hbm>> -> memref<96x128xf32, #tpu.memory_space<hbm>>
      tpu.wait_dma2 semaphore(%arg23 : memref<!tpu.dma_semaphore, #tpu.memory_space<semaphore_mem>>) src(%arg18 : memref<96x128xf32, #tpu.memory_space<vmem>>) dst(%dma_wait3A_499 : memref<96x128xf32, #tpu.memory_space<hbm>>)
      %scan3A_500 = arith.constant 0 : i32
      %scan3A_501 = arith.constant 0 : i32
      %scan3A_502 = arith.constant 96 : i32
      %scan3A_503 = arith.addi %scan3A_501, %scan3A_502 : i32
      %scan3A_504 = arith.constant 1 : i32
      scf.for %scan3A_601 = %scan3A_501 to %scan3A_503 step %scan3A_504  : i32 {
        %get3A_602 = arith.index_cast %scan3A_601 : i32 to index
        %get3A_603 = arith.constant 0 : index
        %get3A_604 = tpu.vector_load %arg15[%get3A_602, %get3A_603] {strides = array<i32>} : memref<96x128xf32, #tpu.memory_space<vmem>>, vector<16xf32>,
        %swap3A_605 = arith.index_cast %scan3A_601 : i32 to index
        %swap3A_606 = arith.constant 0 : index
        %swap3A_607 = tpu.vector_load %arg18[%swap3A_605, %swap3A_606] {strides = array<i32>} : memref<96x128xf32, #tpu.memory_space<vmem>>, vector<16xf32>,
        tpu.vector_store %arg18[%swap3A_605, %swap3A_606], %get3A_604 {strides = array<i32>} : memref<96x128xf32, #tpu.memory_space<vmem>>, vector<16xf32>,
        %get3A_608 = arith.index_cast %scan3A_601 : i32 to index
        %get3A_609 = arith.constant 64 : index
        %get3A_610 = tpu.vector_load %arg16[%get3A_608, %get3A_609] {strides = array<i32>} : memref<96x128xf32, #tpu.memory_space<vmem>>, vector<16xf32>,
        %swap3A_611 = arith.index_cast %scan3A_601 : i32 to index
        %swap3A_612 = arith.constant 64 : index
        %swap3A_613 = tpu.vector_load %arg18[%swap3A_611, %swap3A_612] {strides = array<i32>} : memref<96x128xf32, #tpu.memory_space<vmem>>, vector<16xf32>,
        tpu.vector_store %arg18[%swap3A_611, %swap3A_612], %get3A_610 {strides = array<i32>} : memref<96x128xf32, #tpu.memory_space<vmem>>, vector<16xf32>,
        %get3A_614 = arith.index_cast %scan3A_601 : i32 to index
        %get3A_615 = arith.constant 16 : index
        %get3A_616 = tpu.vector_load %arg15[%get3A_614, %get3A_615] {strides = array<i32>} : memref<96x128xf32, #tpu.memory_space<vmem>>, vector<16xf32>,
        %swap3A_617 = arith.index_cast %scan3A_601 : i32 to index
        %swap3A_618 = arith.constant 16 : index
        %swap3A_619 = tpu.vector_load %arg18[%swap3A_617, %swap3A_618] {strides = array<i32>} : memref<96x128xf32, #tpu.memory_space<vmem>>, vector<16xf32>,
        tpu.vector_store %arg18[%swap3A_617, %swap3A_618], %get3A_616 {strides = array<i32>} : memref<96x128xf32, #tpu.memory_space<vmem>>, vector<16xf32>,
        %get3A_620 = arith.index_cast %scan3A_601 : i32 to index
        %get3A_621 = arith.constant 80 : index
        %get3A_622 = tpu.vector_load %arg16[%get3A_620, %get3A_621] {strides = array<i32>} : memref<96x128xf32, #tpu.memory_space<vmem>>, vector<16xf32>,
        %swap3A_623 = arith.index_cast %scan3A_601 : i32 to index
        %swap3A_624 = arith.constant 80 : index
        %swap3A_625 = tpu.vector_load %arg18[%swap3A_623, %swap3A_624] {strides = array<i32>} : memref<96x128xf32, #tpu.memory_space<vmem>>, vector<16xf32>,
        tpu.vector_store %arg18[%swap3A_623, %swap3A_624], %get3A_622 {strides = array<i32>} : memref<96x128xf32, #tpu.memory_space<vmem>>, vector<16xf32>,
        %get3A_626 = arith.index_cast %scan3A_601 : i32 to index
        %get3A_627 = arith.constant 32 : index
        %get3A_628 = tpu.vector_load %arg15[%get3A_626, %get3A_627] {strides = array<i32>} : memref<96x128xf32, #tpu.memory_space<vmem>>, vector<16xf32>,
        %swap3A_629 = arith.index_cast %scan3A_601 : i32 to index
        %swap3A_630 = arith.constant 32 : index
        %swap3A_631 = tpu.vector_load %arg18[%swap3A_629, %swap3A_630] {strides = array<i32>} : memref<96x128xf32, #tpu.memory_space<vmem>>, vector<16xf32>,
        tpu.vector_store %arg18[%swap3A_629, %swap3A_630], %get3A_628 {strides = array<i32>} : memref<96x128xf32, #tpu.memory_space<vmem>>, vector<16xf32>,
        %get3A_632 = arith.index_cast %scan3A_601 : i32 to index
        %get3A_633 = arith.constant 96 : index
        %get3A_634 = tpu.vector_load %arg16[%get3A_632, %get3A_633] {strides = array<i32>} : memref<96x128xf32, #tpu.memory_space<vmem>>, vector<16xf32>,
        %swap3A_635 = arith.index_cast %scan3A_601 : i32 to index
        %swap3A_636 = arith.constant 96 : index
        %swap3A_637 = tpu.vector_load %arg18[%swap3A_635, %swap3A_636] {strides = array<i32>} : memref<96x128xf32, #tpu.memory_space<vmem>>, vector<16xf32>,
        tpu.vector_store %arg18[%swap3A_635, %swap3A_636], %get3A_634 {strides = array<i32>} : memref<96x128xf32, #tpu.memory_space<vmem>>, vector<16xf32>,
        %get3A_638 = arith.index_cast %scan3A_601 : i32 to index
        %get3A_639 = arith.constant 48 : index
        %get3A_640 = tpu.vector_load %arg15[%get3A_638, %get3A_639] {strides = array<i32>} : memref<96x128xf32, #tpu.memory_space<vmem>>, vector<16xf32>,
        %swap3A_641 = arith.index_cast %scan3A_601 : i32 to index
        %swap3A_642 = arith.constant 48 : index
        %swap3A_643 = tpu.vector_load %arg18[%swap3A_641, %swap3A_642] {strides = array<i32>} : memref<96x128xf32, #tpu.memory_space<vmem>>, vector<16xf32>,
        tpu.vector_store %arg18[%swap3A_641, %swap3A_642], %get3A_640 {strides = array<i32>} : memref<96x128xf32, #tpu.memory_space<vmem>>, vector<16xf32>,
        %get3A_644 = arith.index_cast %scan3A_601 : i32 to index
        %get3A_645 = arith.constant 112 : index
        %get3A_646 = tpu.vector_load %arg16[%get3A_644, %get3A_645] {strides = array<i32>} : memref<96x128xf32, #tpu.memory_space<vmem>>, vector<16xf32>,
        %swap3A_647 = arith.index_cast %scan3A_601 : i32 to index
        %swap3A_648 = arith.constant 112 : index
        %swap3A_649 = tpu.vector_load %arg18[%swap3A_647, %swap3A_648] {strides = array<i32>} : memref<96x128xf32, #tpu.memory_space<vmem>>, vector<16xf32>,
        tpu.vector_store %arg18[%swap3A_647, %swap3A_648], %get3A_646 {strides = array<i32>} : memref<96x128xf32, #tpu.memory_space<vmem>>, vector<16xf32>,
      }
      %scan3A_505 = arith.constant 96 : i32
      %add3A_506 = arith.constant 0 : i32
      %add3A_507 = arith.addi %mul3A_486, %add3A_506 : i32
      %get3A_508 = arith.index_cast %add3A_507 : i32 to index
      %get3A_509 = tpu.vector_load %arg9[%get3A_508] {strides = array<i32>} : memref<10016xi32, #tpu.memory_space<vmem>>, vector<16xi32>,
      %add3A_510 = arith.constant 0 : i32
      %add3A_511 = arith.addi %mul3A_486, %add3A_510 : i32
      %get3A_512 = arith.index_cast %add3A_511 : i32 to index
      %get3A_513 = tpu.vector_load %arg10[%get3A_512] {strides = array<i32>} : memref<10016xi32, #tpu.memory_space<vmem>>, vector<16xi32>,
      %gather3A_514 = tpu.vector_load_idx %arg11[%get3A_509] : memref<10240xf32, #tpu.memory_space<vmem>>[vector<16xi32>], vector<16xf32>,
      %gather3A_515 = tpu.vector_load_idx %arg12[%get3A_513] : memref<10240xf32, #tpu.memory_space<vmem>>[vector<16xi32>], vector<16xf32>,
      %mul3A_516 = arith.mulf %gather3A_514, %gather3A_515 : vector<16xf32>
      %add3A_517 = arith.constant 0 : i32
      %add3A_518 = arith.addi %mul3A_486, %add3A_517 : i32
      %swap3A_519 = arith.index_cast %add3A_518 : i32 to index
      %swap3A_520 = tpu.vector_load %arg19[%swap3A_519] {strides = array<i32>} : memref<10016xf32, #tpu.memory_space<vmem>>, vector<16xf32>,
      tpu.vector_store %arg19[%swap3A_519], %mul3A_516 {strides = array<i32>} : memref<10016xf32, #tpu.memory_space<vmem>>, vector<16xf32>,
      %add3A_521 = arith.constant 16 : i32
      %add3A_522 = arith.addi %mul3A_486, %add3A_521 : i32
      %get3A_523 = arith.index_cast %add3A_522 : i32 to index
      %get3A_524 = tpu.vector_load %arg9[%get3A_523] {strides = array<i32>} : memref<10016xi32, #tpu.memory_space<vmem>>, vector<16xi32>,
      %add3A_525 = arith.constant 16 : i32
      %add3A_526 = arith.addi %mul3A_486, %add3A_525 : i32
      %get3A_527 = arith.index_cast %add3A_526 : i32 to index
      %get3A_528 = tpu.vector_load %arg10[%get3A_527] {strides = array<i32>} : memref<10016xi32, #tpu.memory_space<vmem>>, vector<16xi32>,
      %gather3A_529 = tpu.vector_load_idx %arg11[%get3A_524] : memref<10240xf32, #tpu.memory_space<vmem>>[vector<16xi32>], vector<16xf32>,
      %gather3A_530 = tpu.vector_load_idx %arg12[%get3A_528] : memref<10240xf32, #tpu.memory_space<vmem>>[vector<16xi32>], vector<16xf32>,
      %mul3A_531 = arith.mulf %gather3A_529, %gather3A_530 : vector<16xf32>
      %add3A_532 = arith.constant 16 : i32
      %add3A_533 = arith.addi %mul3A_486, %add3A_532 : i32
      %swap3A_534 = arith.index_cast %add3A_533 : i32 to index
      %swap3A_535 = tpu.vector_load %arg19[%swap3A_534] {strides = array<i32>} : memref<10016xf32, #tpu.memory_space<vmem>>, vector<16xf32>,
      tpu.vector_store %arg19[%swap3A_534], %mul3A_531 {strides = array<i32>} : memref<10016xf32, #tpu.memory_space<vmem>>, vector<16xf32>,
      %add3A_536 = arith.constant 32 : i32
      %add3A_537 = arith.addi %mul3A_486, %add3A_536 : i32
      %get3A_538 = arith.index_cast %add3A_537 : i32 to index
      %get3A_539 = tpu.vector_load %arg9[%get3A_538] {strides = array<i32>} : memref<10016xi32, #tpu.memory_space<vmem>>, vector<16xi32>,
      %add3A_540 = arith.constant 32 : i32
      %add3A_541 = arith.addi %mul3A_486, %add3A_540 : i32
      %get3A_542 = arith.index_cast %add3A_541 : i32 to index
      %get3A_543 = tpu.vector_load %arg10[%get3A_542] {strides = array<i32>} : memref<10016xi32, #tpu.memory_space<vmem>>, vector<16xi32>,
      %gather3A_544 = tpu.vector_load_idx %arg11[%get3A_539] : memref<10240xf32, #tpu.memory_space<vmem>>[vector<16xi32>], vector<16xf32>,
      %gather3A_545 = tpu.vector_load_idx %arg12[%get3A_543] : memref<10240xf32, #tpu.memory_space<vmem>>[vector<16xi32>], vector<16xf32>,
      %mul3A_546 = arith.mulf %gather3A_544, %gather3A_545 : vector<16xf32>
      %add3A_547 = arith.constant 32 : i32
      %add3A_548 = arith.addi %mul3A_486, %add3A_547 : i32
      %swap3A_549 = arith.index_cast %add3A_548 : i32 to index
      %swap3A_550 = tpu.vector_load %arg19[%swap3A_549] {strides = array<i32>} : memref<10016xf32, #tpu.memory_space<vmem>>, vector<16xf32>,
      tpu.vector_store %arg19[%swap3A_549], %mul3A_546 {strides = array<i32>} : memref<10016xf32, #tpu.memory_space<vmem>>, vector<16xf32>,
      %add3A_551 = arith.constant 48 : i32
      %add3A_552 = arith.addi %mul3A_486, %add3A_551 : i32
      %get3A_553 = arith.index_cast %add3A_552 : i32 to index
      %get3A_554 = tpu.vector_load %arg9[%get3A_553] {strides = array<i32>} : memref<10016xi32, #tpu.memory_space<vmem>>, vector<16xi32>,
      %add3A_555 = arith.constant 48 : i32
      %add3A_556 = arith.addi %mul3A_486, %add3A_555 : i32
      %get3A_557 = arith.index_cast %add3A_556 : i32 to index
      %get3A_558 = tpu.vector_load %arg10[%get3A_557] {strides = array<i32>} : memref<10016xi32, #tpu.memory_space<vmem>>, vector<16xi32>,
      %gather3A_559 = tpu.vector_load_idx %arg11[%get3A_554] : memref<10240xf32, #tpu.memory_space<vmem>>[vector<16xi32>], vector<16xf32>,
      %gather3A_560 = tpu.vector_load_idx %arg12[%get3A_558] : memref<10240xf32, #tpu.memory_space<vmem>>[vector<16xi32>], vector<16xf32>,
      %mul3A_561 = arith.mulf %gather3A_559, %gather3A_560 : vector<16xf32>
      %add3A_562 = arith.constant 48 : i32
      %add3A_563 = arith.addi %mul3A_486, %add3A_562 : i32
      %swap3A_564 = arith.index_cast %add3A_563 : i32 to index
      %swap3A_565 = tpu.vector_load %arg19[%swap3A_564] {strides = array<i32>} : memref<10016xf32, #tpu.memory_space<vmem>>, vector<16xf32>,
      tpu.vector_store %arg19[%swap3A_564], %mul3A_561 {strides = array<i32>} : memref<10016xf32, #tpu.memory_space<vmem>>, vector<16xf32>,
      %add3A_566 = arith.constant 64 : i32
      %add3A_567 = arith.addi %mul3A_486, %add3A_566 : i32
      %get3A_568 = arith.index_cast %add3A_567 : i32 to index
      %get3A_569 = tpu.vector_load %arg9[%get3A_568] {strides = array<i32>} : memref<10016xi32, #tpu.memory_space<vmem>>, vector<16xi32>,
      %add3A_570 = arith.constant 64 : i32
      %add3A_571 = arith.addi %mul3A_486, %add3A_570 : i32
      %get3A_572 = arith.index_cast %add3A_571 : i32 to index
      %get3A_573 = tpu.vector_load %arg10[%get3A_572] {strides = array<i32>} : memref<10016xi32, #tpu.memory_space<vmem>>, vector<16xi32>,
      %gather3A_574 = tpu.vector_load_idx %arg11[%get3A_569] : memref<10240xf32, #tpu.memory_space<vmem>>[vector<16xi32>], vector<16xf32>,
      %gather3A_575 = tpu.vector_load_idx %arg12[%get3A_573] : memref<10240xf32, #tpu.memory_space<vmem>>[vector<16xi32>], vector<16xf32>,
      %mul3A_576 = arith.mulf %gather3A_574, %gather3A_575 : vector<16xf32>
      %add3A_577 = arith.constant 64 : i32
      %add3A_578 = arith.addi %mul3A_486, %add3A_577 : i32
      %swap3A_579 = arith.index_cast %add3A_578 : i32 to index
      %swap3A_580 = tpu.vector_load %arg19[%swap3A_579] {strides = array<i32>} : memref<10016xf32, #tpu.memory_space<vmem>>, vector<16xf32>,
      tpu.vector_store %arg19[%swap3A_579], %mul3A_576 {strides = array<i32>} : memref<10016xf32, #tpu.memory_space<vmem>>, vector<16xf32>,
      %add3A_581 = arith.constant 80 : i32
      %add3A_582 = arith.addi %mul3A_486, %add3A_581 : i32
      %get3A_583 = arith.index_cast %add3A_582 : i32 to index
      %get3A_584 = tpu.vector_load %arg9[%get3A_583] {strides = array<i32>} : memref<10016xi32, #tpu.memory_space<vmem>>, vector<16xi32>,
      %add3A_585 = arith.constant 80 : i32
      %add3A_586 = arith.addi %mul3A_486, %add3A_585 : i32
      %get3A_587 = arith.index_cast %add3A_586 : i32 to index
      %get3A_588 = tpu.vector_load %arg10[%get3A_587] {strides = array<i32>} : memref<10016xi32, #tpu.memory_space<vmem>>, vector<16xi32>,
      %gather3A_589 = tpu.vector_load_idx %arg11[%get3A_584] : memref<10240xf32, #tpu.memory_space<vmem>>[vector<16xi32>], vector<16xf32>,
      %gather3A_590 = tpu.vector_load_idx %arg12[%get3A_588] : memref<10240xf32, #tpu.memory_space<vmem>>[vector<16xi32>], vector<16xf32>,
      %mul3A_591 = arith.mulf %gather3A_589, %gather3A_590 : vector<16xf32>
      %add3A_592 = arith.constant 80 : i32
      %add3A_593 = arith.addi %mul3A_486, %add3A_592 : i32
      %swap3A_594 = arith.index_cast %add3A_593 : i32 to index
      %swap3A_595 = tpu.vector_load %arg19[%swap3A_594] {strides = array<i32>} : memref<10016xf32, #tpu.memory_space<vmem>>, vector<16xf32>,
      tpu.vector_store %arg19[%swap3A_594], %mul3A_591 {strides = array<i32>} : memref<10016xf32, #tpu.memory_space<vmem>>, vector<16xf32>,
      %add3A_596 = arith.addi %mul3A_2, %mul3A_486 : i32
      %dma_start3A_597 = arith.constant 0 : i32
      %dma_start3A_598 = tpu.memref_slice %arg7[%add3A_596, %dma_start3A_597] : memref<320000x128xf32, #tpu.memory_space<hbm>> -> memref<96x128xf32, #tpu.memory_space<hbm>>
      %dma_start3A_599 = arith.constant 0 : i32
      %dma_start3A_600 = tpu.memref_slice %arg7[%add3A_596, %dma_start3A_599] : memref<320000x128xf32, #tpu.memory_space<hbm>> -> memref<96x128xf32, #tpu.memory_space<hbm>>
      tpu.enqueue_dma source(%arg18 : memref<96x128xf32, #tpu.memory_space<vmem>>) target(%dma_start3A_600 : memref<96x128xf32, #tpu.memory_space<hbm>>) target_semaphore(%arg23 : memref<!tpu.dma_semaphore, #tpu.memory_space<semaphore_mem>>)
    }
    %scan3A_189 = arith.constant 52 : i32
    %dma_wait3A_190 = arith.constant 9888 : i32
    %dma_wait3A_191 = tpu.memref_slice %arg9[%dma_wait3A_190] : memref<10016xi32, #tpu.memory_space<vmem>> -> memref<96xi32, #tpu.memory_space<vmem>>
    %dma_wait3A_192 = arith.constant 0 : i32
    %dma_wait3A_193 = arith.constant 0 : i32
    %dma_wait3A_194 = tpu.memref_slice %arg2[%dma_wait3A_192, %dma_wait3A_193] : memref<10240x128xf32, #tpu.memory_space<hbm>> -> memref<10240x128xf32, #tpu.memory_space<hbm>>
    tpu.wait_indirect_dma semaphore(%arg20 : memref<!tpu.dma_semaphore, #tpu.memory_space<semaphore_mem>>) src(%dma_wait3A_194 : memref<10240x128xf32, #tpu.memory_space<hbm>>) dst(%arg13 : memref<96x128xf32, #tpu.memory_space<vmem>>)
    %dma_wait3A_195 = arith.constant 9888 : i32
    %dma_wait3A_196 = tpu.memref_slice %arg10[%dma_wait3A_195] : memref<10016xi32, #tpu.memory_space<vmem>> -> memref<96xi32, #tpu.memory_space<vmem>>
    %dma_wait3A_197 = arith.constant 0 : i32
    %dma_wait3A_198 = arith.constant 0 : i32
    %dma_wait3A_199 = tpu.memref_slice %arg2[%dma_wait3A_197, %dma_wait3A_198] : memref<10240x128xf32, #tpu.memory_space<hbm>> -> memref<10240x128xf32, #tpu.memory_space<hbm>>
    tpu.wait_indirect_dma semaphore(%arg20 : memref<!tpu.dma_semaphore, #tpu.memory_space<semaphore_mem>>) src(%dma_wait3A_199 : memref<10240x128xf32, #tpu.memory_space<hbm>>) dst(%arg14 : memref<96x128xf32, #tpu.memory_space<vmem>>)
    %add3A_200 = arith.constant 9888 : i32
    %add3A_201 = arith.addi %mul3A_2, %add3A_200 : i32
    %dma_wait3A_202 = arith.constant 0 : i32
    %dma_wait3A_203 = tpu.memref_slice %arg7[%add3A_201, %dma_wait3A_202] : memref<320000x128xf32, #tpu.memory_space<hbm>> -> memref<96x128xf32, #tpu.memory_space<hbm>>
    %dma_wait3A_204 = arith.constant 0 : i32
    %dma_wait3A_205 = tpu.memref_slice %arg7[%add3A_201, %dma_wait3A_204] : memref<320000x128xf32, #tpu.memory_space<hbm>> -> memref<96x128xf32, #tpu.memory_space<hbm>>
    tpu.wait_dma2 semaphore(%arg22 : memref<!tpu.dma_semaphore, #tpu.memory_space<semaphore_mem>>) src(%arg17 : memref<96x128xf32, #tpu.memory_space<vmem>>) dst(%dma_wait3A_205 : memref<96x128xf32, #tpu.memory_space<hbm>>)
    %scan3A_206 = arith.constant 0 : i32
    %scan3A_207 = arith.constant 0 : i32
    %scan3A_208 = arith.constant 96 : i32
    %scan3A_209 = arith.addi %scan3A_207, %scan3A_208 : i32
    %scan3A_210 = arith.constant 1 : i32
    scf.for %scan3A_333 = %scan3A_207 to %scan3A_209 step %scan3A_210  : i32 {
      %get3A_334 = arith.index_cast %scan3A_333 : i32 to index
      %get3A_335 = arith.constant 0 : index
      %get3A_336 = tpu.vector_load %arg13[%get3A_334, %get3A_335] {strides = array<i32>} : memref<96x128xf32, #tpu.memory_space<vmem>>, vector<16xf32>,
      %swap3A_337 = arith.index_cast %scan3A_333 : i32 to index
      %swap3A_338 = arith.constant 0 : index
      %swap3A_339 = tpu.vector_load %arg17[%swap3A_337, %swap3A_338] {strides = array<i32>} : memref<96x128xf32, #tpu.memory_space<vmem>>, vector<16xf32>,
      tpu.vector_store %arg17[%swap3A_337, %swap3A_338], %get3A_336 {strides = array<i32>} : memref<96x128xf32, #tpu.memory_space<vmem>>, vector<16xf32>,
      %get3A_340 = arith.index_cast %scan3A_333 : i32 to index
      %get3A_341 = arith.constant 64 : index
      %get3A_342 = tpu.vector_load %arg14[%get3A_340, %get3A_341] {strides = array<i32>} : memref<96x128xf32, #tpu.memory_space<vmem>>, vector<16xf32>,
      %swap3A_343 = arith.index_cast %scan3A_333 : i32 to index
      %swap3A_344 = arith.constant 64 : index
      %swap3A_345 = tpu.vector_load %arg17[%swap3A_343, %swap3A_344] {strides = array<i32>} : memref<96x128xf32, #tpu.memory_space<vmem>>, vector<16xf32>,
      tpu.vector_store %arg17[%swap3A_343, %swap3A_344], %get3A_342 {strides = array<i32>} : memref<96x128xf32, #tpu.memory_space<vmem>>, vector<16xf32>,
      %get3A_346 = arith.index_cast %scan3A_333 : i32 to index
      %get3A_347 = arith.constant 16 : index
      %get3A_348 = tpu.vector_load %arg13[%get3A_346, %get3A_347] {strides = array<i32>} : memref<96x128xf32, #tpu.memory_space<vmem>>, vector<16xf32>,
      %swap3A_349 = arith.index_cast %scan3A_333 : i32 to index
      %swap3A_350 = arith.constant 16 : index
      %swap3A_351 = tpu.vector_load %arg17[%swap3A_349, %swap3A_350] {strides = array<i32>} : memref<96x128xf32, #tpu.memory_space<vmem>>, vector<16xf32>,
      tpu.vector_store %arg17[%swap3A_349, %swap3A_350], %get3A_348 {strides = array<i32>} : memref<96x128xf32, #tpu.memory_space<vmem>>, vector<16xf32>,
      %get3A_352 = arith.index_cast %scan3A_333 : i32 to index
      %get3A_353 = arith.constant 80 : index
      %get3A_354 = tpu.vector_load %arg14[%get3A_352, %get3A_353] {strides = array<i32>} : memref<96x128xf32, #tpu.memory_space<vmem>>, vector<16xf32>,
      %swap3A_355 = arith.index_cast %scan3A_333 : i32 to index
      %swap3A_356 = arith.constant 80 : index
      %swap3A_357 = tpu.vector_load %arg17[%swap3A_355, %swap3A_356] {strides = array<i32>} : memref<96x128xf32, #tpu.memory_space<vmem>>, vector<16xf32>,
      tpu.vector_store %arg17[%swap3A_355, %swap3A_356], %get3A_354 {strides = array<i32>} : memref<96x128xf32, #tpu.memory_space<vmem>>, vector<16xf32>,
      %get3A_358 = arith.index_cast %scan3A_333 : i32 to index
      %get3A_359 = arith.constant 32 : index
      %get3A_360 = tpu.vector_load %arg13[%get3A_358, %get3A_359] {strides = array<i32>} : memref<96x128xf32, #tpu.memory_space<vmem>>, vector<16xf32>,
      %swap3A_361 = arith.index_cast %scan3A_333 : i32 to index
      %swap3A_362 = arith.constant 32 : index
      %swap3A_363 = tpu.vector_load %arg17[%swap3A_361, %swap3A_362] {strides = array<i32>} : memref<96x128xf32, #tpu.memory_space<vmem>>, vector<16xf32>,
      tpu.vector_store %arg17[%swap3A_361, %swap3A_362], %get3A_360 {strides = array<i32>} : memref<96x128xf32, #tpu.memory_space<vmem>>, vector<16xf32>,
      %get3A_364 = arith.index_cast %scan3A_333 : i32 to index
      %get3A_365 = arith.constant 96 : index
      %get3A_366 = tpu.vector_load %arg14[%get3A_364, %get3A_365] {strides = array<i32>} : memref<96x128xf32, #tpu.memory_space<vmem>>, vector<16xf32>,
      %swap3A_367 = arith.index_cast %scan3A_333 : i32 to index
      %swap3A_368 = arith.constant 96 : index
      %swap3A_369 = tpu.vector_load %arg17[%swap3A_367, %swap3A_368] {strides = array<i32>} : memref<96x128xf32, #tpu.memory_space<vmem>>, vector<16xf32>,
      tpu.vector_store %arg17[%swap3A_367, %swap3A_368], %get3A_366 {strides = array<i32>} : memref<96x128xf32, #tpu.memory_space<vmem>>, vector<16xf32>,
      %get3A_370 = arith.index_cast %scan3A_333 : i32 to index
      %get3A_371 = arith.constant 48 : index
      %get3A_372 = tpu.vector_load %arg13[%get3A_370, %get3A_371] {strides = array<i32>} : memref<96x128xf32, #tpu.memory_space<vmem>>, vector<16xf32>,
      %swap3A_373 = arith.index_cast %scan3A_333 : i32 to index
      %swap3A_374 = arith.constant 48 : index
      %swap3A_375 = tpu.vector_load %arg17[%swap3A_373, %swap3A_374] {strides = array<i32>} : memref<96x128xf32, #tpu.memory_space<vmem>>, vector<16xf32>,
      tpu.vector_store %arg17[%swap3A_373, %swap3A_374], %get3A_372 {strides = array<i32>} : memref<96x128xf32, #tpu.memory_space<vmem>>, vector<16xf32>,
      %get3A_376 = arith.index_cast %scan3A_333 : i32 to index
      %get3A_377 = arith.constant 112 : index
      %get3A_378 = tpu.vector_load %arg14[%get3A_376, %get3A_377] {strides = array<i32>} : memref<96x128xf32, #tpu.memory_space<vmem>>, vector<16xf32>,
      %swap3A_379 = arith.index_cast %scan3A_333 : i32 to index
      %swap3A_380 = arith.constant 112 : index
      %swap3A_381 = tpu.vector_load %arg17[%swap3A_379, %swap3A_380] {strides = array<i32>} : memref<96x128xf32, #tpu.memory_space<vmem>>, vector<16xf32>,
      tpu.vector_store %arg17[%swap3A_379, %swap3A_380], %get3A_378 {strides = array<i32>} : memref<96x128xf32, #tpu.memory_space<vmem>>, vector<16xf32>,
    }
    %scan3A_211 = arith.constant 96 : i32
    %get3A_212 = arith.constant 9888 : index
    %get3A_213 = tpu.vector_load %arg9[%get3A_212] {strides = array<i32>} : memref<10016xi32, #tpu.memory_space<vmem>>, vector<16xi32>,
    %get3A_214 = arith.constant 9888 : index
    %get3A_215 = tpu.vector_load %arg10[%get3A_214] {strides = array<i32>} : memref<10016xi32, #tpu.memory_space<vmem>>, vector<16xi32>,
    %gather3A_216 = tpu.vector_load_idx %arg11[%get3A_213] : memref<10240xf32, #tpu.memory_space<vmem>>[vector<16xi32>], vector<16xf32>,
    %gather3A_217 = tpu.vector_load_idx %arg12[%get3A_215] : memref<10240xf32, #tpu.memory_space<vmem>>[vector<16xi32>], vector<16xf32>,
    %mul3A_218 = arith.mulf %gather3A_216, %gather3A_217 : vector<16xf32>
    %swap3A_219 = arith.constant 9888 : index
    %swap3A_220 = tpu.vector_load %arg19[%swap3A_219] {strides = array<i32>} : memref<10016xf32, #tpu.memory_space<vmem>>, vector<16xf32>,
    tpu.vector_store %arg19[%swap3A_219], %mul3A_218 {strides = array<i32>} : memref<10016xf32, #tpu.memory_space<vmem>>, vector<16xf32>,
    %get3A_221 = arith.constant 9904 : index
    %get3A_222 = tpu.vector_load %arg9[%get3A_221] {strides = array<i32>} : memref<10016xi32, #tpu.memory_space<vmem>>, vector<16xi32>,
    %get3A_223 = arith.constant 9904 : index
    %get3A_224 = tpu.vector_load %arg10[%get3A_223] {strides = array<i32>} : memref<10016xi32, #tpu.memory_space<vmem>>, vector<16xi32>,
    %gather3A_225 = tpu.vector_load_idx %arg11[%get3A_222] : memref<10240xf32, #tpu.memory_space<vmem>>[vector<16xi32>], vector<16xf32>,
    %gather3A_226 = tpu.vector_load_idx %arg12[%get3A_224] : memref<10240xf32, #tpu.memory_space<vmem>>[vector<16xi32>], vector<16xf32>,
    %mul3A_227 = arith.mulf %gather3A_225, %gather3A_226 : vector<16xf32>
    %swap3A_228 = arith.constant 9904 : index
    %swap3A_229 = tpu.vector_load %arg19[%swap3A_228] {strides = array<i32>} : memref<10016xf32, #tpu.memory_space<vmem>>, vector<16xf32>,
    tpu.vector_store %arg19[%swap3A_228], %mul3A_227 {strides = array<i32>} : memref<10016xf32, #tpu.memory_space<vmem>>, vector<16xf32>,
    %get3A_230 = arith.constant 9920 : index
    %get3A_231 = tpu.vector_load %arg9[%get3A_230] {strides = array<i32>} : memref<10016xi32, #tpu.memory_space<vmem>>, vector<16xi32>,
    %get3A_232 = arith.constant 9920 : index
    %get3A_233 = tpu.vector_load %arg10[%get3A_232] {strides = array<i32>} : memref<10016xi32, #tpu.memory_space<vmem>>, vector<16xi32>,
    %gather3A_234 = tpu.vector_load_idx %arg11[%get3A_231] : memref<10240xf32, #tpu.memory_space<vmem>>[vector<16xi32>], vector<16xf32>,
    %gather3A_235 = tpu.vector_load_idx %arg12[%get3A_233] : memref<10240xf32, #tpu.memory_space<vmem>>[vector<16xi32>], vector<16xf32>,
    %mul3A_236 = arith.mulf %gather3A_234, %gather3A_235 : vector<16xf32>
    %swap3A_237 = arith.constant 9920 : index
    %swap3A_238 = tpu.vector_load %arg19[%swap3A_237] {strides = array<i32>} : memref<10016xf32, #tpu.memory_space<vmem>>, vector<16xf32>,
    tpu.vector_store %arg19[%swap3A_237], %mul3A_236 {strides = array<i32>} : memref<10016xf32, #tpu.memory_space<vmem>>, vector<16xf32>,
    %get3A_239 = arith.constant 9936 : index
    %get3A_240 = tpu.vector_load %arg9[%get3A_239] {strides = array<i32>} : memref<10016xi32, #tpu.memory_space<vmem>>, vector<16xi32>,
    %get3A_241 = arith.constant 9936 : index
    %get3A_242 = tpu.vector_load %arg10[%get3A_241] {strides = array<i32>} : memref<10016xi32, #tpu.memory_space<vmem>>, vector<16xi32>,
    %gather3A_243 = tpu.vector_load_idx %arg11[%get3A_240] : memref<10240xf32, #tpu.memory_space<vmem>>[vector<16xi32>], vector<16xf32>,
    %gather3A_244 = tpu.vector_load_idx %arg12[%get3A_242] : memref<10240xf32, #tpu.memory_space<vmem>>[vector<16xi32>], vector<16xf32>,
    %mul3A_245 = arith.mulf %gather3A_243, %gather3A_244 : vector<16xf32>
    %swap3A_246 = arith.constant 9936 : index
    %swap3A_247 = tpu.vector_load %arg19[%swap3A_246] {strides = array<i32>} : memref<10016xf32, #tpu.memory_space<vmem>>, vector<16xf32>,
    tpu.vector_store %arg19[%swap3A_246], %mul3A_245 {strides = array<i32>} : memref<10016xf32, #tpu.memory_space<vmem>>, vector<16xf32>,
    %get3A_248 = arith.constant 9952 : index
    %get3A_249 = tpu.vector_load %arg9[%get3A_248] {strides = array<i32>} : memref<10016xi32, #tpu.memory_space<vmem>>, vector<16xi32>,
    %get3A_250 = arith.constant 9952 : index
    %get3A_251 = tpu.vector_load %arg10[%get3A_250] {strides = array<i32>} : memref<10016xi32, #tpu.memory_space<vmem>>, vector<16xi32>,
    %gather3A_252 = tpu.vector_load_idx %arg11[%get3A_249] : memref<10240xf32, #tpu.memory_space<vmem>>[vector<16xi32>], vector<16xf32>,
    %gather3A_253 = tpu.vector_load_idx %arg12[%get3A_251] : memref<10240xf32, #tpu.memory_space<vmem>>[vector<16xi32>], vector<16xf32>,
    %mul3A_254 = arith.mulf %gather3A_252, %gather3A_253 : vector<16xf32>
    %swap3A_255 = arith.constant 9952 : index
    %swap3A_256 = tpu.vector_load %arg19[%swap3A_255] {strides = array<i32>} : memref<10016xf32, #tpu.memory_space<vmem>>, vector<16xf32>,
    tpu.vector_store %arg19[%swap3A_255], %mul3A_254 {strides = array<i32>} : memref<10016xf32, #tpu.memory_space<vmem>>, vector<16xf32>,
    %get3A_257 = arith.constant 9968 : index
    %get3A_258 = tpu.vector_load %arg9[%get3A_257] {strides = array<i32>} : memref<10016xi32, #tpu.memory_space<vmem>>, vector<16xi32>,
    %get3A_259 = arith.constant 9968 : index
    %get3A_260 = tpu.vector_load %arg10[%get3A_259] {strides = array<i32>} : memref<10016xi32, #tpu.memory_space<vmem>>, vector<16xi32>,
    %gather3A_261 = tpu.vector_load_idx %arg11[%get3A_258] : memref<10240xf32, #tpu.memory_space<vmem>>[vector<16xi32>], vector<16xf32>,
    %gather3A_262 = tpu.vector_load_idx %arg12[%get3A_260] : memref<10240xf32, #tpu.memory_space<vmem>>[vector<16xi32>], vector<16xf32>,
    %mul3A_263 = arith.mulf %gather3A_261, %gather3A_262 : vector<16xf32>
    %swap3A_264 = arith.constant 9968 : index
    %swap3A_265 = tpu.vector_load %arg19[%swap3A_264] {strides = array<i32>} : memref<10016xf32, #tpu.memory_space<vmem>>, vector<16xf32>,
    tpu.vector_store %arg19[%swap3A_264], %mul3A_263 {strides = array<i32>} : memref<10016xf32, #tpu.memory_space<vmem>>, vector<16xf32>,
    %add3A_266 = arith.constant 9888 : i32
    %add3A_267 = arith.addi %mul3A_2, %add3A_266 : i32
    %dma_start3A_268 = arith.constant 0 : i32
    %dma_start3A_269 = tpu.memref_slice %arg7[%add3A_267, %dma_start3A_268] : memref<320000x128xf32, #tpu.memory_space<hbm>> -> memref<96x128xf32, #tpu.memory_space<hbm>>
    %dma_start3A_270 = arith.constant 0 : i32
    %dma_start3A_271 = tpu.memref_slice %arg7[%add3A_267, %dma_start3A_270] : memref<320000x128xf32, #tpu.memory_space<hbm>> -> memref<96x128xf32, #tpu.memory_space<hbm>>
    tpu.enqueue_dma source(%arg17 : memref<96x128xf32, #tpu.memory_space<vmem>>) target(%dma_start3A_271 : memref<96x128xf32, #tpu.memory_space<hbm>>) target_semaphore(%arg22 : memref<!tpu.dma_semaphore, #tpu.memory_space<semaphore_mem>>)
    %add3A_272 = arith.constant 9888 : i32
    %add3A_273 = arith.addi %mul3A_2, %add3A_272 : i32
    %dma_wait3A_274 = arith.constant 0 : i32
    %dma_wait3A_275 = tpu.memref_slice %arg7[%add3A_273, %dma_wait3A_274] : memref<320000x128xf32, #tpu.memory_space<hbm>> -> memref<96x128xf32, #tpu.memory_space<hbm>>
    %dma_wait3A_276 = arith.constant 0 : i32
    %dma_wait3A_277 = tpu.memref_slice %arg7[%add3A_273, %dma_wait3A_276] : memref<320000x128xf32, #tpu.memory_space<hbm>> -> memref<96x128xf32, #tpu.memory_space<hbm>>
    tpu.wait_dma2 semaphore(%arg22 : memref<!tpu.dma_semaphore, #tpu.memory_space<semaphore_mem>>) src(%arg17 : memref<96x128xf32, #tpu.memory_space<vmem>>) dst(%dma_wait3A_277 : memref<96x128xf32, #tpu.memory_space<hbm>>)
    %add3A_278 = arith.constant 9888 : i32
    %add3A_279 = arith.addi %mul3A_2, %add3A_278 : i32
    %dma_wait3A_280 = arith.constant 0 : i32
    %dma_wait3A_281 = tpu.memref_slice %arg7[%add3A_279, %dma_wait3A_280] : memref<320000x128xf32, #tpu.memory_space<hbm>> -> memref<96x128xf32, #tpu.memory_space<hbm>>
    %dma_wait3A_282 = arith.constant 0 : i32
    %dma_wait3A_283 = tpu.memref_slice %arg7[%add3A_279, %dma_wait3A_282] : memref<320000x128xf32, #tpu.memory_space<hbm>> -> memref<96x128xf32, #tpu.memory_space<hbm>>
    tpu.wait_dma2 semaphore(%arg23 : memref<!tpu.dma_semaphore, #tpu.memory_space<semaphore_mem>>) src(%arg18 : memref<96x128xf32, #tpu.memory_space<vmem>>) dst(%dma_wait3A_283 : memref<96x128xf32, #tpu.memory_space<hbm>>)
    %dma_start3A_284 = arith.constant 0 : i32
    %dma_start3A_285 = arith.constant 0 : i32
    %dma_start3A_286 = tpu.memref_slice %arg13[%dma_start3A_284, %dma_start3A_285] : memref<96x128xf32, #tpu.memory_space<vmem>> -> memref<16x128xf32, #tpu.memory_space<vmem>>
    %dma_start3A_287 = arith.constant 9984 : i32
    %dma_start3A_288 = tpu.memref_slice %arg9[%dma_start3A_287] : memref<10016xi32, #tpu.memory_space<vmem>> -> memref<16xi32, #tpu.memory_space<vmem>>
    %dma_start3A_289 = arith.constant 0 : i32
    %dma_start3A_290 = arith.constant 0 : i32
    %dma_start3A_291 = tpu.memref_slice %arg2[%dma_start3A_289, %dma_start3A_290] : memref<10240x128xf32, #tpu.memory_space<hbm>> -> memref<10240x128xf32, #tpu.memory_space<hbm>>
    tpu.enqueue_indirect_dma source(%dma_start3A_291 : memref<10240x128xf32, #tpu.memory_space<hbm>>) target(%dma_start3A_286 : memref<16x128xf32, #tpu.memory_space<vmem>>) offsets(%dma_start3A_288 : memref<16xi32, #tpu.memory_space<vmem>>) semaphore(%arg20 : memref<!tpu.dma_semaphore, #tpu.memory_space<semaphore_mem>>)
    %dma_wait3A_292 = arith.constant 0 : i32
    %dma_wait3A_293 = arith.constant 0 : i32
    %dma_wait3A_294 = tpu.memref_slice %arg13[%dma_wait3A_292, %dma_wait3A_293] : memref<96x128xf32, #tpu.memory_space<vmem>> -> memref<16x128xf32, #tpu.memory_space<vmem>>
    %dma_wait3A_295 = arith.constant 9984 : i32
    %dma_wait3A_296 = tpu.memref_slice %arg9[%dma_wait3A_295] : memref<10016xi32, #tpu.memory_space<vmem>> -> memref<16xi32, #tpu.memory_space<vmem>>
    %dma_wait3A_297 = arith.constant 0 : i32
    %dma_wait3A_298 = arith.constant 0 : i32
    %dma_wait3A_299 = tpu.memref_slice %arg2[%dma_wait3A_297, %dma_wait3A_298] : memref<10240x128xf32, #tpu.memory_space<hbm>> -> memref<10240x128xf32, #tpu.memory_space<hbm>>
    tpu.wait_indirect_dma semaphore(%arg20 : memref<!tpu.dma_semaphore, #tpu.memory_space<semaphore_mem>>) src(%dma_wait3A_299 : memref<10240x128xf32, #tpu.memory_space<hbm>>) dst(%dma_wait3A_294 : memref<16x128xf32, #tpu.memory_space<vmem>>)
    %dma_start3A_300 = arith.constant 0 : i32
    %dma_start3A_301 = arith.constant 0 : i32
    %dma_start3A_302 = tpu.memref_slice %arg14[%dma_start3A_300, %dma_start3A_301] : memref<96x128xf32, #tpu.memory_space<vmem>> -> memref<16x128xf32, #tpu.memory_space<vmem>>
    %dma_start3A_303 = arith.constant 9984 : i32
    %dma_start3A_304 = tpu.memref_slice %arg10[%dma_start3A_303] : memref<10016xi32, #tpu.memory_space<vmem>> -> memref<16xi32, #tpu.memory_space<vmem>>
    %dma_start3A_305 = arith.constant 0 : i32
    %dma_start3A_306 = arith.constant 0 : i32
    %dma_start3A_307 = tpu.memref_slice %arg2[%dma_start3A_305, %dma_start3A_306] : memref<10240x128xf32, #tpu.memory_space<hbm>> -> memref<10240x128xf32, #tpu.memory_space<hbm>>
    tpu.enqueue_indirect_dma source(%dma_start3A_307 : memref<10240x128xf32, #tpu.memory_space<hbm>>) target(%dma_start3A_302 : memref<16x128xf32, #tpu.memory_space<vmem>>) offsets(%dma_start3A_304 : memref<16xi32, #tpu.memory_space<vmem>>) semaphore(%arg20 : memref<!tpu.dma_semaphore, #tpu.memory_space<semaphore_mem>>)
    %dma_wait3A_308 = arith.constant 0 : i32
    %dma_wait3A_309 = arith.constant 0 : i32
    %dma_wait3A_310 = tpu.memref_slice %arg14[%dma_wait3A_308, %dma_wait3A_309] : memref<96x128xf32, #tpu.memory_space<vmem>> -> memref<16x128xf32, #tpu.memory_space<vmem>>
    %dma_wait3A_311 = arith.constant 9984 : i32
    %dma_wait3A_312 = tpu.memref_slice %arg10[%dma_wait3A_311] : memref<10016xi32, #tpu.memory_space<vmem>> -> memref<16xi32, #tpu.memory_space<vmem>>
    %dma_wait3A_313 = arith.constant 0 : i32
    %dma_wait3A_314 = arith.constant 0 : i32
    %dma_wait3A_315 = tpu.memref_slice %arg2[%dma_wait3A_313, %dma_wait3A_314] : memref<10240x128xf32, #tpu.memory_space<hbm>> -> memref<10240x128xf32, #tpu.memory_space<hbm>>
    tpu.wait_indirect_dma semaphore(%arg20 : memref<!tpu.dma_semaphore, #tpu.memory_space<semaphore_mem>>) src(%dma_wait3A_315 : memref<10240x128xf32, #tpu.memory_space<hbm>>) dst(%dma_wait3A_310 : memref<16x128xf32, #tpu.memory_space<vmem>>)
    %scan3A_316 = arith.constant 0 : i32
    %scan3A_317 = arith.constant 0 : i32
    %scan3A_318 = arith.constant 16 : i32
    %scan3A_319 = arith.addi %scan3A_317, %scan3A_318 : i32
    %scan3A_320 = arith.constant 1 : i32
    scf.for %scan3A_333 = %scan3A_317 to %scan3A_319 step %scan3A_320  : i32 {
      %get3A_334 = arith.index_cast %scan3A_333 : i32 to index
      %get3A_335 = arith.constant 0 : index
      %get3A_336 = tpu.vector_load %arg13[%get3A_334, %get3A_335] {strides = array<i32>} : memref<96x128xf32, #tpu.memory_space<vmem>>, vector<16xf32>,
      %swap3A_337 = arith.index_cast %scan3A_333 : i32 to index
      %swap3A_338 = arith.constant 0 : index
      %swap3A_339 = tpu.vector_load %arg17[%swap3A_337, %swap3A_338] {strides = array<i32>} : memref<96x128xf32, #tpu.memory_space<vmem>>, vector<16xf32>,
      tpu.vector_store %arg17[%swap3A_337, %swap3A_338], %get3A_336 {strides = array<i32>} : memref<96x128xf32, #tpu.memory_space<vmem>>, vector<16xf32>,
      %get3A_340 = arith.index_cast %scan3A_333 : i32 to index
      %get3A_341 = arith.constant 64 : index
      %get3A_342 = tpu.vector_load %arg14[%get3A_340, %get3A_341] {strides = array<i32>} : memref<96x128xf32, #tpu.memory_space<vmem>>, vector<16xf32>,
      %swap3A_343 = arith.index_cast %scan3A_333 : i32 to index
      %swap3A_344 = arith.constant 64 : index
      %swap3A_345 = tpu.vector_load %arg17[%swap3A_343, %swap3A_344] {strides = array<i32>} : memref<96x128xf32, #tpu.memory_space<vmem>>, vector<16xf32>,
      tpu.vector_store %arg17[%swap3A_343, %swap3A_344], %get3A_342 {strides = array<i32>} : memref<96x128xf32, #tpu.memory_space<vmem>>, vector<16xf32>,
      %get3A_346 = arith.index_cast %scan3A_333 : i32 to index
      %get3A_347 = arith.constant 16 : index
      %get3A_348 = tpu.vector_load %arg13[%get3A_346, %get3A_347] {strides = array<i32>} : memref<96x128xf32, #tpu.memory_space<vmem>>, vector<16xf32>,
      %swap3A_349 = arith.index_cast %scan3A_333 : i32 to index
      %swap3A_350 = arith.constant 16 : index
      %swap3A_351 = tpu.vector_load %arg17[%swap3A_349, %swap3A_350] {strides = array<i32>} : memref<96x128xf32, #tpu.memory_space<vmem>>, vector<16xf32>,
      tpu.vector_store %arg17[%swap3A_349, %swap3A_350], %get3A_348 {strides = array<i32>} : memref<96x128xf32, #tpu.memory_space<vmem>>, vector<16xf32>,
      %get3A_352 = arith.index_cast %scan3A_333 : i32 to index
      %get3A_353 = arith.constant 80 : index
      %get3A_354 = tpu.vector_load %arg14[%get3A_352, %get3A_353] {strides = array<i32>} : memref<96x128xf32, #tpu.memory_space<vmem>>, vector<16xf32>,
      %swap3A_355 = arith.index_cast %scan3A_333 : i32 to index
      %swap3A_356 = arith.constant 80 : index
      %swap3A_357 = tpu.vector_load %arg17[%swap3A_355, %swap3A_356] {strides = array<i32>} : memref<96x128xf32, #tpu.memory_space<vmem>>, vector<16xf32>,
      tpu.vector_store %arg17[%swap3A_355, %swap3A_356], %get3A_354 {strides = array<i32>} : memref<96x128xf32, #tpu.memory_space<vmem>>, vector<16xf32>,
      %get3A_358 = arith.index_cast %scan3A_333 : i32 to index
      %get3A_359 = arith.constant 32 : index
      %get3A_360 = tpu.vector_load %arg13[%get3A_358, %get3A_359] {strides = array<i32>} : memref<96x128xf32, #tpu.memory_space<vmem>>, vector<16xf32>,
      %swap3A_361 = arith.index_cast %scan3A_333 : i32 to index
      %swap3A_362 = arith.constant 32 : index
      %swap3A_363 = tpu.vector_load %arg17[%swap3A_361, %swap3A_362] {strides = array<i32>} : memref<96x128xf32, #tpu.memory_space<vmem>>, vector<16xf32>,
      tpu.vector_store %arg17[%swap3A_361, %swap3A_362], %get3A_360 {strides = array<i32>} : memref<96x128xf32, #tpu.memory_space<vmem>>, vector<16xf32>,
      %get3A_364 = arith.index_cast %scan3A_333 : i32 to index
      %get3A_365 = arith.constant 96 : index
      %get3A_366 = tpu.vector_load %arg14[%get3A_364, %get3A_365] {strides = array<i32>} : memref<96x128xf32, #tpu.memory_space<vmem>>, vector<16xf32>,
      %swap3A_367 = arith.index_cast %scan3A_333 : i32 to index
      %swap3A_368 = arith.constant 96 : index
      %swap3A_369 = tpu.vector_load %arg17[%swap3A_367, %swap3A_368] {strides = array<i32>} : memref<96x128xf32, #tpu.memory_space<vmem>>, vector<16xf32>,
      tpu.vector_store %arg17[%swap3A_367, %swap3A_368], %get3A_366 {strides = array<i32>} : memref<96x128xf32, #tpu.memory_space<vmem>>, vector<16xf32>,
      %get3A_370 = arith.index_cast %scan3A_333 : i32 to index
      %get3A_371 = arith.constant 48 : index
      %get3A_372 = tpu.vector_load %arg13[%get3A_370, %get3A_371] {strides = array<i32>} : memref<96x128xf32, #tpu.memory_space<vmem>>, vector<16xf32>,
      %swap3A_373 = arith.index_cast %scan3A_333 : i32 to index
      %swap3A_374 = arith.constant 48 : index
      %swap3A_375 = tpu.vector_load %arg17[%swap3A_373, %swap3A_374] {strides = array<i32>} : memref<96x128xf32, #tpu.memory_space<vmem>>, vector<16xf32>,
      tpu.vector_store %arg17[%swap3A_373, %swap3A_374], %get3A_372 {strides = array<i32>} : memref<96x128xf32, #tpu.memory_space<vmem>>, vector<16xf32>,
      %get3A_376 = arith.index_cast %scan3A_333 : i32 to index
      %get3A_377 = arith.constant 112 : index
      %get3A_378 = tpu.vector_load %arg14[%get3A_376, %get3A_377] {strides = array<i32>} : memref<96x128xf32, #tpu.memory_space<vmem>>, vector<16xf32>,
      %swap3A_379 = arith.index_cast %scan3A_333 : i32 to index
      %swap3A_380 = arith.constant 112 : index
      %swap3A_381 = tpu.vector_load %arg17[%swap3A_379, %swap3A_380] {strides = array<i32>} : memref<96x128xf32, #tpu.memory_space<vmem>>, vector<16xf32>,
      tpu.vector_store %arg17[%swap3A_379, %swap3A_380], %get3A_378 {strides = array<i32>} : memref<96x128xf32, #tpu.memory_space<vmem>>, vector<16xf32>,
    }
    %scan3A_321 = arith.constant 16 : i32
    %get3A_322 = arith.constant 9984 : index
    %get3A_323 = tpu.vector_load %arg9[%get3A_322] {strides = array<i32>} : memref<10016xi32, #tpu.memory_space<vmem>>, vector<16xi32>,
    %get3A_324 = arith.constant 9984 : index
    %get3A_325 = tpu.vector_load %arg10[%get3A_324] {strides = array<i32>} : memref<10016xi32, #tpu.memory_space<vmem>>, vector<16xi32>,
    %gather3A_326 = tpu.vector_load_idx %arg11[%get3A_323] : memref<10240xf32, #tpu.memory_space<vmem>>[vector<16xi32>], vector<16xf32>,
    %gather3A_327 = tpu.vector_load_idx %arg12[%get3A_325] : memref<10240xf32, #tpu.memory_space<vmem>>[vector<16xi32>], vector<16xf32>,
    %mul3A_328 = arith.mulf %gather3A_326, %gather3A_327 : vector<16xf32>
    %swap3A_329 = arith.constant 9984 : index
    %swap3A_330 = tpu.vector_load %arg19[%swap3A_329] {strides = array<i32>} : memref<10016xf32, #tpu.memory_space<vmem>>, vector<16xf32>,
    tpu.vector_store %arg19[%swap3A_329], %mul3A_328 {strides = array<i32>} : memref<10016xf32, #tpu.memory_space<vmem>>, vector<16xf32>,
    %add3A_331 = arith.constant 9984 : i32
    %add3A_332 = arith.addi %mul3A_2, %add3A_331 : i32
    "tpu.region"() ({
      %run_scoped3A = tpu.sem_alloc : memref<!tpu.dma_semaphore, #tpu.memory_space<semaphore_mem>>
      %dma_start3A_333 = arith.constant 0 : i32
      %dma_start3A_334 = arith.constant 0 : i32
      %dma_start3A_335 = tpu.memref_slice %arg17[%dma_start3A_333, %dma_start3A_334] : memref<96x128xf32, #tpu.memory_space<vmem>> -> memref<16x128xf32, #tpu.memory_space<vmem>>
      %dma_start3A_336 = arith.constant 0 : i32
      %dma_start3A_337 = tpu.memref_slice %arg7[%add3A_332, %dma_start3A_336] : memref<320000x128xf32, #tpu.memory_space<hbm>> -> memref<16x128xf32, #tpu.memory_space<hbm>>
      %dma_start3A_338 = arith.constant 0 : i32
      %dma_start3A_339 = tpu.memref_slice %arg7[%add3A_332, %dma_start3A_338] : memref<320000x128xf32, #tpu.memory_space<hbm>> -> memref<16x128xf32, #tpu.memory_space<hbm>>
      %dma_start3A_340 = arith.constant 0 : i32
      %dma_start3A_341 = arith.constant 0 : i32
      %dma_start3A_342 = tpu.memref_slice %arg17[%dma_start3A_340, %dma_start3A_341] : memref<96x128xf32, #tpu.memory_space<vmem>> -> memref<16x128xf32, #tpu.memory_space<vmem>>
      tpu.enqueue_dma source(%dma_start3A_342 : memref<16x128xf32, #tpu.memory_space<vmem>>) target(%dma_start3A_339 : memref<16x128xf32, #tpu.memory_space<hbm>>) target_semaphore(%run_scoped3A : memref<!tpu.dma_semaphore, #tpu.memory_space<semaphore_mem>>)
      %dma_wait3A_343 = arith.constant 0 : i32
      %dma_wait3A_344 = arith.constant 0 : i32
      %dma_wait3A_345 = tpu.memref_slice %arg17[%dma_wait3A_343, %dma_wait3A_344] : memref<96x128xf32, #tpu.memory_space<vmem>> -> memref<16x128xf32, #tpu.memory_space<vmem>>
      %dma_wait3A_346 = arith.constant 0 : i32
      %dma_wait3A_347 = tpu.memref_slice %arg7[%add3A_332, %dma_wait3A_346] : memref<320000x128xf32, #tpu.memory_space<hbm>> -> memref<16x128xf32, #tpu.memory_space<hbm>>
      %dma_wait3A_348 = arith.constant 0 : i32
      %dma_wait3A_349 = tpu.memref_slice %arg7[%add3A_332, %dma_wait3A_348] : memref<320000x128xf32, #tpu.memory_space<hbm>> -> memref<16x128xf32, #tpu.memory_space<hbm>>
      %dma_wait3A_350 = arith.constant 0 : i32
      %dma_wait3A_351 = arith.constant 0 : i32
      %dma_wait3A_352 = tpu.memref_slice %arg17[%dma_wait3A_350, %dma_wait3A_351] : memref<96x128xf32, #tpu.memory_space<vmem>> -> memref<16x128xf32, #tpu.memory_space<vmem>>
      tpu.wait_dma2 semaphore(%run_scoped3A : memref<!tpu.dma_semaphore, #tpu.memory_space<semaphore_mem>>) src(%dma_wait3A_352 : memref<16x128xf32, #tpu.memory_space<vmem>>) dst(%dma_wait3A_349 : memref<16x128xf32, #tpu.memory_space<hbm>>)
      tpu.yield
    }) : () -> ()
    "tpu.region"() ({
      %run_scoped3A = tpu.sem_alloc : memref<!tpu.dma_semaphore, #tpu.memory_space<semaphore_mem>>
      %dma_start3A_333 = arith.constant 0 : i32
      %dma_start3A_334 = tpu.memref_slice %arg19[%dma_start3A_333] : memref<10016xf32, #tpu.memory_space<vmem>> -> memref<10000xf32, #tpu.memory_space<vmem>>
      %dma_start3A_335 = tpu.memref_slice %arg8[%mul3A_2] : memref<320000xf32, #tpu.memory_space<hbm>> -> memref<10000xf32, #tpu.memory_space<hbm>>
      %dma_start3A_336 = tpu.memref_slice %arg8[%mul3A_2] : memref<320000xf32, #tpu.memory_space<hbm>> -> memref<10000xf32, #tpu.memory_space<hbm>>
      %dma_start3A_337 = arith.constant 0 : i32
      %dma_start3A_338 = tpu.memref_slice %arg19[%dma_start3A_337] : memref<10016xf32, #tpu.memory_space<vmem>> -> memref<10000xf32, #tpu.memory_space<vmem>>
      tpu.enqueue_dma source(%dma_start3A_338 : memref<10000xf32, #tpu.memory_space<vmem>>) target(%dma_start3A_336 : memref<10000xf32, #tpu.memory_space<hbm>>) target_semaphore(%run_scoped3A : memref<!tpu.dma_semaphore, #tpu.memory_space<semaphore_mem>>)
      %dma_wait3A_339 = arith.constant 0 : i32
      %dma_wait3A_340 = tpu.memref_slice %arg19[%dma_wait3A_339] : memref<10016xf32, #tpu.memory_space<vmem>> -> memref<10000xf32, #tpu.memory_space<vmem>>
      %dma_wait3A_341 = tpu.memref_slice %arg8[%mul3A_2] : memref<320000xf32, #tpu.memory_space<hbm>> -> memref<10000xf32, #tpu.memory_space<hbm>>
      %dma_wait3A_342 = tpu.memref_slice %arg8[%mul3A_2] : memref<320000xf32, #tpu.memory_space<hbm>> -> memref<10000xf32, #tpu.memory_space<hbm>>
      %dma_wait3A_343 = arith.constant 0 : i32
      %dma_wait3A_344 = tpu.memref_slice %arg19[%dma_wait3A_343] : memref<10016xf32, #tpu.memory_space<vmem>> -> memref<10000xf32, #tpu.memory_space<vmem>>
      tpu.wait_dma2 semaphore(%run_scoped3A : memref<!tpu.dma_semaphore, #tpu.memory_space<semaphore_mem>>) src(%dma_wait3A_344 : memref<10000xf32, #tpu.memory_space<vmem>>) dst(%dma_wait3A_342 : memref<10000xf32, #tpu.memory_space<hbm>>)
      tpu.yield
    }) : () -> ()
    return
  }
}

#map = affine_map<(d0, d1) -> (0)>
#map1 = affine_map<(d0, d1) -> (0, 0)>
module attributes {stable_mosaic.version = 14 : i64} {
  func.func @_deg_body(%arg0: i32, %arg1: i32, %arg2: memref<320000xi32, #tpu.memory_space<hbm>>, %arg3: memref<320000xi32, #tpu.memory_space<hbm>>, %arg4: memref<32x10240xf32, #tpu.memory_space<hbm>>, %arg5: memref<32x10240xf32, #tpu.memory_space<hbm>>, %arg6: memref<10000xi32, #tpu.memory_space<vmem>>, %arg7: memref<10240xf32, #tpu.memory_space<vmem>>, %arg8: memref<10240xf32, #tpu.memory_space<vmem>>) attributes {dimension_semantics = [#tpu.dimension_semantics<core_parallel>, #tpu.dimension_semantics<subcore_parallel>], iteration_bounds = array<i64: 2, 16>, scalar_prefetch = 0 : i64, scratch_operands = 3 : i64, tpu.core_type = #tpu.core_type<sc_vector_subcore>, window_params = [{transform_indices = #map}, {transform_indices = #map}, {transform_indices = #map1}, {transform_indices = #map1}]} {
    %mul3A = arith.constant 2 : i32
    %mul3A_0 = arith.muli %arg1, %mul3A : i32
    %add3A = arith.addi %mul3A_0, %arg0 : i32
    %broadcast_in_dim3A = arith.constant 0.000000e+00 : f32
    %broadcast_in_dim3A_1 = vector.broadcast %broadcast_in_dim3A : f32 to vector<16xf32>
    %broadcast_in_dim3A_2 = arith.constant 1.000000e+00 : f32
    %broadcast_in_dim3A_3 = vector.broadcast %broadcast_in_dim3A_2 : f32 to vector<16xf32>
    %scan3A = arith.constant 0 : i32
    %scan3A_4 = arith.constant 0 : i32
    %scan3A_5 = arith.constant 640 : i32
    %scan3A_6 = arith.addi %scan3A_4, %scan3A_5 : i32
    %scan3A_7 = arith.constant 1 : i32
    scf.for %scan3A_23 = %scan3A_4 to %scan3A_6 step %scan3A_7  : i32 {
      %mul3A_24 = arith.constant 16 : i32
      %mul3A_25 = arith.muli %scan3A_23, %mul3A_24 : i32
      %swap3A = arith.index_cast %mul3A_25 : i32 to index
      %swap3A_26 = tpu.vector_load %arg7[%swap3A] {strides = array<i32>} : memref<10240xf32, #tpu.memory_space<vmem>>, vector<16xf32>,
      tpu.vector_store %arg7[%swap3A], %broadcast_in_dim3A_1 {strides = array<i32>} : memref<10240xf32, #tpu.memory_space<vmem>>, vector<16xf32>,
      %mul3A_27 = arith.constant 16 : i32
      %mul3A_28 = arith.muli %scan3A_23, %mul3A_27 : i32
      %swap3A_29 = arith.index_cast %mul3A_28 : i32 to index
      %swap3A_30 = tpu.vector_load %arg8[%swap3A_29] {strides = array<i32>} : memref<10240xf32, #tpu.memory_space<vmem>>, vector<16xf32>,
      tpu.vector_store %arg8[%swap3A_29], %broadcast_in_dim3A_1 {strides = array<i32>} : memref<10240xf32, #tpu.memory_space<vmem>>, vector<16xf32>,
    }
    %scan3A_8 = arith.constant 640 : i32
    %mul3A_9 = arith.constant 10000 : i32
    %mul3A_10 = arith.muli %add3A, %mul3A_9 : i32
    "tpu.region"() ({
      %run_scoped3A = tpu.sem_alloc : memref<!tpu.dma_semaphore, #tpu.memory_space<semaphore_mem>>
      %dma_start3A = tpu.memref_slice %arg2[%mul3A_10] : memref<320000xi32, #tpu.memory_space<hbm>> -> memref<10000xi32, #tpu.memory_space<hbm>>
      %dma_start3A_23 = tpu.memref_slice %arg2[%mul3A_10] : memref<320000xi32, #tpu.memory_space<hbm>> -> memref<10000xi32, #tpu.memory_space<hbm>>
      tpu.enqueue_dma source(%dma_start3A_23 : memref<10000xi32, #tpu.memory_space<hbm>>) target(%arg6 : memref<10000xi32, #tpu.memory_space<vmem>>) target_semaphore(%run_scoped3A : memref<!tpu.dma_semaphore, #tpu.memory_space<semaphore_mem>>)
      %dma_wait3A = tpu.memref_slice %arg2[%mul3A_10] : memref<320000xi32, #tpu.memory_space<hbm>> -> memref<10000xi32, #tpu.memory_space<hbm>>
      %dma_wait3A_24 = tpu.memref_slice %arg2[%mul3A_10] : memref<320000xi32, #tpu.memory_space<hbm>> -> memref<10000xi32, #tpu.memory_space<hbm>>
      tpu.wait_dma2 semaphore(%run_scoped3A : memref<!tpu.dma_semaphore, #tpu.memory_space<semaphore_mem>>) src(%dma_wait3A_24 : memref<10000xi32, #tpu.memory_space<hbm>>) dst(%arg6 : memref<10000xi32, #tpu.memory_space<vmem>>)
      tpu.yield
    }) : () -> ()
    %scan3A_11 = arith.constant 0 : i32
    %scan3A_12 = arith.constant 0 : i32
    %scan3A_13 = arith.constant 625 : i32
    %scan3A_14 = arith.addi %scan3A_12, %scan3A_13 : i32
    %scan3A_15 = arith.constant 1 : i32
    scf.for %scan3A_23 = %scan3A_12 to %scan3A_14 step %scan3A_15  : i32 {
      %mul3A_24 = arith.constant 16 : i32
      %mul3A_25 = arith.muli %scan3A_23, %mul3A_24 : i32
      %get3A = arith.index_cast %mul3A_25 : i32 to index
      %get3A_26 = tpu.vector_load %arg6[%get3A] {strides = array<i32>} : memref<10000xi32, #tpu.memory_space<vmem>>, vector<16xi32>,
      tpu.vector_store_idx %arg7[%get3A_26], %broadcast_in_dim3A_3 {add = true} : memref<10240xf32, #tpu.memory_space<vmem>>[vector<16xi32>], vector<16xf32>,
    }
    %scan3A_16 = arith.constant 625 : i32
    "tpu.region"() ({
      %run_scoped3A = tpu.sem_alloc : memref<!tpu.dma_semaphore, #tpu.memory_space<semaphore_mem>>
      %dma_start3A = tpu.memref_slice %arg3[%mul3A_10] : memref<320000xi32, #tpu.memory_space<hbm>> -> memref<10000xi32, #tpu.memory_space<hbm>>
      %dma_start3A_23 = tpu.memref_slice %arg3[%mul3A_10] : memref<320000xi32, #tpu.memory_space<hbm>> -> memref<10000xi32, #tpu.memory_space<hbm>>
      tpu.enqueue_dma source(%dma_start3A_23 : memref<10000xi32, #tpu.memory_space<hbm>>) target(%arg6 : memref<10000xi32, #tpu.memory_space<vmem>>) target_semaphore(%run_scoped3A : memref<!tpu.dma_semaphore, #tpu.memory_space<semaphore_mem>>)
      %dma_wait3A = tpu.memref_slice %arg3[%mul3A_10] : memref<320000xi32, #tpu.memory_space<hbm>> -> memref<10000xi32, #tpu.memory_space<hbm>>
      %dma_wait3A_24 = tpu.memref_slice %arg3[%mul3A_10] : memref<320000xi32, #tpu.memory_space<hbm>> -> memref<10000xi32, #tpu.memory_space<hbm>>
      tpu.wait_dma2 semaphore(%run_scoped3A : memref<!tpu.dma_semaphore, #tpu.memory_space<semaphore_mem>>) src(%dma_wait3A_24 : memref<10000xi32, #tpu.memory_space<hbm>>) dst(%arg6 : memref<10000xi32, #tpu.memory_space<vmem>>)
      tpu.yield
    }) : () -> ()
    %scan3A_17 = arith.constant 0 : i32
    %scan3A_18 = arith.constant 0 : i32
    %scan3A_19 = arith.constant 625 : i32
    %scan3A_20 = arith.addi %scan3A_18, %scan3A_19 : i32
    %scan3A_21 = arith.constant 1 : i32
    scf.for %scan3A_23 = %scan3A_18 to %scan3A_20 step %scan3A_21  : i32 {
      %mul3A_24 = arith.constant 16 : i32
      %mul3A_25 = arith.muli %scan3A_23, %mul3A_24 : i32
      %get3A = arith.index_cast %mul3A_25 : i32 to index
      %get3A_26 = tpu.vector_load %arg6[%get3A] {strides = array<i32>} : memref<10000xi32, #tpu.memory_space<vmem>>, vector<16xi32>,
      tpu.vector_store_idx %arg8[%get3A_26], %broadcast_in_dim3A_3 {add = true} : memref<10240xf32, #tpu.memory_space<vmem>>[vector<16xi32>], vector<16xf32>,
    }
    %scan3A_22 = arith.constant 625 : i32
    "tpu.region"() ({
      %run_scoped3A = tpu.sem_alloc : memref<!tpu.dma_semaphore, #tpu.memory_space<semaphore_mem>>
      %dma_start3A = arith.constant 0 : i32
      %dma_start3A_23 = tpu.memref_slice %arg4[%add3A, %dma_start3A] : memref<32x10240xf32, #tpu.memory_space<hbm>> -> memref<1x10240xf32, #tpu.memory_space<hbm>>
      %dma_start3A_24 = tpu.memref_squeeze %dma_start3A_23 : memref<1x10240xf32, #tpu.memory_space<hbm>> -> memref<10240xf32, #tpu.memory_space<hbm>>
      %dma_start3A_25 = arith.constant 0 : i32
      %dma_start3A_26 = tpu.memref_slice %arg4[%add3A, %dma_start3A_25] : memref<32x10240xf32, #tpu.memory_space<hbm>> -> memref<1x10240xf32, #tpu.memory_space<hbm>>
      %dma_start3A_27 = tpu.memref_squeeze %dma_start3A_26 : memref<1x10240xf32, #tpu.memory_space<hbm>> -> memref<10240xf32, #tpu.memory_space<hbm>>
      tpu.enqueue_dma source(%arg7 : memref<10240xf32, #tpu.memory_space<vmem>>) target(%dma_start3A_27 : memref<10240xf32, #tpu.memory_space<hbm>>) target_semaphore(%run_scoped3A : memref<!tpu.dma_semaphore, #tpu.memory_space<semaphore_mem>>)
      %dma_wait3A = arith.constant 0 : i32
      %dma_wait3A_28 = tpu.memref_slice %arg4[%add3A, %dma_wait3A] : memref<32x10240xf32, #tpu.memory_space<hbm>> -> memref<1x10240xf32, #tpu.memory_space<hbm>>
      %dma_wait3A_29 = tpu.memref_squeeze %dma_wait3A_28 : memref<1x10240xf32, #tpu.memory_space<hbm>> -> memref<10240xf32, #tpu.memory_space<hbm>>
      %dma_wait3A_30 = arith.constant 0 : i32
      %dma_wait3A_31 = tpu.memref_slice %arg4[%add3A, %dma_wait3A_30] : memref<32x10240xf32, #tpu.memory_space<hbm>> -> memref<1x10240xf32, #tpu.memory_space<hbm>>
      %dma_wait3A_32 = tpu.memref_squeeze %dma_wait3A_31 : memref<1x10240xf32, #tpu.memory_space<hbm>> -> memref<10240xf32, #tpu.memory_space<hbm>>
      tpu.wait_dma2 semaphore(%run_scoped3A : memref<!tpu.dma_semaphore, #tpu.memory_space<semaphore_mem>>) src(%arg7 : memref<10240xf32, #tpu.memory_space<vmem>>) dst(%dma_wait3A_32 : memref<10240xf32, #tpu.memory_space<hbm>>)
      tpu.yield
    }) : () -> ()
    "tpu.region"() ({
      %run_scoped3A = tpu.sem_alloc : memref<!tpu.dma_semaphore, #tpu.memory_space<semaphore_mem>>
      %dma_start3A = arith.constant 0 : i32
      %dma_start3A_23 = tpu.memref_slice %arg5[%add3A, %dma_start3A] : memref<32x10240xf32, #tpu.memory_space<hbm>> -> memref<1x10240xf32, #tpu.memory_space<hbm>>
      %dma_start3A_24 = tpu.memref_squeeze %dma_start3A_23 : memref<1x10240xf32, #tpu.memory_space<hbm>> -> memref<10240xf32, #tpu.memory_space<hbm>>
      %dma_start3A_25 = arith.constant 0 : i32
      %dma_start3A_26 = tpu.memref_slice %arg5[%add3A, %dma_start3A_25] : memref<32x10240xf32, #tpu.memory_space<hbm>> -> memref<1x10240xf32, #tpu.memory_space<hbm>>
      %dma_start3A_27 = tpu.memref_squeeze %dma_start3A_26 : memref<1x10240xf32, #tpu.memory_space<hbm>> -> memref<10240xf32, #tpu.memory_space<hbm>>
      tpu.enqueue_dma source(%arg8 : memref<10240xf32, #tpu.memory_space<vmem>>) target(%dma_start3A_27 : memref<10240xf32, #tpu.memory_space<hbm>>) target_semaphore(%run_scoped3A : memref<!tpu.dma_semaphore, #tpu.memory_space<semaphore_mem>>)
      %dma_wait3A = arith.constant 0 : i32
      %dma_wait3A_28 = tpu.memref_slice %arg5[%add3A, %dma_wait3A] : memref<32x10240xf32, #tpu.memory_space<hbm>> -> memref<1x10240xf32, #tpu.memory_space<hbm>>
      %dma_wait3A_29 = tpu.memref_squeeze %dma_wait3A_28 : memref<1x10240xf32, #tpu.memory_space<hbm>> -> memref<10240xf32, #tpu.memory_space<hbm>>
      %dma_wait3A_30 = arith.constant 0 : i32
      %dma_wait3A_31 = tpu.memref_slice %arg5[%add3A, %dma_wait3A_30] : memref<32x10240xf32, #tpu.memory_space<hbm>> -> memref<1x10240xf32, #tpu.memory_space<hbm>>
      %dma_wait3A_32 = tpu.memref_squeeze %dma_wait3A_31 : memref<1x10240xf32, #tpu.memory_space<hbm>> -> memref<10240xf32, #tpu.memory_space<hbm>>
      tpu.wait_dma2 semaphore(%run_scoped3A : memref<!tpu.dma_semaphore, #tpu.memory_space<semaphore_mem>>) src(%arg8 : memref<10240xf32, #tpu.memory_space<vmem>>) dst(%dma_wait3A_32 : memref<10240xf32, #tpu.memory_space<hbm>>)
      tpu.yield
    }) : () -> ()
    return
  }
}

module attributes {stable_mosaic.version = 14 : i64} {
  func.func @_proj_body(%arg0: i32, %arg1: memref<1024x128xf32, #tpu.memory_space<vmem>>, %arg2: memref<128x128xf32, #tpu.memory_space<vmem>>, %arg3: memref<32x8x128xf32, #tpu.memory_space<vmem>>, %arg4: memref<32x8x128xf32, #tpu.memory_space<vmem>>, %arg5: memref<1024x128xf32, #tpu.memory_space<vmem>>, %arg6: memref<8x128xf32, #tpu.memory_space<vmem>>, %arg7: memref<8x128xf32, #tpu.memory_space<vmem>>) attributes {dimension_semantics = [#tpu.dimension_semantics<arbitrary>], iteration_bounds = array<i64: 10>, scalar_prefetch = 0 : i64, scratch_operands = 0 : i64, tpu.core_type = #tpu.core_type<tc>, window_params = [{transform_indices = @transform_0, window_bounds = array<i64: 1024, 128>}, {pipeline_mode = #tpu.pipeline_mode<synchronous>, transform_indices = @transform_1, window_bounds = array<i64: 128, 128>}, {transform_indices = @transform_2, window_bounds = array<i64: 32, 8, 128>}, {transform_indices = @transform_3, window_bounds = array<i64: 32, 8, 128>}, {transform_indices = @transform_4, window_bounds = array<i64: 1024, 128>}, {transform_indices = @transform_5, window_bounds = array<i64: 8, 128>}, {transform_indices = @transform_6, window_bounds = array<i64: 8, 128>}]} {
    %get3A = arith.constant 0 : index
    %get3A_0 = arith.constant 0 : index
    %get3A_1 = vector.load %arg1[%get3A, %get3A_0] : memref<1024x128xf32, #tpu.memory_space<vmem>>, vector<1024x128xf32>
    %get3A_2 = arith.constant 0 : index
    %get3A_3 = arith.constant 0 : index
    %get3A_4 = vector.load %arg2[%get3A_2, %get3A_3] : memref<128x128xf32, #tpu.memory_space<vmem>>, vector<128x128xf32>
    %dot_general3A = arith.constant dense<0.000000e+00> : vector<1024x128xf32>
    %dot_general3A_5 = tpu.matmul %get3A_1, %get3A_4, %dot_general3A {dimension_numbers = #tpu.dot_dimension_numbers<[1], [0], [0], [1], [0, 0, 1, 1], [], []>, transpose_lhs_hint = false} : vector<1024x128xf32>, vector<128x128xf32>, vector<1024x128xf32> -> vector<1024x128xf32>
    %swap3A = arith.constant 0 : index
    %swap3A_6 = arith.constant 0 : index
    %swap3A_7 = vector.load %arg5[%swap3A, %swap3A_6] : memref<1024x128xf32, #tpu.memory_space<vmem>>, vector<1024x128xf32>
    tpu.vector_store %arg5[%swap3A, %swap3A_6], %dot_general3A_5 {strides = array<i32>} : memref<1024x128xf32, #tpu.memory_space<vmem>>, vector<1024x128xf32>,
    %get3A_8 = arith.constant 0 : index
    %get3A_9 = arith.constant 0 : index
    %get3A_10 = arith.constant 0 : index
    %get3A_11 = vector.load %arg3[%get3A_8, %get3A_9, %get3A_10] : memref<32x8x128xf32, #tpu.memory_space<vmem>>, vector<32x8x128xf32>
    %reduce_sum3A = arith.constant dense<0.000000e+00> : vector<8x128xf32>
    %reduce_sum3A_12 = vector.multi_reduction <add>, %get3A_11, %reduce_sum3A [0] : vector<32x8x128xf32> to vector<8x128xf32>
    %max3A = arith.constant 1.000000e+00 : f32
    %max3A_13 = vector.broadcast %max3A : f32 to vector<8x128xf32>
    %max3A_14 = arith.maximumf %reduce_sum3A_12, %max3A_13 : vector<8x128xf32>
    %rsqrt3A = math.rsqrt %max3A_14 : vector<8x128xf32>
    %swap3A_15 = arith.constant 0 : index
    %swap3A_16 = arith.constant 0 : index
    %swap3A_17 = vector.load %arg6[%swap3A_15, %swap3A_16] : memref<8x128xf32, #tpu.memory_space<vmem>>, vector<8x128xf32>
    tpu.vector_store %arg6[%swap3A_15, %swap3A_16], %rsqrt3A {strides = array<i32>} : memref<8x128xf32, #tpu.memory_space<vmem>>, vector<8x128xf32>,
    %get3A_18 = arith.constant 0 : index
    %get3A_19 = arith.constant 0 : index
    %get3A_20 = arith.constant 0 : index
    %get3A_21 = vector.load %arg4[%get3A_18, %get3A_19, %get3A_20] : memref<32x8x128xf32, #tpu.memory_space<vmem>>, vector<32x8x128xf32>
    %reduce_sum3A_22 = arith.constant dense<0.000000e+00> : vector<8x128xf32>
    %reduce_sum3A_23 = vector.multi_reduction <add>, %get3A_21, %reduce_sum3A_22 [0] : vector<32x8x128xf32> to vector<8x128xf32>
    %max3A_24 = arith.constant 1.000000e+00 : f32
    %max3A_25 = vector.broadcast %max3A_24 : f32 to vector<8x128xf32>
    %max3A_26 = arith.maximumf %reduce_sum3A_23, %max3A_25 : vector<8x128xf32>
    %rsqrt3A_27 = math.rsqrt %max3A_26 : vector<8x128xf32>
    %swap3A_28 = arith.constant 0 : index
    %swap3A_29 = arith.constant 0 : index
    %swap3A_30 = vector.load %arg7[%swap3A_28, %swap3A_29] : memref<8x128xf32, #tpu.memory_space<vmem>>, vector<8x128xf32>
    tpu.vector_store %arg7[%swap3A_28, %swap3A_29], %rsqrt3A_27 {strides = array<i32>} : memref<8x128xf32, #tpu.memory_space<vmem>>, vector<8x128xf32>,
    return
  }
  func.func @transform_0(%arg0: i32) -> (i32, i32) {
    %c0_i32 = arith.constant 0 : i32
    %c0_i32_0 = arith.constant 0 : i32
    return %arg0, %c0_i32 : i32, i32
  }
  func.func @transform_1(%arg0: i32) -> (i32, i32) {
    %c0_i32 = arith.constant 0 : i32
    %c0_i32_0 = arith.constant 0 : i32
    %c0_i32_1 = arith.constant 0 : i32
    return %c0_i32, %c0_i32_0 : i32, i32
  }
  func.func @transform_2(%arg0: i32) -> (i32, i32, i32) {
    %c0_i32 = arith.constant 0 : i32
    %c0_i32_0 = arith.constant 0 : i32
    %c0_i32_1 = arith.constant 0 : i32
    return %c0_i32, %arg0, %c0_i32_0 : i32, i32, i32
  }
  func.func @transform_3(%arg0: i32) -> (i32, i32, i32) {
    %c0_i32 = arith.constant 0 : i32
    %c0_i32_0 = arith.constant 0 : i32
    %c0_i32_1 = arith.constant 0 : i32
    return %c0_i32, %arg0, %c0_i32_0 : i32, i32, i32
  }
  func.func @transform_4(%arg0: i32) -> (i32, i32) {
    %c0_i32 = arith.constant 0 : i32
    %c0_i32_0 = arith.constant 0 : i32
    return %arg0, %c0_i32 : i32, i32
  }
  func.func @transform_5(%arg0: i32) -> (i32, i32) {
    %c0_i32 = arith.constant 0 : i32
    %c0_i32_0 = arith.constant 0 : i32
    return %arg0, %c0_i32 : i32, i32
  }
  func.func @transform_6(%arg0: i32) -> (i32, i32) {
    %c0_i32 = arith.constant 0 : i32
    %c0_i32_0 = arith.constant 0 : i32
    return %arg0, %c0_i32 : i32, i32
  }
}

module attributes {stable_mosaic.version = 14 : i64} {
  func.func @_mlp_body(%arg0: i32, %arg1: memref<6400x128xf32, #tpu.memory_space<vmem>>, %arg2: memref<1x6400xf32, #tpu.memory_space<vmem>>, %arg3: memref<1x6400xf32, #tpu.memory_space<vmem>>, %arg4: memref<128x64xf32, #tpu.memory_space<vmem>>, %arg5: memref<64x1xf32, #tpu.memory_space<vmem>>, %arg6: memref<64x1xf32, #tpu.memory_space<vmem>>, %arg7: memref<64x1xf32, #tpu.memory_space<vmem>>, %arg8: memref<64x1xf32, #tpu.memory_space<vmem>>, %arg9: memref<64x32xf32, #tpu.memory_space<vmem>>, %arg10: memref<32x1xf32, #tpu.memory_space<vmem>>, %arg11: memref<32x1xf32, #tpu.memory_space<vmem>>, %arg12: memref<32x1xf32, #tpu.memory_space<vmem>>, %arg13: memref<32x1xf32, #tpu.memory_space<vmem>>, %arg14: memref<32x1xf32, #tpu.memory_space<vmem>>, %arg15: memref<1x1xf32, #tpu.memory_space<vmem>>, %arg16: memref<1x6400xf32, #tpu.memory_space<vmem>>) attributes {dimension_semantics = [#tpu.dimension_semantics<arbitrary>], iteration_bounds = array<i64: 50>, scalar_prefetch = 0 : i64, scratch_operands = 0 : i64, tpu.core_type = #tpu.core_type<tc>, window_params = [{transform_indices = @transform_0, window_bounds = array<i64: 6400, 128>}, {transform_indices = @transform_1, window_bounds = array<i64: 1, 6400>}, {transform_indices = @transform_2, window_bounds = array<i64: 1, 6400>}, {pipeline_mode = #tpu.pipeline_mode<synchronous>, transform_indices = @transform_3, window_bounds = array<i64: 128, 64>}, {pipeline_mode = #tpu.pipeline_mode<synchronous>, transform_indices = @transform_4, window_bounds = array<i64: 64, 1>}, {pipeline_mode = #tpu.pipeline_mode<synchronous>, transform_indices = @transform_5, window_bounds = array<i64: 64, 1>}, {pipeline_mode = #tpu.pipeline_mode<synchronous>, transform_indices = @transform_6, window_bounds = array<i64: 64, 1>}, {pipeline_mode = #tpu.pipeline_mode<synchronous>, transform_indices = @transform_7, window_bounds = array<i64: 64, 1>}, {pipeline_mode = #tpu.pipeline_mode<synchronous>, transform_indices = @transform_8, window_bounds = array<i64: 64, 32>}, {pipeline_mode = #tpu.pipeline_mode<synchronous>, transform_indices = @transform_9, window_bounds = array<i64: 32, 1>}, {pipeline_mode = #tpu.pipeline_mode<synchronous>, transform_indices = @transform_10, window_bounds = array<i64: 32, 1>}, {pipeline_mode = #tpu.pipeline_mode<synchronous>, transform_indices = @transform_11, window_bounds = array<i64: 32, 1>}, {pipeline_mode = #tpu.pipeline_mode<synchronous>, transform_indices = @transform_12, window_bounds = array<i64: 32, 1>}, {pipeline_mode = #tpu.pipeline_mode<synchronous>, transform_indices = @transform_13, window_bounds = array<i64: 32, 1>}, {pipeline_mode = #tpu.pipeline_mode<synchronous>, transform_indices = @transform_14, window_bounds = array<i64: 1, 1>}, {transform_indices = @transform_15, window_bounds = array<i64: 1, 6400>}]} {
    %get3A = arith.constant 0 : index
    %get3A_0 = arith.constant 0 : index
    %get3A_1 = vector.load %arg1[%get3A, %get3A_0] : memref<6400x128xf32, #tpu.memory_space<vmem>>, vector<6400x128xf32>
    %get3A_2 = arith.constant 0 : index
    %get3A_3 = arith.constant 0 : index
    %get3A_4 = vector.load %arg4[%get3A_2, %get3A_3] : memref<128x64xf32, #tpu.memory_space<vmem>>, vector<128x64xf32>
    %dot_general3A = arith.constant dense<0.000000e+00> : vector<64x6400xf32>
    %dot_general3A_5 = tpu.matmul %get3A_4, %get3A_1, %dot_general3A {dimension_numbers = #tpu.dot_dimension_numbers<[0], [1], [1], [0], [0, 1, 1, 0], [], []>, transpose_lhs_hint = false} : vector<128x64xf32>, vector<6400x128xf32>, vector<64x6400xf32> -> vector<64x6400xf32>
    %get3A_6 = arith.constant 0 : index
    %get3A_7 = arith.constant 0 : index
    %get3A_8 = vector.load %arg5[%get3A_6, %get3A_7] : memref<64x1xf32, #tpu.memory_space<vmem>>, vector<64x1xf32>
    %add3A = vector.broadcast %get3A_8 : vector<64x1xf32> to vector<64x6400xf32>
    %add3A_9 = arith.addf %dot_general3A_5, %add3A : vector<64x6400xf32>
    %get3A_10 = arith.constant 0 : index
    %get3A_11 = arith.constant 0 : index
    %get3A_12 = vector.load %arg6[%get3A_10, %get3A_11] : memref<64x1xf32, #tpu.memory_space<vmem>>, vector<64x1xf32>
    %mul3A = arith.mulf %add3A_9, %add3A_9 : vector<64x6400xf32>
    %dot_general3A_13 = arith.constant dense<0.000000e+00> : vector<1x6400xf32>
    %dot_general3A_14 = tpu.matmul %get3A_12, %mul3A, %dot_general3A_13 {dimension_numbers = #tpu.dot_dimension_numbers<[0], [0], [1], [1], [0, 1, 1, 1], [], []>, transpose_lhs_hint = false} : vector<64x1xf32>, vector<64x6400xf32>, vector<1x6400xf32> -> vector<1x6400xf32>
    %add3A_15 = arith.constant 9.99999974E-6 : f32
    %add3A_16 = vector.broadcast %add3A_15 : f32 to vector<1x6400xf32>
    %add3A_17 = arith.addf %dot_general3A_14, %add3A_16 : vector<1x6400xf32>
    %rsqrt3A = math.rsqrt %add3A_17 : vector<1x6400xf32>
    %mul3A_18 = vector.broadcast %rsqrt3A : vector<1x6400xf32> to vector<64x6400xf32>
    %mul3A_19 = arith.mulf %add3A_9, %mul3A_18 : vector<64x6400xf32>
    %get3A_20 = arith.constant 0 : index
    %get3A_21 = arith.constant 0 : index
    %get3A_22 = vector.load %arg7[%get3A_20, %get3A_21] : memref<64x1xf32, #tpu.memory_space<vmem>>, vector<64x1xf32>
    %mul3A_23 = vector.broadcast %get3A_22 : vector<64x1xf32> to vector<64x6400xf32>
    %mul3A_24 = arith.mulf %mul3A_19, %mul3A_23 : vector<64x6400xf32>
    %get3A_25 = arith.constant 0 : index
    %get3A_26 = arith.constant 0 : index
    %get3A_27 = vector.load %arg8[%get3A_25, %get3A_26] : memref<64x1xf32, #tpu.memory_space<vmem>>, vector<64x1xf32>
    %add3A_28 = vector.broadcast %get3A_27 : vector<64x1xf32> to vector<64x6400xf32>
    %add3A_29 = arith.addf %mul3A_24, %add3A_28 : vector<64x6400xf32>
    %max3A = arith.constant 0.000000e+00 : f32
    %max3A_30 = vector.broadcast %max3A : f32 to vector<64x6400xf32>
    %max3A_31 = arith.maximumf %add3A_29, %max3A_30 : vector<64x6400xf32>
    %get3A_32 = arith.constant 0 : index
    %get3A_33 = arith.constant 0 : index
    %get3A_34 = vector.load %arg9[%get3A_32, %get3A_33] : memref<64x32xf32, #tpu.memory_space<vmem>>, vector<64x32xf32>
    %dot_general3A_35 = arith.constant dense<0.000000e+00> : vector<32x6400xf32>
    %dot_general3A_36 = tpu.matmul %get3A_34, %max3A_31, %dot_general3A_35 {dimension_numbers = #tpu.dot_dimension_numbers<[0], [0], [1], [1], [0, 1, 1, 1], [], []>, transpose_lhs_hint = false} : vector<64x32xf32>, vector<64x6400xf32>, vector<32x6400xf32> -> vector<32x6400xf32>
    %get3A_37 = arith.constant 0 : index
    %get3A_38 = arith.constant 0 : index
    %get3A_39 = vector.load %arg10[%get3A_37, %get3A_38] : memref<32x1xf32, #tpu.memory_space<vmem>>, vector<32x1xf32>
    %add3A_40 = vector.broadcast %get3A_39 : vector<32x1xf32> to vector<32x6400xf32>
    %add3A_41 = arith.addf %dot_general3A_36, %add3A_40 : vector<32x6400xf32>
    %get3A_42 = arith.constant 0 : index
    %get3A_43 = arith.constant 0 : index
    %get3A_44 = vector.load %arg11[%get3A_42, %get3A_43] : memref<32x1xf32, #tpu.memory_space<vmem>>, vector<32x1xf32>
    %mul3A_45 = arith.mulf %add3A_41, %add3A_41 : vector<32x6400xf32>
    %dot_general3A_46 = arith.constant dense<0.000000e+00> : vector<1x6400xf32>
    %dot_general3A_47 = tpu.matmul %get3A_44, %mul3A_45, %dot_general3A_46 {dimension_numbers = #tpu.dot_dimension_numbers<[0], [0], [1], [1], [0, 1, 1, 1], [], []>, transpose_lhs_hint = false} : vector<32x1xf32>, vector<32x6400xf32>, vector<1x6400xf32> -> vector<1x6400xf32>
    %add3A_48 = arith.constant 9.99999974E-6 : f32
    %add3A_49 = vector.broadcast %add3A_48 : f32 to vector<1x6400xf32>
    %add3A_50 = arith.addf %dot_general3A_47, %add3A_49 : vector<1x6400xf32>
    %rsqrt3A_51 = math.rsqrt %add3A_50 : vector<1x6400xf32>
    %mul3A_52 = vector.broadcast %rsqrt3A_51 : vector<1x6400xf32> to vector<32x6400xf32>
    %mul3A_53 = arith.mulf %add3A_41, %mul3A_52 : vector<32x6400xf32>
    %get3A_54 = arith.constant 0 : index
    %get3A_55 = arith.constant 0 : index
    %get3A_56 = vector.load %arg12[%get3A_54, %get3A_55] : memref<32x1xf32, #tpu.memory_space<vmem>>, vector<32x1xf32>
    %mul3A_57 = vector.broadcast %get3A_56 : vector<32x1xf32> to vector<32x6400xf32>
    %mul3A_58 = arith.mulf %mul3A_53, %mul3A_57 : vector<32x6400xf32>
    %get3A_59 = arith.constant 0 : index
    %get3A_60 = arith.constant 0 : index
    %get3A_61 = vector.load %arg13[%get3A_59, %get3A_60] : memref<32x1xf32, #tpu.memory_space<vmem>>, vector<32x1xf32>
    %add3A_62 = vector.broadcast %get3A_61 : vector<32x1xf32> to vector<32x6400xf32>
    %add3A_63 = arith.addf %mul3A_58, %add3A_62 : vector<32x6400xf32>
    %max3A_64 = arith.constant 0.000000e+00 : f32
    %max3A_65 = vector.broadcast %max3A_64 : f32 to vector<32x6400xf32>
    %max3A_66 = arith.maximumf %add3A_63, %max3A_65 : vector<32x6400xf32>
    %get3A_67 = arith.constant 0 : index
    %get3A_68 = arith.constant 0 : index
    %get3A_69 = vector.load %arg14[%get3A_67, %get3A_68] : memref<32x1xf32, #tpu.memory_space<vmem>>, vector<32x1xf32>
    %dot_general3A_70 = arith.constant dense<0.000000e+00> : vector<1x6400xf32>
    %dot_general3A_71 = tpu.matmul %get3A_69, %max3A_66, %dot_general3A_70 {dimension_numbers = #tpu.dot_dimension_numbers<[0], [0], [1], [1], [0, 1, 1, 1], [], []>, transpose_lhs_hint = false} : vector<32x1xf32>, vector<32x6400xf32>, vector<1x6400xf32> -> vector<1x6400xf32>
    %get3A_72 = arith.constant 0 : index
    %get3A_73 = arith.constant 0 : index
    %get3A_74 = vector.load %arg15[%get3A_72, %get3A_73] : memref<1x1xf32, #tpu.memory_space<vmem>>, vector<1x1xf32>
    %add3A_75 = vector.broadcast %get3A_74 : vector<1x1xf32> to vector<1x6400xf32>
    %add3A_76 = arith.addf %dot_general3A_71, %add3A_75 : vector<1x6400xf32>
    %get3A_77 = arith.constant 0 : index
    %get3A_78 = arith.constant 0 : index
    %get3A_79 = vector.load %arg2[%get3A_77, %get3A_78] : memref<1x6400xf32, #tpu.memory_space<vmem>>, vector<1x6400xf32>
    %add3A_80 = arith.addf %get3A_79, %add3A_76 : vector<1x6400xf32>
    %logistic3A = arith.negf %add3A_80 : vector<1x6400xf32>
    %logistic3A_81 = math.exp %logistic3A : vector<1x6400xf32>
    %logistic3A_82 = arith.constant 1.000000e+00 : f32
    %logistic3A_83 = vector.broadcast %logistic3A_82 : f32 to vector<1x6400xf32>
    %logistic3A_84 = arith.addf %logistic3A_83, %logistic3A_81 : vector<1x6400xf32>
    %logistic3A_85 = arith.divf %logistic3A_83, %logistic3A_84 : vector<1x6400xf32>
    %get3A_86 = arith.constant 0 : index
    %get3A_87 = arith.constant 0 : index
    %get3A_88 = vector.load %arg3[%get3A_86, %get3A_87] : memref<1x6400xf32, #tpu.memory_space<vmem>>, vector<1x6400xf32>
    %mul3A_89 = arith.mulf %logistic3A_85, %get3A_88 : vector<1x6400xf32>
    %swap3A = arith.constant 0 : index
    %swap3A_90 = arith.constant 0 : index
    %swap3A_91 = vector.load %arg16[%swap3A, %swap3A_90] : memref<1x6400xf32, #tpu.memory_space<vmem>>, vector<1x6400xf32>
    tpu.vector_store %arg16[%swap3A, %swap3A_90], %mul3A_89 {strides = array<i32>} : memref<1x6400xf32, #tpu.memory_space<vmem>>, vector<1x6400xf32>,
    return
  }
  func.func @transform_0(%arg0: i32) -> (i32, i32) {
    %c0_i32 = arith.constant 0 : i32
    %c0_i32_0 = arith.constant 0 : i32
    return %arg0, %c0_i32 : i32, i32
  }
  func.func @transform_1(%arg0: i32) -> (i32, i32) {
    %c0_i32 = arith.constant 0 : i32
    %c0_i32_0 = arith.constant 0 : i32
    return %c0_i32, %arg0 : i32, i32
  }
  func.func @transform_2(%arg0: i32) -> (i32, i32) {
    %c0_i32 = arith.constant 0 : i32
    %c0_i32_0 = arith.constant 0 : i32
    return %c0_i32, %arg0 : i32, i32
  }
  func.func @transform_3(%arg0: i32) -> (i32, i32) {
    %c0_i32 = arith.constant 0 : i32
    %c0_i32_0 = arith.constant 0 : i32
    %c0_i32_1 = arith.constant 0 : i32
    return %c0_i32, %c0_i32_0 : i32, i32
  }
  func.func @transform_4(%arg0: i32) -> (i32, i32) {
    %c0_i32 = arith.constant 0 : i32
    %c0_i32_0 = arith.constant 0 : i32
    %c0_i32_1 = arith.constant 0 : i32
    return %c0_i32, %c0_i32_0 : i32, i32
  }
  func.func @transform_5(%arg0: i32) -> (i32, i32) {
    %c0_i32 = arith.constant 0 : i32
    %c0_i32_0 = arith.constant 0 : i32
    %c0_i32_1 = arith.constant 0 : i32
    return %c0_i32, %c0_i32_0 : i32, i32
  }
  func.func @transform_6(%arg0: i32) -> (i32, i32) {
    %c0_i32 = arith.constant 0 : i32
    %c0_i32_0 = arith.constant 0 : i32
    %c0_i32_1 = arith.constant 0 : i32
    return %c0_i32, %c0_i32_0 : i32, i32
  }
  func.func @transform_7(%arg0: i32) -> (i32, i32) {
    %c0_i32 = arith.constant 0 : i32
    %c0_i32_0 = arith.constant 0 : i32
    %c0_i32_1 = arith.constant 0 : i32
    return %c0_i32, %c0_i32_0 : i32, i32
  }
  func.func @transform_8(%arg0: i32) -> (i32, i32) {
    %c0_i32 = arith.constant 0 : i32
    %c0_i32_0 = arith.constant 0 : i32
    %c0_i32_1 = arith.constant 0 : i32
    return %c0_i32, %c0_i32_0 : i32, i32
  }
  func.func @transform_9(%arg0: i32) -> (i32, i32) {
    %c0_i32 = arith.constant 0 : i32
    %c0_i32_0 = arith.constant 0 : i32
    %c0_i32_1 = arith.constant 0 : i32
    return %c0_i32, %c0_i32_0 : i32, i32
  }
  func.func @transform_10(%arg0: i32) -> (i32, i32) {
    %c0_i32 = arith.constant 0 : i32
    %c0_i32_0 = arith.constant 0 : i32
    %c0_i32_1 = arith.constant 0 : i32
    return %c0_i32, %c0_i32_0 : i32, i32
  }
  func.func @transform_11(%arg0: i32) -> (i32, i32) {
    %c0_i32 = arith.constant 0 : i32
    %c0_i32_0 = arith.constant 0 : i32
    %c0_i32_1 = arith.constant 0 : i32
    return %c0_i32, %c0_i32_0 : i32, i32
  }
  func.func @transform_12(%arg0: i32) -> (i32, i32) {
    %c0_i32 = arith.constant 0 : i32
    %c0_i32_0 = arith.constant 0 : i32
    %c0_i32_1 = arith.constant 0 : i32
    return %c0_i32, %c0_i32_0 : i32, i32
  }
  func.func @transform_13(%arg0: i32) -> (i32, i32) {
    %c0_i32 = arith.constant 0 : i32
    %c0_i32_0 = arith.constant 0 : i32
    %c0_i32_1 = arith.constant 0 : i32
    return %c0_i32, %c0_i32_0 : i32, i32
  }
  func.func @transform_14(%arg0: i32) -> (i32, i32) {
    %c0_i32 = arith.constant 0 : i32
    %c0_i32_0 = arith.constant 0 : i32
    %c0_i32_1 = arith.constant 0 : i32
    return %c0_i32, %c0_i32_0 : i32, i32
  }
  func.func @transform_15(%arg0: i32) -> (i32, i32) {
    %c0_i32 = arith.constant 0 : i32
    %c0_i32_0 = arith.constant 0 : i32
    return %c0_i32, %arg0 : i32, i32
  }
}

</mosaic_0001>

<sc_bundles>
// kernel: kernel.6.cloned.1.call-start
scs
__scs_entry_jumppad:
0x0: {  	(pc) =	sbr.rel $0x88, $3  }
0x1: {  	(tag) =	ssettag $0x0;
	lr =	simm.s32 $0x1  }
0x2: {  	[smem:$0x3F95] =	sst lr;
	_ =	strace $0xD0000000  }
0x3: {  	_ = 	snop  }
0x4: {  	_ = 	snop  }
0x5: {  	_ = 	snop  }
0x6: {  	_ = 	snop  }
0x7: {  	_ = 	snop  }
__scs_overlays_trampoline_lowered:
0x8: {  	[smem:$0x3FA4] =	sst s0  }
0x9: {  	[smem:$0x3FA5] =	sst s1  }
0xa: {  	[smem:$0x3FA6] =	sst s2  }
0xb: {  	[smem:$0x3FA7] =	sst s3  }
0xc: {  	[smem:$0x3FA8] =	sst s4  }
0xd: {  	[smem:$0x3FA9] =	sst s5  }
0xe: {  	[smem:$0x3FAA] =	sst s6  }
0xf: {  	[smem:$0x3FAB] =	sst s7  }
0x10: {  	[smem:$0x3FAC] =	sst s8  }
0x11: {  	[smem:$0x3FAD] =	sst s9;
	s0 =	simm.s32 @!p0 $0x0  }
0x12: {  	s1 =	sld [smem:$0x3F93];
	s0 =	simm.s32 @p0 $0x1  }
0x13: {  	[smem:$0x3FAE] =	sst s0;
	s0 =	simm.s32 @!p1 $0x0  }
0x14: {  	s2 =	sld [smem:$0x3F92];
	s0 =	simm.s32 @p1 $0x1  }
0x15: {  	[smem:$0x3FAF] =	sst s0;
	s0 =	simm.s32 @!p2 $0x0  }
0x16: {  	s3 =	sld [smem:$0x3FDB];
	s0 =	simm.s32 @p2 $0x1  }
0x17: {  	s4 =	simm.s32 $0x1BF5;
	[smem:$0x3FB1] =	sst s0  }
0x18: {  	s0 =	sld [smem:$0x3F94];
	_ =	swait.ge [sflag:s4], $0x0  }
0x19: {  	s7 =	sld [smem:$0x3F95]  }
0x1a: {  	s8 =	sadd.s32 $0xFFFFE003, lr  }
0x1b: {  	s9 =	sadd.s32 $0xFFFFFEF7, lr;
	s5 =	simm.s32 $0xFFFFFFFF;
	p2 =	slt.u32 s8, $0xFFFFF086  }
0x1c: {  	p1 =	slt.u32 s9, $0xF7A;
	s5 =	simm.s32 @!p2 $0x0  }
0x1d: {  	s5 =	simm.s32 @p1 $0x1;
	p0 =	seq.s32 s7, s2  }
0x1e: {  	s7 =	smul.u32 @!p0 $0xF7A, s2;
	p2 =	seq.s32 @!p0 s5, $0x0  }
0x1f: {  	s9 =	smul.u32 $0xF7A, s1;
	s8 =	simm.s32 @!p0 $0x1BF5;
	p2 =	por !p2, p0  }
0x20: {  	[sflag:s8] =	ssyncset.s32 @!p0 $0xFFFFF086;
	s6 =	sadd.s32 @!p0 s3, s7;
	s7 =	simm.s32 @!p0 $0x108  }
0x21: {  	s3 =	sadd.s32 s3, s9;
	s6 =	sadd.s32 @!p0 $0x88, s6;
	s7 =	simm.s32 @p2 $0x1082  }
0x22: {  	[simem:s7], [sflag:s8] =	dma.local @!p0 [hbm:s6], $0xF7A  }
0x23: {  	s9 =	sor.u32 $0xD0000000, s2;
	s6 =	simm.s32 $0x108;
	_ =	swait.ge @!p0 [sflag:s8], $0x0  }
0x24: {  	s3 =	sadd.s32 $0x88, s3;
	s6 =	simm.s32 @!p1 $0x1082;
	[sflag:s4] =	ssyncset.s32 $0xFFFFF086  }
0x25: {  	[simem:s6], [sflag:s4] =	dma.local [hbm:s3], $0xF7A  }
0x26: {  	[smem:$0x3F95] =	sst s1;
	(tag) =	ssettag s2;
	_ =	strace s9  }
0x27: {  	s1 =	sld [smem:$0x3FA5]  }
0x28: {  	s2 =	sld [smem:$0x3FA6]  }
0x29: {  	s4 =	sld [smem:$0x3FA8]  }
0x2a: {  	p0 =	seq.s32 s5, $0x0;
	s5 =	sld [smem:$0x3FA9]  }
0x2b: {  	s6 =	sld [smem:$0x3FAA]  }
0x2c: {  	s7 =	sld [smem:$0x3FAB]  }
0x2d: {  	s3 =	simm.s32 $0x108;
	s8 =	sld [smem:$0x3FAC]  }
0x2e: {  	s3 =	simm.s32 @!p0 $0x1082;
	s9 =	sld [smem:$0x3FAD]  }
0x2f: {  	lr =	sadd.s32 s0, s3;
	s0 =	sld [smem:$0x3FA4]  }
0x30: {  	s3 =	sld [smem:$0x3FA7]  }
0x31: {  	[smem:$0x3FB0] =	sst s10  }
0x32: {  	s10 =	sld [smem:$0x3FAE];
	_ =	sdelay $0x3  }
0x33: {  	p0 =	seq.s32 s10, $0x1;
	s10 =	sld [smem:$0x3FB0];
	_ =	sdelay $0x3  }
0x34: {  	[smem:$0x3FB0] =	sst s10  }
0x35: {  	s10 =	sld [smem:$0x3FAF];
	_ =	sdelay $0x3  }
0x36: {  	p1 =	seq.s32 s10, $0x1;
	s10 =	sld [smem:$0x3FB0];
	_ =	sdelay $0x3  }
0x37: {  	[smem:$0x3FB0] =	sst s10  }
0x38: {  	s10 =	sld [smem:$0x3FB1]  }
0x39: {  	_ = 	snop;
	(pc) =	sbr.ind lr, $3  }
0x3a: {  	_ = 	snop  }
0x3b: {  	_ = 	snop  }
0x3c: {  	p2 =	seq.s32 s10, $0x1;
	s10 =	sld [smem:$0x3FB0]  }
0x3d: {  	_ =	shalt  }
0x3e: {  	_ =	shalt  }
0x3f: {  	_ =	shalt  }
0x40: {  	_ =	shalt  }
0x41: {  	_ =	shalt  }
0x42: {  	_ =	shalt  }
0x43: {  	_ =	shalt  }
0x44: {  	_ =	shalt  }
0x45: {  	_ =	shalt  }
0x46: {  	_ =	shalt  }
0x47: {  	_ =	shalt  }
0x48: {  	_ =	shalt  }
0x49: {  	_ =	shalt  }
0x4a: {  	_ =	shalt  }
0x4b: {  	_ =	shalt  }
0x4c: {  	_ =	shalt  }
0x4d: {  	_ =	shalt  }
0x4e: {  	_ =	shalt  }
0x4f: {  	_ =	shalt  }
0x50: {  	_ =	shalt  }
0x51: {  	_ =	shalt  }
0x52: {  	_ =	shalt  }
0x53: {  	_ =	shalt  }
0x54: {  	_ =	shalt  }
0x55: {  	_ =	shalt  }
0x56: {  	_ =	shalt  }
0x57: {  	_ =	shalt  }
0x58: {  	_ =	shalt  }
0x59: {  	_ =	shalt  }
0x5a: {  	_ =	shalt  }
0x5b: {  	_ =	shalt  }
0x5c: {  	_ =	shalt  }
0x5d: {  	_ =	shalt  }
0x5e: {  	_ =	shalt  }
0x5f: {  	_ =	shalt  }
0x60: {  	_ =	shalt  }
0x61: {  	_ =	shalt  }
0x62: {  	_ =	shalt  }
0x63: {  	_ =	shalt  }
0x64: {  	_ =	shalt  }
0x65: {  	_ =	shalt  }
0x66: {  	_ =	shalt  }
0x67: {  	_ =	shalt  }
0x68: {  	_ =	shalt  }
0x69: {  	_ =	shalt  }
0x6a: {  	_ =	shalt  }
0x6b: {  	_ =	shalt  }
0x6c: {  	_ =	shalt  }
0x6d: {  	_ =	shalt  }
0x6e: {  	_ =	shalt  }
0x6f: {  	_ =	shalt  }
0x70: {  	_ =	shalt  }
0x71: {  	_ =	shalt  }
0x72: {  	_ =	shalt  }
0x73: {  	_ =	shalt  }
0x74: {  	_ =	shalt  }
0x75: {  	_ =	shalt  }
0x76: {  	_ =	shalt  }
0x77: {  	_ =	shalt  }
0x78: {  	_ =	shalt  }
0x79: {  	_ =	shalt  }
0x7a: {  	_ =	shalt  }
0x7b: {  	_ =	shalt  }
0x7c: {  	_ =	shalt  }
0x7d: {  	_ =	shalt  }
0x7e: {  	_ =	shalt  }
0x7f: {  	_ =	shalt  }
0x80: {  	_ =	shalt  }
0x81: {  	_ =	shalt  }
0x82: {  	_ =	shalt  }
0x83: {  	_ =	shalt  }
0x84: {  	_ =	shalt  }
0x85: {  	_ =	shalt  }
0x86: {  	_ =	shalt  }
0x87: {  	_ =	shalt  }
.Lfunc_end0:
.L_simem_size_0:
called_computation_lowered:
.L_overlay_start_0:
0x88: {  	s2 =	sld [smem:$0x3FD9]  }
0x89: {  	s3 =	sld [smem:$0x3FFE];
	_ =	sdelay $0x1  }
0x8a: {  	s1 =	srdreg.scid  }
0x8b: {  	s0 =	sand.u32 $0x1, s1  }
0x8c: {  	s17 =	sshll.u32 s0, $0xA;
	s2 =	sadd.s32 s3, s2  }
0x8d: {  	s2 =	sadd.s32 s2, s17  }
0x8e: {  	[smem:$0x3FBC] =	sst s2  }
0x8f: {  	_ = 	snop  }
0x90: {  	s2 =	sld [smem:$0x3FD0];
	(tm) =	ssettm $0x1  }
0x91: {  	s18 =	sld [smem:$0x3FFB];
	_ =	sdelay $0x3  }
0x92: {  	_ =	strace s18  }
0x93: {  	s3 =	sld [smem:$0x3FFC];
	_ =	sdelay $0x3  }
0x94: {  	_ =	strace s3  }
0x95: {  	s3 =	sld [smem:$0x3FFD];
	_ =	sdelay $0x3  }
0x96: {  	_ =	strace s3  }
0x97: {  	_ =	strace $0x8FFFFFFF  }
0x98: {  	s19 =	sld [smem:$0x3FDB];
	_ =	sdelay $0x1  }
0x99: {  	s4 =	simm.s32 $_scs_section_size  }
0x9a: {  	s5 =	simm.s32 $_size__tile_overlayer_lowered;
	s6 =	simm.s32 $_tile_overlayer_lowered  }
0x9b: {  	s22 =	simm.s32 $0x1BFF;
	s21 =	sshll.u32 s6, $0x1;
	s3 =	sadd.s32 s4, s19  }
0x9c: {  	s7 =	simm.s32 $0x0;
	s20 =	sshll.u32 s5, $0x1;
	s5 =	sadd.s32 s21, s3  }
0x9d: {  	[timem:s7], [sflag:s22] =	dma.local [hbm:s5], s20  }
0x9e: {  	_ =	swait.ge [sflag:s22], s20  }
0x9f: {  	s4 =	ssub.s32 $0x0, s20;
	[sflag:s22] =	ssyncset.done $0x0  }
0xa0: {  	[sflag:s22] =	ssyncadd.s32 s4;
	_ =	sdelay $0x1  }
0xa1: {  	s23 =	simm.s32 $0x1B8B  }
0xa2: {  	_ =	swait.ge [sflag:s23], $0x1  }
0xa3: {  	[sflag:s23] =	ssyncset.done $0x0  }
0xa4: {  	s25 =	simm.s32 $0x1B8E;
	s24 =	sld [smem:$0x3FFE];
	[sflag:s23] =	ssyncadd.s32 $0xFFFFFFFF  }
0xa5: {  	s26 =	simm.s32 $execute0_lowered;
	[smem:$0x3FD2] =	sst s25  }
0xa6: {  	s5 =	sshll.u32 s26, $0x1;
	_ =	strace $0x80000046;
	[dreg:$0x1] =	wrdreg $0xFFFFFFFF  }
0xa7: {  	s28 =	simm.s32 $_size_execute0_lowered;
	s3 =	sadd.s32 s3, s5;
	[dreg:$0x0] =	wrdreg $0x0  }
0xa8: {  	s5 =	sshll.u32 s28, $0x1;
	[dreg:$0x2] =	wrdreg s3  }
0xa9: {  	[dreg:$0x3] =	wrdreg s5  }
0xaa: {  	[dreg:$0x4] =	wrdreg $0xC0  }
0xab: {  	_ =	task [dreg:s7], $0x5FFFF  }
0xac: {  	[dreg:$0x1] =	wrdreg $0xFFFFFFFF  }
0xad: {  	[dreg:$0x0] =	wrdreg $0x60  }
0xae: {  	[dreg:$0x2] =	wrdreg s24  }
0xaf: {  	[dreg:$0x3] =	wrdreg s2  }
0xb0: {  	[dreg:$0x4] =	wrdreg $0x9  }
0xb1: {  	_ =	task.clear_ibuf [dreg:s7], $0x5FFFF;
	_ =	strace $0x90000046  }
0xb2: {  	s29 =	simm.s32 $0x9;
	_ =	strace $0x80000048  }
0xb3: {  	_ =	swait.ge [sflag:s29], $0x1  }
0xb4: {  	[sflag:s29] =	ssyncadd.s32 $0xFFFFFFFF  }
0xb5: {  	_ =	strace $0x90000048  }
0xb6: {  	_ =	sfence  }
0xb7: {  	s30 =	sld [smem:$0x0];
	_ =	sdelay $0x2  }
0xb8: {  	s31 =	sshll.u32 s1, $0xD;
	s1 =	sshrl.u32 s1, $0x2  }
0xb9: {  	s3 =	sand.u32 $0x4000, s31;
	s1 =	sadd.s32 s1, s30  }
0xba: {  	s0 =	sor.u32 s3, s0;
	s1 =	sshll.u32 s1, $0x11  }
0xbb: {  	s0 =	sor.u32 s1, s0  }
0xbc: {  	s0 =	sadd.s32 $0x8F2B, s0  }
0xbd: {  	[sflag:s0] =	ssyncadd.remote.s32 $0x1  }
0xbe: {  	_ =	sfence.sel $0xFFFF  }
0xbf: {  	[dreg:$0x0] =	wrdreg $0xFFFFFFFF;
	(pc) =	sbr.abs _section_cstart, $3  }
0xc0: {  	[dreg:$0x1] =	wrdreg $0xFFFFFFFF  }
0xc1: {  	_ =	task.clear_ibuf [dreg:s7], $0x2FFFF;
	_ =	strace $0x9FFFFFFF  }
0xc2: {  	(tm) =	ssettm $0x7FFFFFFF  }
0xc3: {  	_ =	shalt  }
tec
execute0_lowered:
.L_overlay_start_1:
0x0: {  	(tag) =	ssettag $0x1  }
0x1: {  	s3 =	rddreg [dreg:$0x0]  }
0x2: {  	s1 =	srdreg.scid;
	s0 =	stileid.u32  }
0x3: {  	s4 =	rddreg [dreg:$0x1];
	s10 =	simm.s32 $0x4F80;
	s11 =	simm.s32 $0x80  }
0x4: {  	s12 =	simm.s32 $0x400;
	s5 =	sand.u32 $0x1, s1;
	s2 =	sshll.u32 s0, $0x1  }
0x5: {  	s1 =	rddreg [dreg:$0x2];
	s7 =	sshrl.u32 s0, $0x2;
	s6 =	sor.u32 s5, s2  }
0x6: {  	s2 =	simm.s32 $0x0;
	s7 =	smul.u32 $0x14000, s7;
	s8 =	sshll.u32 s6, $0x7  }
0x7: {  	s5 =	ssub.s32 $0x2, s5;
	[smem:$0x7FF] =	sst s2;
	s8 =	sand.u32 $0x380, s8  }
0x8: {  	s6 =	smul.u32 $0x4E2, s6;
	s9 =	sshrl.u32 s5, $0x1;
	s7 =	sor.u32 s7, s8  }
0x9: {  	_ =	strace $0x80000047;
	s9 =	ssub.s32 s5, s9;
	s7 =	sshrl.u32 s7, $0x3  }
0xa: {  	s31 =	sadd.s32 s6, s3;
	s4 =	sadd.s32 s4, s6;
	s7 =	sadd.s32 s7, s3  }
0xb: {  	s8 =	simm.s32 $0x1;
	s3 =	sadd.s32 $0x1C00, s31;
	s5 =	sadd.s32 $0xBA00, s7  }
0xc: {  	v0 =	vimm.f32 $0.0e+00;
	v1 =	vimm.f32 $1.000000000e+00;
	s6 =	sadd.s32 $0x15A00, s7;
	s7 =	smax.u32 s9, $0x1;
	s9 =	simm.s32 $0x2780  }
.LBB2_1:
0xd: {  	s13 =	simm.s32 $0x40;
	s14 =	simm.s32 $0x0  }
.LBB2_2:
0xe: {  	p0 =	sne.s32 s13, $0x9FC0;
	[tilespmem:s14+$0x2780] =	vst v0;
	s15 =	smov.u32 s13;
	s13 =	sadd.s32 $0x40, s13  }
.Ltmp0:
0xf: {  	[tilespmem:s14+$0x4F80] =	vst v0;
	(pc) =	sbr.rel @p0 .LBB2_2-.Ltmp0, $2  }
0x10: {  	_ =	sdelay $0x2  }
0x11: {  	s14 =	sshra.s32 s15, $0x2  }
0x12: {  	[tilespmem:s14+$0x2780] =	vst v0  }
0x13: {  	[tilespmem:s14+$0x4F80] =	vst v0;
	s13 =	simm.s32 $0x0  }
0x14: {  	[tilespmem:s13], [sflag:$0x1] =	stream.linear.gather [hbm4b:s3+s13], $0x2710, $0x38;
	[tilespmem:$0x7780] =	vst v63  }
0x15: {  	_ =	swait.ge [sflag:s8], $0x2710  }
0x16: {  	[sflag:s8] =	ssyncset.done $0x0  }
0x17: {  	s14 =	simm.s32 $0x0;
	s13 =	simm.s32 $0x40;
	[sflag:s8] =	ssyncadd.s32 $0xFFFFD8F0  }
.LBB2_4:
0x18: {  	p0 =	sne.s32 s13, $0x9C00;
	v2 =	vld [tilespmem:s14+$0x0];
	_ =	sdelay $0x3  }
.Ltmp1:
0x19: {  	(pc) =	sbr.rel @p0 .LBB2_4-.Ltmp1, $2  }
0x1a: {  	_ =	sdelay $0x2  }
0x1b: {  	s14 =	sshra.s32 s13, $0x2;
	s13 =	sadd.s32 $0x40, s13;
	[tilespmem:v2+s9+$0x0] =	vst.idx.add.f32.msk $0xffff, v1  }
0x1c: {  	v2 =	vld [tilespmem:s14+$0x0];
	_ =	sdelay $0x7  }
0x1d: {  	s13 =	simm.s32 $0x0;
	[tilespmem:v2+s9+$0x0] =	vst.idx.add.f32.msk $0xffff, v1  }
0x1e: {  	[tilespmem:s13], [sflag:$0x1] =	stream.linear.gather [hbm4b:s4+s13], $0x2710, $0x38;
	[tilespmem:$0x7780] =	vst v63  }
0x1f: {  	_ =	swait.ge [sflag:s8], $0x2710  }
0x20: {  	[sflag:s8] =	ssyncset.done $0x0  }
0x21: {  	s14 =	simm.s32 $0x0;
	s13 =	simm.s32 $0x40;
	[sflag:s8] =	ssyncadd.s32 $0xFFFFD8F0  }
.LBB2_6:
0x22: {  	p0 =	sne.s32 s13, $0x9C00;
	v2 =	vld [tilespmem:s14+$0x0];
	_ =	sdelay $0x3  }
.Ltmp2:
0x23: {  	(pc) =	sbr.rel @p0 .LBB2_6-.Ltmp2, $2  }
0x24: {  	_ =	sdelay $0x2  }
0x25: {  	s14 =	sshra.s32 s13, $0x2;
	s13 =	sadd.s32 $0x40, s13;
	[tilespmem:v2+s10+$0x0] =	vst.idx.add.f32.msk $0xffff, v1  }
0x26: {  	v2 =	vld [tilespmem:s14+$0x0];
	_ =	sdelay $0x7  }
0x27: {  	[tilespmem:v2+s10+$0x0] =	vst.idx.add.f32.msk $0xffff, v1  }
0x28: {  	[hbm4b:s5+s11] =	stream.strided.scatter [tilespmem:s9], [sflag:$0x1], $0x2800, s12, s11, $0x38;
	[tilespmem:$0x7780] =	vst v63  }
0x29: {  	s2 =	sadd.s32 $0x1, s2;
	_ =	swait.ge [sflag:s8], $0x2800  }
0x2a: {  	p0 =	sne.s32 s2, s7;
	[sflag:s8] =	ssyncset.done $0x0  }
.Ltmp3:
0x2b: {  	[sflag:s8] =	ssyncadd.s32 $0xFFFFD800;
	(pc) =	sbr.rel @p0 .LBB2_1-.Ltmp3, $4  }
0x2c: {  	[hbm4b:s6+s11] =	stream.strided.scatter [tilespmem:s10], [sflag:$0x1], $0x2800, s12, s11, $0x38;
	[tilespmem:$0x7780] =	vst v63  }
0x2d: {  	_ =	swait.ge [sflag:s8], $0x2800  }
0x2e: {  	[sflag:s8] =	ssyncset.done $0x0  }
0x2f: {  	[sflag:s8] =	ssyncadd.s32 $0xFFFFD800  }
0x30: {  	_ =	sfence.sel $0x180000  }
0x31: {  	[bflag:$0x0] =	sbarrier.arrive $0xFFFF  }
0x32: {  	p0 =	sne.s32 s0, $0x0;
	_ =	strace $0x90000047  }
0x33: {  	s0 =	sadd.s32 @!p0 $0x100000, s1;
	[bflag:$0x2] =	sbarrier.arrive $0xFFFF  }
0x34: {  	[sflag:s0] =	ssyncadd.tile.s32 @!p0 $0x1;
	_ =	shalt  }
.Lfunc_end2:
_tile_overlayer_lowered:
.L_overlay_start_2:
0x35: {  	(tag) =	ssettag $0x2  }
0x36: {  	s0 =	rddreg [dreg:$0x0];
	s2 =	stileid.u32  }
0x37: {  	s1 =	rddreg [dreg:$0x1];
	p0 =	sne.s32 s2, $0x0  }
0x38: {  	s3 =	rddreg [dreg:$0x2];
	[bflag:$0x3] =	sbarrier.arrive $0xFFFF;
	s2 =	simm.s32 @!p0 $0x1C01  }
0x39: {  	[timem:s3], [sflag:s2] =	dma.local @!p0 [hbm:s0], s1  }
0x3a: {  	s0 =	simm.s32 @!p0 $0x1  }
0x3b: {  	_ =	swait.ge @!p0 [sflag:s0], s1  }
0x3c: {  	s1 =	ssub.s32 @!p0 $0x0, s1;
	[sflag:s0] =	ssyncset.done @!p0 $0x0  }
0x3d: {  	[sflag:s0] =	ssyncadd.s32 @!p0 s1  }
0x3e: {  	[bflag:$0x3] =	sbarrier.arrive $0xFFFF  }
0x3f: {  	_ =	shalt  }

// kernel: kernel.9.cloned.1.call-start
scs
__scs_entry_jumppad:
0x0: {  	(pc) =	sbr.rel $0x88, $3  }
0x1: {  	(tag) =	ssettag $0x0;
	lr =	simm.s32 $0x1  }
0x2: {  	[smem:$0x3F95] =	sst lr;
	_ =	strace $0xD0000000  }
0x3: {  	_ = 	snop  }
0x4: {  	_ = 	snop  }
0x5: {  	_ = 	snop  }
0x6: {  	_ = 	snop  }
0x7: {  	_ = 	snop  }
__scs_overlays_trampoline_lowered:
0x8: {  	[smem:$0x3FA4] =	sst s0  }
0x9: {  	[smem:$0x3FA5] =	sst s1  }
0xa: {  	[smem:$0x3FA6] =	sst s2  }
0xb: {  	[smem:$0x3FA7] =	sst s3  }
0xc: {  	[smem:$0x3FA8] =	sst s4  }
0xd: {  	[smem:$0x3FA9] =	sst s5  }
0xe: {  	[smem:$0x3FAA] =	sst s6  }
0xf: {  	[smem:$0x3FAB] =	sst s7  }
0x10: {  	[smem:$0x3FAC] =	sst s8  }
0x11: {  	[smem:$0x3FAD] =	sst s9;
	s0 =	simm.s32 @!p0 $0x0  }
0x12: {  	s1 =	sld [smem:$0x3F93];
	s0 =	simm.s32 @p0 $0x1  }
0x13: {  	[smem:$0x3FAE] =	sst s0;
	s0 =	simm.s32 @!p1 $0x0  }
0x14: {  	s2 =	sld [smem:$0x3F92];
	s0 =	simm.s32 @p1 $0x1  }
0x15: {  	[smem:$0x3FAF] =	sst s0;
	s0 =	simm.s32 @!p2 $0x0  }
0x16: {  	s3 =	sld [smem:$0x3FDB];
	s0 =	simm.s32 @p2 $0x1  }
0x17: {  	s4 =	simm.s32 $0x1BF5;
	[smem:$0x3FB1] =	sst s0  }
0x18: {  	s0 =	sld [smem:$0x3F94];
	_ =	swait.ge [sflag:s4], $0x0  }
0x19: {  	s7 =	sld [smem:$0x3F95]  }
0x1a: {  	s8 =	sadd.s32 $0xFFFFE003, lr  }
0x1b: {  	s9 =	sadd.s32 $0xFFFFFEF7, lr;
	s5 =	simm.s32 $0xFFFFFFFF;
	p2 =	slt.u32 s8, $0xFFFFF086  }
0x1c: {  	p1 =	slt.u32 s9, $0xF7A;
	s5 =	simm.s32 @!p2 $0x0  }
0x1d: {  	s5 =	simm.s32 @p1 $0x1;
	p0 =	seq.s32 s7, s2  }
0x1e: {  	s7 =	smul.u32 @!p0 $0xF7A, s2;
	p2 =	seq.s32 @!p0 s5, $0x0  }
0x1f: {  	s9 =	smul.u32 $0xF7A, s1;
	s8 =	simm.s32 @!p0 $0x1BF5;
	p2 =	por !p2, p0  }
0x20: {  	[sflag:s8] =	ssyncset.s32 @!p0 $0xFFFFF086;
	s6 =	sadd.s32 @!p0 s3, s7;
	s7 =	simm.s32 @!p0 $0x108  }
0x21: {  	s3 =	sadd.s32 s3, s9;
	s6 =	sadd.s32 @!p0 $0x88, s6;
	s7 =	simm.s32 @p2 $0x1082  }
0x22: {  	[simem:s7], [sflag:s8] =	dma.local @!p0 [hbm:s6], $0xF7A  }
0x23: {  	s9 =	sor.u32 $0xD0000000, s2;
	s6 =	simm.s32 $0x108;
	_ =	swait.ge @!p0 [sflag:s8], $0x0  }
0x24: {  	s3 =	sadd.s32 $0x88, s3;
	s6 =	simm.s32 @!p1 $0x1082;
	[sflag:s4] =	ssyncset.s32 $0xFFFFF086  }
0x25: {  	[simem:s6], [sflag:s4] =	dma.local [hbm:s3], $0xF7A  }
0x26: {  	[smem:$0x3F95] =	sst s1;
	(tag) =	ssettag s2;
	_ =	strace s9  }
0x27: {  	s1 =	sld [smem:$0x3FA5]  }
0x28: {  	s2 =	sld [smem:$0x3FA6]  }
0x29: {  	s4 =	sld [smem:$0x3FA8]  }
0x2a: {  	p0 =	seq.s32 s5, $0x0;
	s5 =	sld [smem:$0x3FA9]  }
0x2b: {  	s6 =	sld [smem:$0x3FAA]  }
0x2c: {  	s7 =	sld [smem:$0x3FAB]  }
0x2d: {  	s3 =	simm.s32 $0x108;
	s8 =	sld [smem:$0x3FAC]  }
0x2e: {  	s3 =	simm.s32 @!p0 $0x1082;
	s9 =	sld [smem:$0x3FAD]  }
0x2f: {  	lr =	sadd.s32 s0, s3;
	s0 =	sld [smem:$0x3FA4]  }
0x30: {  	s3 =	sld [smem:$0x3FA7]  }
0x31: {  	[smem:$0x3FB0] =	sst s10  }
0x32: {  	s10 =	sld [smem:$0x3FAE];
	_ =	sdelay $0x3  }
0x33: {  	p0 =	seq.s32 s10, $0x1;
	s10 =	sld [smem:$0x3FB0];
	_ =	sdelay $0x3  }
0x34: {  	[smem:$0x3FB0] =	sst s10  }
0x35: {  	s10 =	sld [smem:$0x3FAF];
	_ =	sdelay $0x3  }
0x36: {  	p1 =	seq.s32 s10, $0x1;
	s10 =	sld [smem:$0x3FB0];
	_ =	sdelay $0x3  }
0x37: {  	[smem:$0x3FB0] =	sst s10  }
0x38: {  	s10 =	sld [smem:$0x3FB1]  }
0x39: {  	_ = 	snop;
	(pc) =	sbr.ind lr, $3  }
0x3a: {  	_ = 	snop  }
0x3b: {  	_ = 	snop  }
0x3c: {  	p2 =	seq.s32 s10, $0x1;
	s10 =	sld [smem:$0x3FB0]  }
0x3d: {  	_ =	shalt  }
0x3e: {  	_ =	shalt  }
0x3f: {  	_ =	shalt  }
0x40: {  	_ =	shalt  }
0x41: {  	_ =	shalt  }
0x42: {  	_ =	shalt  }
0x43: {  	_ =	shalt  }
0x44: {  	_ =	shalt  }
0x45: {  	_ =	shalt  }
0x46: {  	_ =	shalt  }
0x47: {  	_ =	shalt  }
0x48: {  	_ =	shalt  }
0x49: {  	_ =	shalt  }
0x4a: {  	_ =	shalt  }
0x4b: {  	_ =	shalt  }
0x4c: {  	_ =	shalt  }
0x4d: {  	_ =	shalt  }
0x4e: {  	_ =	shalt  }
0x4f: {  	_ =	shalt  }
0x50: {  	_ =	shalt  }
0x51: {  	_ =	shalt  }
0x52: {  	_ =	shalt  }
0x53: {  	_ =	shalt  }
0x54: {  	_ =	shalt  }
0x55: {  	_ =	shalt  }
0x56: {  	_ =	shalt  }
0x57: {  	_ =	shalt  }
0x58: {  	_ =	shalt  }
0x59: {  	_ =	shalt  }
0x5a: {  	_ =	shalt  }
0x5b: {  	_ =	shalt  }
0x5c: {  	_ =	shalt  }
0x5d: {  	_ =	shalt  }
0x5e: {  	_ =	shalt  }
0x5f: {  	_ =	shalt  }
0x60: {  	_ =	shalt  }
0x61: {  	_ =	shalt  }
0x62: {  	_ =	shalt  }
0x63: {  	_ =	shalt  }
0x64: {  	_ =	shalt  }
0x65: {  	_ =	shalt  }
0x66: {  	_ =	shalt  }
0x67: {  	_ =	shalt  }
0x68: {  	_ =	shalt  }
0x69: {  	_ =	shalt  }
0x6a: {  	_ =	shalt  }
0x6b: {  	_ =	shalt  }
0x6c: {  	_ =	shalt  }
0x6d: {  	_ =	shalt  }
0x6e: {  	_ =	shalt  }
0x6f: {  	_ =	shalt  }
0x70: {  	_ =	shalt  }
0x71: {  	_ =	shalt  }
0x72: {  	_ =	shalt  }
0x73: {  	_ =	shalt  }
0x74: {  	_ =	shalt  }
0x75: {  	_ =	shalt  }
0x76: {  	_ =	shalt  }
0x77: {  	_ =	shalt  }
0x78: {  	_ =	shalt  }
0x79: {  	_ =	shalt  }
0x7a: {  	_ =	shalt  }
0x7b: {  	_ =	shalt  }
0x7c: {  	_ =	shalt  }
0x7d: {  	_ =	shalt  }
0x7e: {  	_ =	shalt  }
0x7f: {  	_ =	shalt  }
0x80: {  	_ =	shalt  }
0x81: {  	_ =	shalt  }
0x82: {  	_ =	shalt  }
0x83: {  	_ =	shalt  }
0x84: {  	_ =	shalt  }
0x85: {  	_ =	shalt  }
0x86: {  	_ =	shalt  }
0x87: {  	_ =	shalt  }
.Lfunc_end0:
.L_simem_size_0:
called_computation.1_lowered:
.L_overlay_start_0:
0x88: {  	s2 =	sld [smem:$0x3FD9]  }
0x89: {  	s3 =	sld [smem:$0x3FFE];
	_ =	sdelay $0x1  }
0x8a: {  	s1 =	srdreg.scid  }
0x8b: {  	s0 =	sand.u32 $0x1, s1  }
0x8c: {  	s17 =	sshll.u32 s0, $0xA;
	s2 =	sadd.s32 s3, s2  }
0x8d: {  	s2 =	sadd.s32 s2, s17  }
0x8e: {  	[smem:$0x3FBC] =	sst s2  }
0x8f: {  	_ = 	snop  }
0x90: {  	s2 =	sld [smem:$0x3FD0];
	(tm) =	ssettm $0x1  }
0x91: {  	s18 =	sld [smem:$0x3FFB];
	_ =	sdelay $0x3  }
0x92: {  	_ =	strace s18  }
0x93: {  	s3 =	sld [smem:$0x3FFC];
	_ =	sdelay $0x3  }
0x94: {  	_ =	strace s3  }
0x95: {  	s3 =	sld [smem:$0x3FFD];
	_ =	sdelay $0x3  }
0x96: {  	_ =	strace s3  }
0x97: {  	_ =	strace $0x8FFFFFFF  }
0x98: {  	s19 =	sld [smem:$0x3FDB];
	_ =	sdelay $0x1  }
0x99: {  	s4 =	simm.s32 $_scs_section_size  }
0x9a: {  	s5 =	simm.s32 $_size__tile_overlayer_lowered;
	s6 =	simm.s32 $_tile_overlayer_lowered  }
0x9b: {  	s22 =	simm.s32 $0x1BFF;
	s21 =	sshll.u32 s6, $0x1;
	s3 =	sadd.s32 s4, s19  }
0x9c: {  	s7 =	simm.s32 $0x0;
	s20 =	sshll.u32 s5, $0x1;
	s5 =	sadd.s32 s21, s3  }
0x9d: {  	[timem:s7], [sflag:s22] =	dma.local [hbm:s5], s20  }
0x9e: {  	_ =	swait.ge [sflag:s22], s20  }
0x9f: {  	s4 =	ssub.s32 $0x0, s20;
	[sflag:s22] =	ssyncset.done $0x0  }
0xa0: {  	[sflag:s22] =	ssyncadd.s32 s4;
	_ =	sdelay $0x1  }
0xa1: {  	s23 =	simm.s32 $0x1B8B  }
0xa2: {  	_ =	swait.ge [sflag:s23], $0x1  }
0xa3: {  	[sflag:s23] =	ssyncset.done $0x0  }
0xa4: {  	s25 =	simm.s32 $0x1B8E;
	s24 =	sld [smem:$0x3FFE];
	[sflag:s23] =	ssyncadd.s32 $0xFFFFFFFF  }
0xa5: {  	s26 =	simm.s32 $execute0_lowered;
	[smem:$0x3FD2] =	sst s25  }
0xa6: {  	s5 =	sshll.u32 s26, $0x1;
	_ =	strace $0x80000049;
	[dreg:$0x1] =	wrdreg $0xFFFFFFFF  }
0xa7: {  	s28 =	simm.s32 $_size_execute0_lowered;
	s3 =	sadd.s32 s3, s5;
	[dreg:$0x0] =	wrdreg $0x0  }
0xa8: {  	s5 =	sshll.u32 s28, $0x1;
	[dreg:$0x2] =	wrdreg s3  }
0xa9: {  	[dreg:$0x3] =	wrdreg s5  }
0xaa: {  	[dreg:$0x4] =	wrdreg $0xC0  }
0xab: {  	_ =	task [dreg:s7], $0x5FFFF  }
0xac: {  	[dreg:$0x1] =	wrdreg $0xFFFFFFFF  }
0xad: {  	[dreg:$0x0] =	wrdreg $0x60  }
0xae: {  	[dreg:$0x2] =	wrdreg s24  }
0xaf: {  	[dreg:$0x3] =	wrdreg s2  }
0xb0: {  	[dreg:$0x4] =	wrdreg $0x9  }
0xb1: {  	_ =	task.clear_ibuf [dreg:s7], $0x5FFFF;
	_ =	strace $0x90000049  }
0xb2: {  	s29 =	simm.s32 $0x9;
	_ =	strace $0x8000004B  }
0xb3: {  	_ =	swait.ge [sflag:s29], $0x1  }
0xb4: {  	[sflag:s29] =	ssyncadd.s32 $0xFFFFFFFF  }
0xb5: {  	_ =	strace $0x9000004B  }
0xb6: {  	_ =	sfence  }
0xb7: {  	s30 =	sld [smem:$0x0];
	_ =	sdelay $0x2  }
0xb8: {  	s31 =	sshll.u32 s1, $0xD;
	s1 =	sshrl.u32 s1, $0x2  }
0xb9: {  	s3 =	sand.u32 $0x4000, s31;
	s1 =	sadd.s32 s1, s30  }
0xba: {  	s0 =	sor.u32 s3, s0;
	s1 =	sshll.u32 s1, $0x11  }
0xbb: {  	s0 =	sor.u32 s1, s0  }
0xbc: {  	s0 =	sadd.s32 $0x8F2B, s0  }
0xbd: {  	[sflag:s0] =	ssyncadd.remote.s32 $0x1  }
0xbe: {  	_ =	sfence.sel $0xFFFF  }
0xbf: {  	[dreg:$0x0] =	wrdreg $0xFFFFFFFF;
	(pc) =	sbr.abs _section_cstart, $3  }
0xc0: {  	[dreg:$0x1] =	wrdreg $0xFFFFFFFF  }
0xc1: {  	_ =	task.clear_ibuf [dreg:s7], $0x2FFFF;
	_ =	strace $0x9FFFFFFF  }
0xc2: {  	(tm) =	ssettm $0x7FFFFFFF  }
0xc3: {  	_ =	shalt  }
tec
execute0_lowered:
.L_overlay_start_1:
0x0: {  	(tag) =	ssettag $0x1  }
0x1: {  	s0 =	rddreg [dreg:$0x0];
	s1 =	srdreg.scid  }
0x2: {  	s2 =	stileid.u32;
	s5 =	rddreg [dreg:$0x1];
	s16 =	simm.s32 $0x4F00  }
0x3: {  	s17 =	simm.s32 $0x5;
	s18 =	simm.s32 $0x7700;
	s20 =	simm.s32 $0x60  }
0x4: {  	s21 =	simm.s32 $0x9F00;
	s22 =	simm.s32 $0xCF00;
	s23 =	simm.s32 $0xFF00  }
0x5: {  	s28 =	simm.s32 $0x15F00;
	s31 =	simm.s32 $0x2;
	s29 =	simm.s32 $0x10  }
0x6: {  	s30 =	simm.s32 $0x0;
	s1 =	sand.u32 $0x1, s1;
	s3 =	sshll.u32 s2, $0x1  }
0x7: {  	s2 =	simm.s32 $0x0;
	s4 =	sadd.s32 $0xBA00, s0;
	s7 =	sadd.s32 $0x33A00, s0  }
0x8: {  	s24 =	sadd.s32 $0x34000, s0;
	s6 =	sor.u32 s1, s3;
	[smem:$0x7FF] =	sst s2  }
0x9: {  	s3 =	smul.u32 $0x2710, s6;
	_ =	strace $0x8000004A;
	[dreg:$0x3] =	wrdreg s7  }
0xa: {  	s1 =	ssub.s32 $0x2, s1;
	[dreg:$0x4] =	wrdreg s24;
	s9 =	smul.u32 $0x138800, s6  }
0xb: {  	s7 =	sadd.s32 $0x3E400, s0;
	s10 =	sshrl.u32 s1, $0x1;
	s6 =	smul.u32 $0x27100, s6  }
0xc: {  	s24 =	simm.s32 $0x4;
	s1 =	ssub.s32 s1, s10;
	s8 =	sshrl.u32 s3, $0x3  }
0xd: {  	s9 =	sshrl.u32 s9, $0x3;
	s26 =	sadd.s32 s7, s6;
	s15 =	smax.u32 s1, $0x1  }
0xe: {  	s1 =	simm.s32 $0x18F00;
	s0 =	sadd.s32 s8, s0;
	s9 =	sadd.s32 s7, s9  }
0xf: {  	s5 =	sadd.s32 s5, s8;
	[dreg:$0x7] =	wrdreg s26;
	s26 =	simm.s32 $0x1  }
0x10: {  	s25 =	sadd.s32 $0x1C00, s0;
	[dreg:$0x6] =	wrdreg s5;
	s11 =	sadd.s32 $0x600, s9  }
0x11: {  	s12 =	sadd.s32 $0x26A00, s9;
	s13 =	sadd.s32 $0x27000, s9;
	s14 =	sadd.s32 $0x34600, s0  }
0x12: {  	v0 =	vimm.s32 $0x0;
	s0 =	simm.s32 $0x3;
	[dreg:$0x5] =	wrdreg s25;
	s25 =	simm.s32 $0x12F00  }
.LBB2_1:
0x13: {  	s5 =	rddreg [dreg:$0x3]  }
0x14: {  	[tilespmem:s16], [sflag:$0x5] =	stream.linear.gather [hbm4b:s5+s2], $0x2800, $0x38;
	[tilespmem:$0x1E680] =	vst v63  }
0x15: {  	_ =	swait.ge [sflag:s17], $0x2800  }
0x16: {  	[sflag:s17] =	ssyncset.done $0x0  }
0x17: {  	s8 =	rddreg [dreg:$0x4];
	[sflag:s17] =	ssyncadd.s32 $0xFFFFD800  }
0x18: {  	[tilespmem:s18], [sflag:$0x5] =	stream.linear.gather [hbm4b:s8+s2], $0x2800, $0x38;
	[tilespmem:$0x1E680] =	vst v63  }
0x19: {  	_ =	swait.ge [sflag:s17], $0x2800  }
0x1a: {  	[sflag:s17] =	ssyncset.done $0x0  }
0x1b: {  	s9 =	rddreg [dreg:$0x5];
	[sflag:s17] =	ssyncadd.s32 $0xFFFFD800  }
0x1c: {  	[tilespmem:s2], [sflag:$0x5] =	stream.linear.gather [hbm4b:s9+s2], $0x2710, $0x38;
	[tilespmem:$0x1E680] =	vst v63  }
0x1d: {  	_ =	swait.ge [sflag:s17], $0x2710  }
0x1e: {  	[sflag:s17] =	ssyncset.done $0x0  }
0x1f: {  	s6 =	simm.s32 $0x2780;
	s10 =	rddreg [dreg:$0x6];
	[sflag:s17] =	ssyncadd.s32 $0xFFFFD8F0  }
0x20: {  	[tilespmem:s6], [sflag:$0x5] =	stream.linear.gather [hbm4b:s10+s2], $0x2710, $0x38;
	[tilespmem:$0x1E680] =	vst v63  }
0x21: {  	_ =	swait.ge [sflag:s17], $0x2710  }
0x22: {  	[sflag:s17] =	ssyncset.done $0x0  }
0x23: {  	[sflag:s17] =	ssyncadd.s32 $0xFFFFD8F0  }
0x24: {  	[tilespmem:$0x2710] =	vst v0  }
0x25: {  	[tilespmem:$0x4E90] =	vst v0  }
0x26: {  	[tilespmem:s21], [sflag:$0x1] =	stream.indirect.gather [hbm4b:s4+s20], $0x80, s2, s20, $0xb8;
	[tilespmem:$0x1E680] =	vst v63  }
0x27: {  	_ = 	snop  }
0x28: {  	[tilespmem:s22], [sflag:$0x1] =	stream.indirect.gather [hbm4b:s4+s20], $0x80, s6, s20, $0xb8;
	[tilespmem:$0x1E680] =	vst v63  }
0x29: {  	_ = 	snop  }
0x2a: {  	[tilespmem:s23], [sflag:$0x2] =	stream.indirect.gather [hbm4b:s4+s20], $0x80, s20, s20, $0xb8;
	[tilespmem:$0x1E680] =	vst v63  }
0x2b: {  	s19 =	simm.s32 $0x27E0  }
0x2c: {  	[tilespmem:s25], [sflag:$0x2] =	stream.indirect.gather [hbm4b:s4+s20], $0x80, s19, s20, $0xb8;
	[tilespmem:$0x1E680] =	vst v63  }
0x2d: {  	_ =	swait.ge [sflag:s26], $0x3000  }
0x2e: {  	[sflag:s26] =	ssyncset.done $0x0  }
0x2f: {  	[sflag:s26] =	ssyncadd.s32 $0xFFFFD000  }
0x30: {  	_ =	swait.ge [sflag:s26], $0x3000  }
0x31: {  	[sflag:s26] =	ssyncset.done $0x0  }
0x32: {  	s5 =	simm.s32 $0x0;
	[sflag:s26] =	ssyncadd.s32 $0xFFFFD000  }
0x33: {  	v4 =	vld [tilespmem:s5+$0xCF70]  }
0x34: {  	v5 =	vld [tilespmem:s5+$0x9F00]  }
0x35: {  	v6 =	vld [tilespmem:s5+$0xCF40]  }
0x36: {  	v3 =	vld [tilespmem:s5+$0x9F10]  }
0x37: {  	v1 =	vld [tilespmem:s5+$0xCF50]  }
0x38: {  	v2 =	vld [tilespmem:s5+$0x9F20];
	[tilespmem:s5+$0x15F70] =	vst v4  }
0x39: {  	[tilespmem:s5+$0x15F00] =	vst v5;
	v4 =	vld [tilespmem:s5+$0xCF60]  }
0x3a: {  	s8 =	simm.s32 $0x400;
	s6 =	simm.s32 $0x80;
	[tilespmem:s5+$0x15F40] =	vst v6;
	v5 =	vld [tilespmem:s5+$0x9F30]  }
.LBB2_2:
0x3b: {  	p0 =	sne.s32 s8, $0xBE00;
	v6 =	vld [tilespmem:s6+$0xCF70];
	[tilespmem:s5+$0x15F10] =	vst v3  }
0x3c: {  	v7 =	vld [tilespmem:s6+$0x9F00];
	[tilespmem:s5+$0x15F50] =	vst v1  }
0x3d: {  	v8 =	vld [tilespmem:s6+$0xCF40];
	[tilespmem:s5+$0x15F20] =	vst v2  }
.Ltmp0:
0x3e: {  	v3 =	vld [tilespmem:s6+$0x9F10];
	[tilespmem:s5+$0x15F60] =	vst v4;
	(pc) =	sbr.rel @p0 .LBB2_2-.Ltmp0, $4  }
0x3f: {  	v1 =	vld [tilespmem:s6+$0xCF50];
	[tilespmem:s5+$0x15F30] =	vst v5;
	s5 =	smov.u32 s6  }
0x40: {  	v2 =	vld [tilespmem:s5+$0x9F20];
	[tilespmem:s5+$0x15F70] =	vst v6  }
0x41: {  	[tilespmem:s5+$0x15F00] =	vst v7;
	v4 =	vld [tilespmem:s5+$0xCF60]  }
0x42: {  	s6 =	sshra.s32 s8, $0x2;
	s8 =	sadd.s32 $0x200, s8;
	[tilespmem:s5+$0x15F40] =	vst v8;
	v5 =	vld [tilespmem:s5+$0x9F30]  }
0x43: {  	v6 =	vld [tilespmem:s6+$0xCF70];
	[tilespmem:s5+$0x15F10] =	vst v3  }
0x44: {  	v3 =	vld [tilespmem:s6+$0x9F00];
	[tilespmem:s5+$0x15F50] =	vst v1  }
0x45: {  	v1 =	vld [tilespmem:s6+$0xCF40];
	[tilespmem:s5+$0x15F20] =	vst v2  }
0x46: {  	v2 =	vld [tilespmem:s6+$0x9F10];
	[tilespmem:s5+$0x15F60] =	vst v4  }
0x47: {  	v4 =	vld [tilespmem:s6+$0xCF50];
	[tilespmem:s5+$0x15F30] =	vst v5  }
0x48: {  	v5 =	vld [tilespmem:s6+$0x9F20];
	[tilespmem:s6+$0x15F70] =	vst v6  }
0x49: {  	[tilespmem:s6+$0x15F00] =	vst v3;
	v3 =	vld [tilespmem:s6+$0xCF60]  }
0x4a: {  	[tilespmem:s6+$0x15F40] =	vst v1;
	v1 =	vld [tilespmem:s6+$0x9F30]  }
0x4b: {  	[tilespmem:s6+$0x15F10] =	vst v2  }
0x4c: {  	[tilespmem:s6+$0x15F50] =	vst v4  }
0x4d: {  	[tilespmem:s6+$0x15F20] =	vst v5  }
0x4e: {  	[tilespmem:s6+$0x15F60] =	vst v3  }
0x4f: {  	[tilespmem:s6+$0x15F30] =	vst v1  }
0x50: {  	v1 =	vld [tilespmem:$0x0]  }
0x51: {  	v2 =	vld [tilespmem:$0x2780];
	_ =	sdelay $0x5  }
0x52: {  	v3 =	vld [tilespmem:$0x10]  }
0x53: {  	v1 =	vld.idx.msk [tilespmem:v1+s16+$0x0], $0xffff  }
0x54: {  	v2 =	vld.idx.msk [tilespmem:v2+s18+$0x0], $0xffff  }
0x55: {  	v4 =	vld [tilespmem:$0x2790];
	_ =	sdelay $0x3  }
0x56: {  	v1 =	vmul.f32 v2, v1;
	_ =	sdelay $0x1  }
0x57: {  	[tilespmem:$0x1BF00] =	vst v1  }
0x58: {  	v1 =	vld.idx.msk [tilespmem:v3+s16+$0x0], $0xffff  }
0x59: {  	v2 =	vld.idx.msk [tilespmem:v4+s18+$0x0], $0xffff  }
0x5a: {  	v3 =	vld [tilespmem:$0x20]  }
0x5b: {  	v4 =	vld [tilespmem:$0x27A0];
	_ =	sdelay $0x3  }
0x5c: {  	v1 =	vmul.f32 v2, v1;
	_ =	sdelay $0x1  }
0x5d: {  	[tilespmem:$0x1BF10] =	vst v1  }
0x5e: {  	v1 =	vld.idx.msk [tilespmem:v3+s16+$0x0], $0xffff  }
0x5f: {  	v2 =	vld.idx.msk [tilespmem:v4+s18+$0x0], $0xffff  }
0x60: {  	v3 =	vld [tilespmem:$0x30]  }
0x61: {  	v4 =	vld [tilespmem:$0x27B0];
	_ =	sdelay $0x3  }
0x62: {  	v1 =	vmul.f32 v2, v1;
	_ =	sdelay $0x1  }
0x63: {  	[tilespmem:$0x1BF20] =	vst v1  }
0x64: {  	v1 =	vld.idx.msk [tilespmem:v3+s16+$0x0], $0xffff  }
0x65: {  	v2 =	vld.idx.msk [tilespmem:v4+s18+$0x0], $0xffff  }
0x66: {  	v3 =	vld [tilespmem:$0x40]  }
0x67: {  	v4 =	vld [tilespmem:$0x27C0];
	_ =	sdelay $0x3  }
0x68: {  	v1 =	vmul.f32 v2, v1;
	_ =	sdelay $0x1  }
0x69: {  	[tilespmem:$0x1BF30] =	vst v1  }
0x6a: {  	v1 =	vld.idx.msk [tilespmem:v3+s16+$0x0], $0xffff  }
0x6b: {  	v2 =	vld.idx.msk [tilespmem:v4+s18+$0x0], $0xffff  }
0x6c: {  	v3 =	vld [tilespmem:$0x50]  }
0x6d: {  	v4 =	vld [tilespmem:$0x27D0];
	_ =	sdelay $0x3  }
0x6e: {  	v1 =	vmul.f32 v2, v1;
	_ =	sdelay $0x1  }
0x6f: {  	[tilespmem:$0x1BF40] =	vst v1  }
0x70: {  	v1 =	vld.idx.msk [tilespmem:v3+s16+$0x0], $0xffff  }
0x71: {  	v2 =	vld.idx.msk [tilespmem:v4+s18+$0x0], $0xffff;
	_ =	sdelay $0x4  }
0x72: {  	v1 =	vmul.f32 v2, v1;
	_ =	sdelay $0x1  }
0x73: {  	s8 =	simm.s32 $0x0;
	s9 =	rddreg [dreg:$0x7];
	[tilespmem:$0x1BF50] =	vst v1  }
0x74: {  	[hbm4b:s9+s8] =	stream.linear.scatter [tilespmem:s28], [sflag:$0x3], $0x3000, $0x38;
	[tilespmem:$0x1E680] =	vst v63  }
0x75: {  	s10 =	simm.s32 $0xC0  }
0x76: {  	[tilespmem:s21], [sflag:$0x1] =	stream.indirect.gather [hbm4b:s4+s20], $0x80, s10, s20, $0xb8;
	[tilespmem:$0x1E680] =	vst v63  }
0x77: {  	s19 =	simm.s32 $0x2840  }
0x78: {  	[tilespmem:s22], [sflag:$0x1] =	stream.indirect.gather [hbm4b:s4+s20], $0x80, s19, s20, $0xb8;
	[tilespmem:$0x1E680] =	vst v63  }
0x79: {  	_ =	swait.ge [sflag:s31], $0x3000  }
0x7a: {  	[sflag:s31] =	ssyncset.done $0x0  }
0x7b: {  	[sflag:s31] =	ssyncadd.s32 $0xFFFFD000  }
0x7c: {  	_ =	swait.ge [sflag:s31], $0x3000  }
0x7d: {  	[sflag:s31] =	ssyncset.done $0x0  }
0x7e: {  	s5 =	simm.s32 $0x0;
	[sflag:s31] =	ssyncadd.s32 $0xFFFFD000  }
0x7f: {  	v4 =	vld [tilespmem:s5+$0x12F70]  }
0x80: {  	v5 =	vld [tilespmem:s5+$0xFF00]  }
0x81: {  	v6 =	vld [tilespmem:s5+$0x12F40]  }
0x82: {  	v3 =	vld [tilespmem:s5+$0xFF10]  }
0x83: {  	v1 =	vld [tilespmem:s5+$0x12F50]  }
0x84: {  	v2 =	vld [tilespmem:s5+$0xFF20];
	[tilespmem:s5+$0x18F70] =	vst v4  }
0x85: {  	[tilespmem:s5+$0x18F00] =	vst v5;
	v4 =	vld [tilespmem:s5+$0x12F60]  }
0x86: {  	s6 =	simm.s32 $0x80;
	s8 =	simm.s32 $0x400;
	[tilespmem:s5+$0x18F40] =	vst v6;
	v5 =	vld [tilespmem:s5+$0xFF30]  }
.LBB2_4:
0x87: {  	p0 =	sne.s32 s8, $0xBE00;
	v6 =	vld [tilespmem:s6+$0x12F70];
	[tilespmem:s5+$0x18F10] =	vst v3  }
0x88: {  	v7 =	vld [tilespmem:s6+$0xFF00];
	[tilespmem:s5+$0x18F50] =	vst v1  }
0x89: {  	v8 =	vld [tilespmem:s6+$0x12F40];
	[tilespmem:s5+$0x18F20] =	vst v2  }
.Ltmp1:
0x8a: {  	v3 =	vld [tilespmem:s6+$0xFF10];
	[tilespmem:s5+$0x18F60] =	vst v4;
	(pc) =	sbr.rel @p0 .LBB2_4-.Ltmp1, $4  }
0x8b: {  	v1 =	vld [tilespmem:s6+$0x12F50];
	[tilespmem:s5+$0x18F30] =	vst v5;
	s5 =	smov.u32 s6  }
0x8c: {  	v2 =	vld [tilespmem:s5+$0xFF20];
	[tilespmem:s5+$0x18F70] =	vst v6  }
0x8d: {  	[tilespmem:s5+$0x18F00] =	vst v7;
	v4 =	vld [tilespmem:s5+$0x12F60]  }
0x8e: {  	s6 =	sshra.s32 s8, $0x2;
	s8 =	sadd.s32 $0x200, s8;
	[tilespmem:s5+$0x18F40] =	vst v8;
	v5 =	vld [tilespmem:s5+$0xFF30]  }
0x8f: {  	v6 =	vld [tilespmem:s6+$0x12F70];
	[tilespmem:s5+$0x18F10] =	vst v3  }
0x90: {  	v3 =	vld [tilespmem:s6+$0xFF00];
	[tilespmem:s5+$0x18F50] =	vst v1  }
0x91: {  	v1 =	vld [tilespmem:s6+$0x12F40];
	[tilespmem:s5+$0x18F20] =	vst v2  }
0x92: {  	v2 =	vld [tilespmem:s6+$0xFF10];
	[tilespmem:s5+$0x18F60] =	vst v4  }
0x93: {  	v4 =	vld [tilespmem:s6+$0x12F50];
	[tilespmem:s5+$0x18F30] =	vst v5  }
0x94: {  	v5 =	vld [tilespmem:s6+$0xFF20];
	[tilespmem:s6+$0x18F70] =	vst v6  }
0x95: {  	[tilespmem:s6+$0x18F00] =	vst v3;
	v3 =	vld [tilespmem:s6+$0x12F60]  }
0x96: {  	[tilespmem:s6+$0x18F40] =	vst v1;
	v1 =	vld [tilespmem:s6+$0xFF30]  }
0x97: {  	[tilespmem:s6+$0x18F10] =	vst v2  }
0x98: {  	[tilespmem:s6+$0x18F50] =	vst v4  }
0x99: {  	[tilespmem:s6+$0x18F20] =	vst v5  }
0x9a: {  	[tilespmem:s6+$0x18F60] =	vst v3  }
0x9b: {  	[tilespmem:s6+$0x18F30] =	vst v1  }
0x9c: {  	v1 =	vld [tilespmem:$0x60]  }
0x9d: {  	v2 =	vld [tilespmem:$0x27E0];
	_ =	sdelay $0x5  }
0x9e: {  	v3 =	vld [tilespmem:$0x70]  }
0x9f: {  	v1 =	vld.idx.msk [tilespmem:v1+s16+$0x0], $0xffff  }
0xa0: {  	v2 =	vld.idx.msk [tilespmem:v2+s18+$0x0], $0xffff  }
0xa1: {  	v4 =	vld [tilespmem:$0x27F0];
	_ =	sdelay $0x3  }
0xa2: {  	v1 =	vmul.f32 v2, v1;
	_ =	sdelay $0x1  }
0xa3: {  	[tilespmem:$0x1BF60] =	vst v1  }
0xa4: {  	v1 =	vld.idx.msk [tilespmem:v3+s16+$0x0], $0xffff  }
0xa5: {  	v2 =	vld.idx.msk [tilespmem:v4+s18+$0x0], $0xffff  }
0xa6: {  	v3 =	vld [tilespmem:$0x80]  }
0xa7: {  	v60 =	vld [tilespmem:$0x2800];
	_ =	sdelay $0x3  }
0xa8: {  	v1 =	vmul.f32 v2, v1;
	_ =	sdelay $0x1  }
0xa9: {  	[tilespmem:$0x1BF70] =	vst v1  }
0xaa: {  	v1 =	vld.idx.msk [tilespmem:v3+s16+$0x0], $0xffff  }
0xab: {  	v2 =	vld.idx.msk [tilespmem:v60+s18+$0x0], $0xffff  }
0xac: {  	v3 =	vld [tilespmem:$0x90]  }
0xad: {  	v61 =	vld [tilespmem:$0x2810];
	_ =	sdelay $0x3  }
0xae: {  	v1 =	vmul.f32 v2, v1;
	_ =	sdelay $0x1  }
0xaf: {  	[tilespmem:$0x1BF80] =	vst v1  }
0xb0: {  	v1 =	vld.idx.msk [tilespmem:v3+s16+$0x0], $0xffff  }
0xb1: {  	v2 =	vld.idx.msk [tilespmem:v61+s18+$0x0], $0xffff  }
0xb2: {  	v3 =	vld [tilespmem:$0xA0]  }
0xb3: {  	v62 =	vld [tilespmem:$0x2820];
	_ =	sdelay $0x3  }
0xb4: {  	v1 =	vmul.f32 v2, v1;
	_ =	sdelay $0x1  }
0xb5: {  	[tilespmem:$0x1BF90] =	vst v1  }
0xb6: {  	v1 =	vld.idx.msk [tilespmem:v3+s16+$0x0], $0xffff  }
0xb7: {  	v2 =	vld.idx.msk [tilespmem:v62+s18+$0x0], $0xffff  }
0xb8: {  	v3 =	vld [tilespmem:$0xB0]  }
0xb9: {  	v63 =	vld [tilespmem:$0x2830];
	_ =	sdelay $0x3  }
0xba: {  	v1 =	vmul.f32 v2, v1;
	_ =	sdelay $0x1  }
0xbb: {  	[tilespmem:$0x1BFA0] =	vst v1  }
0xbc: {  	v1 =	vld.idx.msk [tilespmem:v3+s16+$0x0], $0xffff  }
0xbd: {  	v2 =	vld.idx.msk [tilespmem:v63+s18+$0x0], $0xffff;
	_ =	sdelay $0x4  }
0xbe: {  	v1 =	vmul.f32 v2, v1;
	_ =	sdelay $0x1  }
0xbf: {  	s5 =	simm.s32 $0x1;
	[tilespmem:$0x1BFB0] =	vst v1  }
0xc0: {  	[hbm4b:s11+s2] =	stream.linear.scatter [tilespmem:s1], [sflag:$0x4], $0x3000, $0x38;
	[tilespmem:$0x1E680] =	vst v63  }
.LBB2_6:
0xc1: {  	s6 =	sshllo.u32 s5, $0x1  }
0xc2: {  	s6 =	smin.u32 s6, $0x67  }
0xc3: {  	s6 =	smul.u32 $0x60, s6;
	_ =	sdelay $0x1  }
0xc4: {  	[tilespmem:s23], [sflag:$0x2] =	stream.indirect.gather [hbm4b:s4+s20], $0x80, s6, s20, $0xb8;
	[tilespmem:$0x1E680] =	vst v63  }
0xc5: {  	s8 =	sadd.s32 $0x2780, s6  }
0xc6: {  	[tilespmem:s25], [sflag:$0x2] =	stream.indirect.gather [hbm4b:s4+s20], $0x80, s8, s20, $0xb8;
	[tilespmem:$0x1E680] =	vst v63  }
0xc7: {  	_ =	swait.ge [sflag:s26], $0x3000  }
0xc8: {  	[sflag:s26] =	ssyncset.done $0x0  }
0xc9: {  	[sflag:s26] =	ssyncadd.s32 $0xFFFFD000  }
0xca: {  	_ =	swait.ge [sflag:s26], $0x3000  }
0xcb: {  	[sflag:s26] =	ssyncset.done $0x0  }
0xcc: {  	[sflag:s26] =	ssyncadd.s32 $0xFFFFD000  }
0xcd: {  	_ =	swait.ge [sflag:s0], $0x3000  }
0xce: {  	[sflag:s0] =	ssyncset.done $0x0  }
0xcf: {  	s19 =	simm.s32 $0x0;
	[sflag:s0] =	ssyncadd.s32 $0xFFFFD000  }
0xd0: {  	v4 =	vld [tilespmem:s19+$0xCF70]  }
0xd1: {  	v5 =	vld [tilespmem:s19+$0x9F00]  }
0xd2: {  	v6 =	vld [tilespmem:s19+$0xCF40]  }
0xd3: {  	v3 =	vld [tilespmem:s19+$0x9F10]  }
0xd4: {  	v1 =	vld [tilespmem:s19+$0xCF50]  }
0xd5: {  	v2 =	vld [tilespmem:s19+$0x9F20];
	[tilespmem:s19+$0x15F70] =	vst v4  }
0xd6: {  	[tilespmem:s19+$0x15F00] =	vst v5;
	v4 =	vld [tilespmem:s19+$0xCF60]  }
0xd7: {  	s9 =	simm.s32 $0x80;
	s10 =	simm.s32 $0x400;
	s8 =	sshll.u32 s5, $0x1;
	[tilespmem:s19+$0x15F40] =	vst v6;
	v5 =	vld [tilespmem:s19+$0x9F30]  }
.LBB2_7:
0xd8: {  	p0 =	sne.s32 s10, $0xBE00;
	v6 =	vld [tilespmem:s9+$0xCF70];
	[tilespmem:s19+$0x15F10] =	vst v3  }
0xd9: {  	v7 =	vld [tilespmem:s9+$0x9F00];
	[tilespmem:s19+$0x15F50] =	vst v1  }
0xda: {  	v8 =	vld [tilespmem:s9+$0xCF40];
	[tilespmem:s19+$0x15F20] =	vst v2  }
.Ltmp2:
0xdb: {  	v3 =	vld [tilespmem:s9+$0x9F10];
	[tilespmem:s19+$0x15F60] =	vst v4;
	(pc) =	sbr.rel @p0 .LBB2_7-.Ltmp2, $4  }
0xdc: {  	v1 =	vld [tilespmem:s9+$0xCF50];
	[tilespmem:s19+$0x15F30] =	vst v5;
	s19 =	smov.u32 s9  }
0xdd: {  	v2 =	vld [tilespmem:s19+$0x9F20];
	[tilespmem:s19+$0x15F70] =	vst v6  }
0xde: {  	[tilespmem:s19+$0x15F00] =	vst v7;
	v4 =	vld [tilespmem:s19+$0xCF60]  }
0xdf: {  	s9 =	sshra.s32 s10, $0x2;
	s10 =	sadd.s32 $0x200, s10;
	[tilespmem:s19+$0x15F40] =	vst v8;
	v5 =	vld [tilespmem:s19+$0x9F30]  }
0xe0: {  	v6 =	vld [tilespmem:s9+$0xCF70];
	[tilespmem:s19+$0x15F10] =	vst v3  }
0xe1: {  	v3 =	vld [tilespmem:s9+$0x9F00];
	[tilespmem:s19+$0x15F50] =	vst v1  }
0xe2: {  	v1 =	vld [tilespmem:s9+$0xCF40];
	[tilespmem:s19+$0x15F20] =	vst v2  }
0xe3: {  	v2 =	vld [tilespmem:s9+$0x9F10];
	[tilespmem:s19+$0x15F60] =	vst v4  }
0xe4: {  	v4 =	vld [tilespmem:s9+$0xCF50];
	[tilespmem:s19+$0x15F30] =	vst v5  }
0xe5: {  	v5 =	vld [tilespmem:s9+$0x9F20];
	[tilespmem:s9+$0x15F70] =	vst v6  }
0xe6: {  	[tilespmem:s9+$0x15F00] =	vst v3;
	v3 =	vld [tilespmem:s9+$0xCF60]  }
0xe7: {  	[tilespmem:s9+$0x15F40] =	vst v1;
	v1 =	vld [tilespmem:s9+$0x9F30]  }
0xe8: {  	[tilespmem:s9+$0x15F10] =	vst v2  }
0xe9: {  	[tilespmem:s9+$0x15F50] =	vst v4  }
0xea: {  	s10 =	smin.u32 s8, $0x67;
	[tilespmem:s9+$0x15F20] =	vst v5  }
0xeb: {  	s10 =	smul.u32 $0x60, s10;
	[tilespmem:s9+$0x15F60] =	vst v3  }
0xec: {  	[tilespmem:s9+$0x15F30] =	vst v1  }
0xed: {  	v1 =	vld [tilespmem:s10+$0x0]  }
0xee: {  	v2 =	vld [tilespmem:s10+$0x2780];
	_ =	sdelay $0x5  }
0xef: {  	v3 =	vld [tilespmem:s10+$0x10]  }
0xf0: {  	v1 =	vld.idx.msk [tilespmem:v1+s16+$0x0], $0xffff  }
0xf1: {  	v2 =	vld.idx.msk [tilespmem:v2+s18+$0x0], $0xffff  }
0xf2: {  	v4 =	vld [tilespmem:s10+$0x2790];
	_ =	sdelay $0x3  }
0xf3: {  	v1 =	vmul.f32 v2, v1;
	_ =	sdelay $0x1  }
0xf4: {  	[tilespmem:s10+$0x1BF00] =	vst v1  }
0xf5: {  	v1 =	vld.idx.msk [tilespmem:v3+s16+$0x0], $0xffff  }
0xf6: {  	v2 =	vld.idx.msk [tilespmem:v4+s18+$0x0], $0xffff  }
0xf7: {  	v3 =	vld [tilespmem:s10+$0x20]  }
0xf8: {  	v4 =	vld [tilespmem:s10+$0x27A0];
	_ =	sdelay $0x3  }
0xf9: {  	v1 =	vmul.f32 v2, v1;
	_ =	sdelay $0x1  }
0xfa: {  	[tilespmem:s10+$0x1BF10] =	vst v1  }
0xfb: {  	v1 =	vld.idx.msk [tilespmem:v3+s16+$0x0], $0xffff  }
0xfc: {  	v2 =	vld.idx.msk [tilespmem:v4+s18+$0x0], $0xffff  }
0xfd: {  	v3 =	vld [tilespmem:s10+$0x30]  }
0xfe: {  	v4 =	vld [tilespmem:s10+$0x27B0];
	_ =	sdelay $0x3  }
0xff: {  	v1 =	vmul.f32 v2, v1;
	_ =	sdelay $0x1  }
0x100: {  	[tilespmem:s10+$0x1BF20] =	vst v1  }
0x101: {  	v1 =	vld.idx.msk [tilespmem:v3+s16+$0x0], $0xffff  }
0x102: {  	v2 =	vld.idx.msk [tilespmem:v4+s18+$0x0], $0xffff  }
0x103: {  	v3 =	vld [tilespmem:s10+$0x40]  }
0x104: {  	v4 =	vld [tilespmem:s10+$0x27C0];
	_ =	sdelay $0x3  }
0x105: {  	v1 =	vmul.f32 v2, v1;
	_ =	sdelay $0x1  }
0x106: {  	[tilespmem:s10+$0x1BF30] =	vst v1  }
0x107: {  	v1 =	vld.idx.msk [tilespmem:v3+s16+$0x0], $0xffff  }
0x108: {  	v2 =	vld.idx.msk [tilespmem:v4+s18+$0x0], $0xffff  }
0x109: {  	v3 =	vld [tilespmem:s10+$0x50]  }
0x10a: {  	v4 =	vld [tilespmem:s10+$0x27D0];
	_ =	sdelay $0x3  }
0x10b: {  	v1 =	vmul.f32 v2, v1;
	_ =	sdelay $0x1  }
0x10c: {  	[tilespmem:s10+$0x1BF40] =	vst v1  }
0x10d: {  	v1 =	vld.idx.msk [tilespmem:v3+s16+$0x0], $0xffff  }
0x10e: {  	v2 =	vld.idx.msk [tilespmem:v4+s18+$0x0], $0xffff;
	_ =	sdelay $0x4  }
0x10f: {  	s19 =	sadd.s32 s3, s10;
	v1 =	vmul.f32 v2, v1  }
0x110: {  	s8 =	smin.u32 s8, $0x65;
	s9 =	sshll.u32 s19, $0x4  }
0x111: {  	s8 =	smul.u32 $0x60, s8;
	s19 =	simm.s32 $0x0;
	s9 =	sadd.s32 s7, s9;
	[tilespmem:s10+$0x1BF50] =	vst v1  }
0x112: {  	[hbm4b:s9+s19] =	stream.linear.scatter [tilespmem:s28], [sflag:$0x3], $0x3000, $0x38;
	[tilespmem:$0x1E680] =	vst v63  }
0x113: {  	s19 =	sadd.s32 $0xC0, s8  }
0x114: {  	[tilespmem:s21], [sflag:$0x1] =	stream.indirect.gather [hbm4b:s4+s20], $0x80, s19, s20, $0xb8;
	[tilespmem:$0x1E680] =	vst v63  }
0x115: {  	s8 =	sadd.s32 $0x2840, s8  }
0x116: {  	[tilespmem:s22], [sflag:$0x1] =	stream.indirect.gather [hbm4b:s4+s20], $0x80, s8, s20, $0xb8;
	[tilespmem:$0x1E680] =	vst v63  }
0x117: {  	_ =	swait.ge [sflag:s31], $0x3000  }
0x118: {  	[sflag:s31] =	ssyncset.done $0x0  }
0x119: {  	[sflag:s31] =	ssyncadd.s32 $0xFFFFD000  }
0x11a: {  	_ =	swait.ge [sflag:s31], $0x3000  }
0x11b: {  	[sflag:s31] =	ssyncset.done $0x0  }
0x11c: {  	[sflag:s31] =	ssyncadd.s32 $0xFFFFD000  }
0x11d: {  	_ =	swait.ge [sflag:s24], $0x3000  }
0x11e: {  	[sflag:s24] =	ssyncset.done $0x0  }
0x11f: {  	s8 =	simm.s32 $0x0;
	[sflag:s24] =	ssyncadd.s32 $0xFFFFD000  }
0x120: {  	v4 =	vld [tilespmem:s8+$0x12F70]  }
0x121: {  	v5 =	vld [tilespmem:s8+$0xFF00]  }
0x122: {  	v6 =	vld [tilespmem:s8+$0x12F40]  }
0x123: {  	v3 =	vld [tilespmem:s8+$0xFF10]  }
0x124: {  	v1 =	vld [tilespmem:s8+$0x12F50]  }
0x125: {  	v2 =	vld [tilespmem:s8+$0xFF20];
	[tilespmem:s8+$0x18F70] =	vst v4  }
0x126: {  	[tilespmem:s8+$0x18F00] =	vst v5;
	v4 =	vld [tilespmem:s8+$0x12F60]  }
0x127: {  	s10 =	simm.s32 $0x400;
	s9 =	simm.s32 $0x80;
	[tilespmem:s8+$0x18F40] =	vst v6;
	v5 =	vld [tilespmem:s8+$0xFF30]  }
.LBB2_9:
0x128: {  	p0 =	sne.s32 s10, $0xBE00;
	v6 =	vld [tilespmem:s9+$0x12F70];
	[tilespmem:s8+$0x18F10] =	vst v3  }
0x129: {  	v7 =	vld [tilespmem:s9+$0xFF00];
	[tilespmem:s8+$0x18F50] =	vst v1  }
0x12a: {  	v8 =	vld [tilespmem:s9+$0x12F40];
	[tilespmem:s8+$0x18F20] =	vst v2  }
.Ltmp3:
0x12b: {  	v3 =	vld [tilespmem:s9+$0xFF10];
	[tilespmem:s8+$0x18F60] =	vst v4;
	(pc) =	sbr.rel @p0 .LBB2_9-.Ltmp3, $4  }
0x12c: {  	v1 =	vld [tilespmem:s9+$0x12F50];
	[tilespmem:s8+$0x18F30] =	vst v5;
	s8 =	smov.u32 s9  }
0x12d: {  	v2 =	vld [tilespmem:s8+$0xFF20];
	[tilespmem:s8+$0x18F70] =	vst v6  }
0x12e: {  	[tilespmem:s8+$0x18F00] =	vst v7;
	v4 =	vld [tilespmem:s8+$0x12F60]  }
0x12f: {  	s9 =	sshra.s32 s10, $0x2;
	s10 =	sadd.s32 $0x200, s10;
	[tilespmem:s8+$0x18F40] =	vst v8;
	v5 =	vld [tilespmem:s8+$0xFF30]  }
0x130: {  	v6 =	vld [tilespmem:s9+$0x12F70];
	[tilespmem:s8+$0x18F10] =	vst v3  }
0x131: {  	v3 =	vld [tilespmem:s9+$0xFF00];
	[tilespmem:s8+$0x18F50] =	vst v1  }
0x132: {  	v1 =	vld [tilespmem:s9+$0x12F40];
	[tilespmem:s8+$0x18F20] =	vst v2  }
0x133: {  	v2 =	vld [tilespmem:s9+$0xFF10];
	[tilespmem:s8+$0x18F60] =	vst v4  }
0x134: {  	v4 =	vld [tilespmem:s9+$0x12F50];
	[tilespmem:s8+$0x18F30] =	vst v5  }
0x135: {  	v5 =	vld [tilespmem:s9+$0xFF20];
	[tilespmem:s9+$0x18F70] =	vst v6  }
0x136: {  	[tilespmem:s9+$0x18F00] =	vst v3;
	v3 =	vld [tilespmem:s9+$0x12F60]  }
0x137: {  	[tilespmem:s9+$0x18F40] =	vst v1;
	v1 =	vld [tilespmem:s9+$0xFF30]  }
0x138: {  	[tilespmem:s9+$0x18F10] =	vst v2  }
0x139: {  	[tilespmem:s9+$0x18F50] =	vst v4  }
0x13a: {  	[tilespmem:s9+$0x18F20] =	vst v5  }
0x13b: {  	[tilespmem:s9+$0x18F60] =	vst v3  }
0x13c: {  	[tilespmem:s9+$0x18F30] =	vst v1  }
0x13d: {  	v1 =	vld [tilespmem:s6+$0x0]  }
0x13e: {  	v2 =	vld [tilespmem:s6+$0x2780];
	_ =	sdelay $0x6  }
0x13f: {  	v1 =	vld.idx.msk [tilespmem:v1+s16+$0x0], $0xffff  }
0x140: {  	v2 =	vld.idx.msk [tilespmem:v2+s18+$0x0], $0xffff;
	_ =	sdelay $0x4  }
0x141: {  	v1 =	vmul.f32 v2, v1;
	_ =	sdelay $0x1  }
0x142: {  	s9 =	sor.u32 $0x10, s6;
	v2 =	vld [tilespmem:s6+$0x2790];
	[tilespmem:s6+$0x1BF00] =	vst v1  }
0x143: {  	v1 =	vld [tilespmem:s9+$0x0];
	_ =	sdelay $0x5  }
0x144: {  	v3 =	vld [tilespmem:s6+$0x20]  }
0x145: {  	v2 =	vld.idx.msk [tilespmem:v2+s18+$0x0], $0xffff  }
0x146: {  	v1 =	vld.idx.msk [tilespmem:v1+s16+$0x0], $0xffff  }
0x147: {  	v4 =	vld [tilespmem:s6+$0x27A0];
	_ =	sdelay $0x3  }
0x148: {  	v1 =	vmul.f32 v2, v1;
	_ =	sdelay $0x1  }
0x149: {  	[tilespmem:s6+$0x1BF10] =	vst v1  }
0x14a: {  	v1 =	vld.idx.msk [tilespmem:v3+s16+$0x0], $0xffff  }
0x14b: {  	v2 =	vld.idx.msk [tilespmem:v4+s18+$0x0], $0xffff  }
0x14c: {  	v3 =	vld [tilespmem:s6+$0x30]  }
0x14d: {  	v61 =	vld [tilespmem:s6+$0x27B0];
	_ =	sdelay $0x3  }
0x14e: {  	v1 =	vmul.f32 v2, v1;
	_ =	sdelay $0x1  }
0x14f: {  	[tilespmem:s6+$0x1BF20] =	vst v1  }
0x150: {  	v1 =	vld.idx.msk [tilespmem:v3+s16+$0x0], $0xffff  }
0x151: {  	v2 =	vld.idx.msk [tilespmem:v61+s18+$0x0], $0xffff  }
0x152: {  	v3 =	vld [tilespmem:s6+$0x40]  }
0x153: {  	v62 =	vld [tilespmem:s6+$0x27C0];
	_ =	sdelay $0x3  }
0x154: {  	v1 =	vmul.f32 v2, v1;
	_ =	sdelay $0x1  }
0x155: {  	[tilespmem:s6+$0x1BF30] =	vst v1  }
0x156: {  	v1 =	vld.idx.msk [tilespmem:v3+s16+$0x0], $0xffff  }
0x157: {  	v2 =	vld.idx.msk [tilespmem:v62+s18+$0x0], $0xffff  }
0x158: {  	v3 =	vld [tilespmem:s6+$0x50]  }
0x159: {  	v63 =	vld [tilespmem:s6+$0x27D0];
	_ =	sdelay $0x3  }
0x15a: {  	v1 =	vmul.f32 v2, v1;
	_ =	sdelay $0x1  }
0x15b: {  	[tilespmem:s6+$0x1BF40] =	vst v1  }
0x15c: {  	v1 =	vld.idx.msk [tilespmem:v3+s16+$0x0], $0xffff  }
0x15d: {  	v2 =	vld.idx.msk [tilespmem:v63+s18+$0x0], $0xffff;
	_ =	sdelay $0x1  }
0x15e: {  	s5 =	sadd.s32 $0x1, s5  }
0x15f: {  	p0 =	sne.s32 s5, $0x35  }
.Ltmp4:
0x160: {  	_ = 	snop;
	(pc) =	sbr.rel @p0 .LBB2_6-.Ltmp4, $4  }
0x161: {  	s10 =	sadd.s32 s3, s6;
	v1 =	vmul.f32 v2, v1  }
0x162: {  	s8 =	sshll.u32 s10, $0x4  }
0x163: {  	s19 =	sadd.s32 s7, s8;
	[tilespmem:s6+$0x1BF50] =	vst v1  }
0x164: {  	[hbm4b:s19+s2] =	stream.linear.scatter [tilespmem:s1], [sflag:$0x4], $0x3000, $0x38;
	[tilespmem:$0x1E680] =	vst v63  }
0x165: {  	_ =	swait.ge [sflag:s26], $0x3000  }
0x166: {  	[sflag:s26] =	ssyncset.done $0x0  }
0x167: {  	[sflag:s26] =	ssyncadd.s32 $0xFFFFD000  }
0x168: {  	_ =	swait.ge [sflag:s26], $0x3000  }
0x169: {  	[sflag:s26] =	ssyncset.done $0x0  }
0x16a: {  	[sflag:s26] =	ssyncadd.s32 $0xFFFFD000  }
0x16b: {  	_ =	swait.ge [sflag:s0], $0x3000  }
0x16c: {  	[sflag:s0] =	ssyncset.done $0x0  }
0x16d: {  	s5 =	simm.s32 $0x0;
	[sflag:s0] =	ssyncadd.s32 $0xFFFFD000  }
0x16e: {  	v4 =	vld [tilespmem:s5+$0xCF70]  }
0x16f: {  	v5 =	vld [tilespmem:s5+$0x9F00]  }
0x170: {  	v6 =	vld [tilespmem:s5+$0xCF40]  }
0x171: {  	v3 =	vld [tilespmem:s5+$0x9F10]  }
0x172: {  	v1 =	vld [tilespmem:s5+$0xCF50]  }
0x173: {  	v2 =	vld [tilespmem:s5+$0x9F20];
	[tilespmem:s5+$0x15F70] =	vst v4  }
0x174: {  	[tilespmem:s5+$0x15F00] =	vst v5;
	v4 =	vld [tilespmem:s5+$0xCF60]  }
0x175: {  	s6 =	simm.s32 $0x80;
	s8 =	simm.s32 $0x400;
	[tilespmem:s5+$0x15F40] =	vst v6;
	v5 =	vld [tilespmem:s5+$0x9F30]  }
.LBB2_12:
0x176: {  	p0 =	sne.s32 s8, $0xBE00;
	v6 =	vld [tilespmem:s6+$0xCF70];
	[tilespmem:s5+$0x15F10] =	vst v3  }
0x177: {  	v7 =	vld [tilespmem:s6+$0x9F00];
	[tilespmem:s5+$0x15F50] =	vst v1  }
0x178: {  	v8 =	vld [tilespmem:s6+$0xCF40];
	[tilespmem:s5+$0x15F20] =	vst v2  }
.Ltmp5:
0x179: {  	v3 =	vld [tilespmem:s6+$0x9F10];
	[tilespmem:s5+$0x15F60] =	vst v4;
	(pc) =	sbr.rel @p0 .LBB2_12-.Ltmp5, $4  }
0x17a: {  	v1 =	vld [tilespmem:s6+$0xCF50];
	[tilespmem:s5+$0x15F30] =	vst v5;
	s5 =	smov.u32 s6  }
0x17b: {  	v2 =	vld [tilespmem:s5+$0x9F20];
	[tilespmem:s5+$0x15F70] =	vst v6  }
0x17c: {  	[tilespmem:s5+$0x15F00] =	vst v7;
	v4 =	vld [tilespmem:s5+$0xCF60]  }
0x17d: {  	s6 =	sshra.s32 s8, $0x2;
	s8 =	sadd.s32 $0x200, s8;
	[tilespmem:s5+$0x15F40] =	vst v8;
	v5 =	vld [tilespmem:s5+$0x9F30]  }
0x17e: {  	v6 =	vld [tilespmem:s6+$0xCF70];
	[tilespmem:s5+$0x15F10] =	vst v3  }
0x17f: {  	v3 =	vld [tilespmem:s6+$0x9F00];
	[tilespmem:s5+$0x15F50] =	vst v1  }
0x180: {  	v1 =	vld [tilespmem:s6+$0xCF40];
	[tilespmem:s5+$0x15F20] =	vst v2  }
0x181: {  	v2 =	vld [tilespmem:s6+$0x9F10];
	[tilespmem:s5+$0x15F60] =	vst v4  }
0x182: {  	v4 =	vld [tilespmem:s6+$0xCF50];
	[tilespmem:s5+$0x15F30] =	vst v5  }
0x183: {  	v5 =	vld [tilespmem:s6+$0x9F20];
	[tilespmem:s6+$0x15F70] =	vst v6  }
0x184: {  	[tilespmem:s6+$0x15F00] =	vst v3;
	v3 =	vld [tilespmem:s6+$0xCF60]  }
0x185: {  	[tilespmem:s6+$0x15F40] =	vst v1;
	v1 =	vld [tilespmem:s6+$0x9F30]  }
0x186: {  	[tilespmem:s6+$0x15F10] =	vst v2  }
0x187: {  	[tilespmem:s6+$0x15F50] =	vst v4  }
0x188: {  	[tilespmem:s6+$0x15F20] =	vst v5  }
0x189: {  	[tilespmem:s6+$0x15F60] =	vst v3  }
0x18a: {  	[tilespmem:s6+$0x15F30] =	vst v1  }
0x18b: {  	v1 =	vld [tilespmem:$0x26A0]  }
0x18c: {  	v2 =	vld [tilespmem:$0x4E20];
	_ =	sdelay $0x5  }
0x18d: {  	v3 =	vld [tilespmem:$0x26B0]  }
0x18e: {  	v1 =	vld.idx.msk [tilespmem:v1+s16+$0x0], $0xffff  }
0x18f: {  	v2 =	vld.idx.msk [tilespmem:v2+s18+$0x0], $0xffff  }
0x190: {  	v4 =	vld [tilespmem:$0x4E30];
	_ =	sdelay $0x3  }
0x191: {  	v1 =	vmul.f32 v2, v1;
	_ =	sdelay $0x1  }
0x192: {  	[tilespmem:$0x1E5A0] =	vst v1  }
0x193: {  	v1 =	vld.idx.msk [tilespmem:v3+s16+$0x0], $0xffff  }
0x194: {  	v2 =	vld.idx.msk [tilespmem:v4+s18+$0x0], $0xffff  }
0x195: {  	v3 =	vld [tilespmem:$0x26C0]  }
0x196: {  	v4 =	vld [tilespmem:$0x4E40];
	_ =	sdelay $0x3  }
0x197: {  	v1 =	vmul.f32 v2, v1;
	_ =	sdelay $0x1  }
0x198: {  	[tilespmem:$0x1E5B0] =	vst v1  }
0x199: {  	v1 =	vld.idx.msk [tilespmem:v3+s16+$0x0], $0xffff  }
0x19a: {  	v2 =	vld.idx.msk [tilespmem:v4+s18+$0x0], $0xffff  }
0x19b: {  	v3 =	vld [tilespmem:$0x26D0]  }
0x19c: {  	v4 =	vld [tilespmem:$0x4E50];
	_ =	sdelay $0x3  }
0x19d: {  	v1 =	vmul.f32 v2, v1;
	_ =	sdelay $0x1  }
0x19e: {  	[tilespmem:$0x1E5C0] =	vst v1  }
0x19f: {  	v1 =	vld.idx.msk [tilespmem:v3+s16+$0x0], $0xffff  }
0x1a0: {  	v2 =	vld.idx.msk [tilespmem:v4+s18+$0x0], $0xffff  }
0x1a1: {  	v3 =	vld [tilespmem:$0x26E0]  }
0x1a2: {  	v4 =	vld [tilespmem:$0x4E60];
	_ =	sdelay $0x3  }
0x1a3: {  	v1 =	vmul.f32 v2, v1;
	_ =	sdelay $0x1  }
0x1a4: {  	[tilespmem:$0x1E5D0] =	vst v1  }
0x1a5: {  	v1 =	vld.idx.msk [tilespmem:v3+s16+$0x0], $0xffff  }
0x1a6: {  	v2 =	vld.idx.msk [tilespmem:v4+s18+$0x0], $0xffff  }
0x1a7: {  	v3 =	vld [tilespmem:$0x26F0]  }
0x1a8: {  	v4 =	vld [tilespmem:$0x4E70];
	_ =	sdelay $0x3  }
0x1a9: {  	v1 =	vmul.f32 v2, v1;
	_ =	sdelay $0x1  }
0x1aa: {  	[tilespmem:$0x1E5E0] =	vst v1  }
0x1ab: {  	v1 =	vld.idx.msk [tilespmem:v3+s16+$0x0], $0xffff  }
0x1ac: {  	v2 =	vld.idx.msk [tilespmem:v4+s18+$0x0], $0xffff;
	_ =	sdelay $0x4  }
0x1ad: {  	v1 =	vmul.f32 v2, v1;
	_ =	sdelay $0x1  }
0x1ae: {  	s9 =	simm.s32 $0x0;
	[tilespmem:$0x1E5F0] =	vst v1  }
0x1af: {  	[hbm4b:s12+s9] =	stream.linear.scatter [tilespmem:s28], [sflag:$0x3], $0x3000, $0x38;
	[tilespmem:$0x1E680] =	vst v63  }
0x1b0: {  	_ =	swait.ge [sflag:s0], $0x3000  }
0x1b1: {  	[sflag:s0] =	ssyncset.done $0x0  }
0x1b2: {  	[sflag:s0] =	ssyncadd.s32 $0xFFFFD000  }
0x1b3: {  	_ =	swait.ge [sflag:s24], $0x3000  }
0x1b4: {  	[sflag:s24] =	ssyncset.done $0x0  }
0x1b5: {  	s10 =	simm.s32 $0x2700;
	[sflag:s24] =	ssyncadd.s32 $0xFFFFD000  }
0x1b6: {  	[tilespmem:s21], [sflag:$0x1] =	stream.indirect.gather [hbm4b:s4+s29], $0x80, s10, s29, $0xb8;
	[tilespmem:$0x1E680] =	vst v63  }
0x1b7: {  	_ =	swait.ge [sflag:s26], $0x800  }
0x1b8: {  	[sflag:s26] =	ssyncset.done $0x0  }
0x1b9: {  	s19 =	simm.s32 $0x4E80;
	[sflag:s26] =	ssyncadd.s32 $0xFFFFF800  }
0x1ba: {  	[tilespmem:s22], [sflag:$0x1] =	stream.indirect.gather [hbm4b:s4+s29], $0x80, s19, s29, $0xb8;
	[tilespmem:$0x1E680] =	vst v63  }
0x1bb: {  	_ =	swait.ge [sflag:s26], $0x800  }
0x1bc: {  	[sflag:s26] =	ssyncset.done $0x0  }
0x1bd: {  	s5 =	simm.s32 $0x0;
	[sflag:s26] =	ssyncadd.s32 $0xFFFFF800  }
0x1be: {  	v4 =	vld [tilespmem:s5+$0xCF70]  }
0x1bf: {  	v5 =	vld [tilespmem:s5+$0x9F00]  }
0x1c0: {  	v6 =	vld [tilespmem:s5+$0xCF40]  }
0x1c1: {  	v3 =	vld [tilespmem:s5+$0x9F10]  }
0x1c2: {  	v1 =	vld [tilespmem:s5+$0xCF50]  }
0x1c3: {  	v2 =	vld [tilespmem:s5+$0x9F20];
	[tilespmem:s5+$0x15F70] =	vst v4  }
0x1c4: {  	[tilespmem:s5+$0x15F00] =	vst v5;
	v4 =	vld [tilespmem:s5+$0xCF60]  }
0x1c5: {  	s8 =	simm.s32 $0x400;
	s6 =	simm.s32 $0x80;
	[tilespmem:s5+$0x15F40] =	vst v6;
	v5 =	vld [tilespmem:s5+$0x9F30]  }
.LBB2_14:
0x1c6: {  	p0 =	sne.s32 s8, $0x1E00;
	v6 =	vld [tilespmem:s6+$0xCF70];
	[tilespmem:s5+$0x15F10] =	vst v3  }
0x1c7: {  	v7 =	vld [tilespmem:s6+$0x9F00];
	[tilespmem:s5+$0x15F50] =	vst v1  }
0x1c8: {  	v8 =	vld [tilespmem:s6+$0xCF40];
	[tilespmem:s5+$0x15F20] =	vst v2  }
.Ltmp6:
0x1c9: {  	v3 =	vld [tilespmem:s6+$0x9F10];
	[tilespmem:s5+$0x15F60] =	vst v4;
	(pc) =	sbr.rel @p0 .LBB2_14-.Ltmp6, $4  }
0x1ca: {  	v1 =	vld [tilespmem:s6+$0xCF50];
	[tilespmem:s5+$0x15F30] =	vst v5;
	s5 =	smov.u32 s6  }
0x1cb: {  	v2 =	vld [tilespmem:s5+$0x9F20];
	[tilespmem:s5+$0x15F70] =	vst v6  }
0x1cc: {  	[tilespmem:s5+$0x15F00] =	vst v7;
	v4 =	vld [tilespmem:s5+$0xCF60]  }
0x1cd: {  	s6 =	sshra.s32 s8, $0x2;
	s8 =	sadd.s32 $0x200, s8;
	[tilespmem:s5+$0x15F40] =	vst v8;
	v5 =	vld [tilespmem:s5+$0x9F30]  }
0x1ce: {  	v6 =	vld [tilespmem:s6+$0xCF70];
	[tilespmem:s5+$0x15F10] =	vst v3  }
0x1cf: {  	v3 =	vld [tilespmem:s6+$0x9F00];
	[tilespmem:s5+$0x15F50] =	vst v1  }
0x1d0: {  	v1 =	vld [tilespmem:s6+$0xCF40];
	[tilespmem:s5+$0x15F20] =	vst v2  }
0x1d1: {  	v2 =	vld [tilespmem:s6+$0x9F10];
	[tilespmem:s5+$0x15F60] =	vst v4  }
0x1d2: {  	v4 =	vld [tilespmem:s6+$0xCF50];
	[tilespmem:s5+$0x15F30] =	vst v5  }
0x1d3: {  	v5 =	vld [tilespmem:s6+$0x9F20];
	[tilespmem:s6+$0x15F70] =	vst v6  }
0x1d4: {  	[tilespmem:s6+$0x15F00] =	vst v3;
	v3 =	vld [tilespmem:s6+$0xCF60]  }
0x1d5: {  	[tilespmem:s6+$0x15F40] =	vst v1;
	v1 =	vld [tilespmem:s6+$0x9F30]  }
0x1d6: {  	[tilespmem:s6+$0x15F10] =	vst v2  }
0x1d7: {  	[tilespmem:s6+$0x15F50] =	vst v4  }
0x1d8: {  	[tilespmem:s6+$0x15F20] =	vst v5  }
0x1d9: {  	[tilespmem:s6+$0x15F60] =	vst v3  }
0x1da: {  	[tilespmem:s6+$0x15F30] =	vst v1  }
0x1db: {  	v1 =	vld [tilespmem:$0x2700]  }
0x1dc: {  	v2 =	vld [tilespmem:$0x4E80];
	_ =	sdelay $0x6  }
0x1dd: {  	v1 =	vld.idx.msk [tilespmem:v1+s16+$0x0], $0xffff  }
0x1de: {  	v2 =	vld.idx.msk [tilespmem:v2+s18+$0x0], $0xffff;
	_ =	sdelay $0x4  }
0x1df: {  	v1 =	vmul.f32 v2, v1;
	_ =	sdelay $0x1  }
0x1e0: {  	[tilespmem:$0x1E600] =	vst v1  }
0x1e1: {  	[hbm4b:s13+s2] =	stream.linear.scatter [tilespmem:s28], [sflag:$0x5], $0x800, $0x38;
	[tilespmem:$0x1E680] =	vst v63  }
0x1e2: {  	s30 =	sadd.s32 $0x1, s30;
	_ =	swait.ge [sflag:s17], $0x800  }
0x1e3: {  	p0 =	sne.s32 s30, s15;
	[sflag:s17] =	ssyncset.done $0x0  }
.Ltmp7:
0x1e4: {  	s19 =	simm.s32 $0x1BF00;
	[sflag:s17] =	ssyncadd.s32 $0xFFFFF800;
	(pc) =	sbr.rel @p0 .LBB2_1-.Ltmp7, $4  }
0x1e5: {  	[hbm4b:s14+s2] =	stream.linear.scatter [tilespmem:s19], [sflag:$0x5], $0x2710, $0x38;
	[tilespmem:$0x1E680] =	vst v63  }
0x1e6: {  	_ =	swait.ge [sflag:s17], $0x2710  }
0x1e7: {  	[sflag:s17] =	ssyncset.done $0x0  }
0x1e8: {  	[sflag:s17] =	ssyncadd.s32 $0xFFFFD8F0  }
0x1e9: {  	_ =	sfence.sel $0x180000  }
0x1ea: {  	[bflag:$0x0] =	sbarrier.arrive $0xFFFF  }
0x1eb: {  	_ =	strace $0x9000004A  }
0x1ec: {  	s0 =	stileid.u32;
	[bflag:$0x2] =	sbarrier.arrive $0xFFFF  }
0x1ed: {  	p0 =	sne.s32 s0, $0x0;
	s0 =	rddreg [dreg:$0x2]  }
0x1ee: {  	s0 =	sadd.s32 @!p0 $0x100000, s0  }
0x1ef: {  	[sflag:s0] =	ssyncadd.tile.s32 @!p0 $0x1;
	_ =	shalt  }
.Lfunc_end2:
_tile_overlayer_lowered:
.L_overlay_start_2:
0x1f0: {  	(tag) =	ssettag $0x2  }
0x1f1: {  	s0 =	rddreg [dreg:$0x0];
	s2 =	stileid.u32  }
0x1f2: {  	s1 =	rddreg [dreg:$0x1];
	p0 =	sne.s32 s2, $0x0  }
0x1f3: {  	s3 =	rddreg [dreg:$0x2];
	[bflag:$0x3] =	sbarrier.arrive $0xFFFF;
	s2 =	simm.s32 @!p0 $0x1C05  }
0x1f4: {  	[timem:s3], [sflag:s2] =	dma.local @!p0 [hbm:s0], s1  }
0x1f5: {  	s0 =	simm.s32 @!p0 $0x5  }
0x1f6: {  	_ =	swait.ge @!p0 [sflag:s0], s1  }
0x1f7: {  	s1 =	ssub.s32 @!p0 $0x0, s1;
	[sflag:s0] =	ssyncset.done @!p0 $0x0  }
0x1f8: {  	[sflag:s0] =	ssyncadd.s32 @!p0 s1  }
0x1f9: {  	[bflag:$0x3] =	sbarrier.arrive $0xFFFF  }
0x1fa: {  	_ =	shalt  }

</sc_bundles>
